<compile_context>
chip_gen: v7x
topology: tpu7x:2x2x1
jax: 0.10.2.dev20260603
libtpu: 0.0.44.dev20260713+nightly
codegen_flags: <defaults>
</compile_context>

<pallas_src>
import functools

import jax
import jax.numpy as jnp
from jax import lax
from jax.experimental import pallas as pl
from jax.experimental.pallas import tpu as pltpu
import jax.experimental.pallas.tpu_sc as plsc

N = 10000
D = 128
R = 8
C = 10
K = int(0.5 * N)

NPAD = 10240
RN = R * N
CH = 128
NW = 32
STRIPE = NPAD // 16
KOUT = K + 8
BLK = 1024
NG = NPAD // BLK
RBLK = 256
NEG = -3.0e38

_F32 = jnp.float32
_I32 = jnp.int32


def _ident(n):
    a = lax.broadcasted_iota(_I32, (n, n), 0)
    b = lax.broadcasted_iota(_I32, (n, n), 1)
    return (a == b).astype(_F32)


def _dot(a, b):
    return lax.dot_general(a, b, (((1,), (0,)), ((), ())),
                           preferred_element_type=_F32)


def _col(identity, row):
    return lax.dot_general(identity, row, (((1,), (1,)), ((), ())),
                           precision=lax.Precision.HIGHEST,
                           preferred_element_type=_F32)


def _gelu(v):
    return v * 0.5 * (1.0 + lax.erf(v / jnp.sqrt(2.0).astype(_F32)))


def _ln(h, g, b):
    mu = jnp.mean(h, axis=-1, keepdims=True)
    var = jnp.mean((h - mu) ** 2, axis=-1, keepdims=True)
    return (h - mu) / jnp.sqrt(var + 1e-5) * g + b



def _table_body(x_ref, w_ref, cw_ref, cb_ref, out_ref):
    xb = x_ref[...]
    conf = jax.nn.sigmoid(_dot(xb, cw_ref[...]) + cb_ref[...])
    out_ref[...] = _dot(xb, w_ref[0]) * conf


def _build_table(x, w, conf_w, conf_b):
    blk = 1000
    nb = N // blk
    return pl.pallas_call(
        _table_body,
        grid=(nb, R),
        in_specs=[
            pl.BlockSpec((blk, D), lambda i, r: (i, 0)),
            pl.BlockSpec((1, D, D), lambda i, r: (r, 0, 0)),
            pl.BlockSpec((D, 1), lambda i, r: (0, 0)),
            pl.BlockSpec((1, 1), lambda i, r: (0, 0)),
        ],
        out_specs=pl.BlockSpec((blk, D), lambda i, r: (r * nb + i, 0)),
        out_shape=jax.ShapeDtypeStruct((RN, D), _F32),
    )(x, w, conf_w, conf_b)



def _edge_pass(table, g2d, d2d, zeros2d, zeros1d, n_chunks):
    mesh = plsc.VectorSubcoreMesh(core_axis_name="c", subcore_axis_name="s")

    @functools.partial(
        pl.kernel,
        out_type=(jax.ShapeDtypeStruct((2, NPAD, D), _F32),
                  jax.ShapeDtypeStruct((2, NPAD), _F32)),
        mesh=mesh,
        scratch_types=[
            pltpu.VMEM((2, 8, CH), _I32),
            pltpu.VMEM((2, 8, CH), _I32),
            pltpu.VMEM((2, CH, D), _F32),
            pltpu.VMEM((CH,), _F32),
            pltpu.VMEM_SHARED((NPAD, D), _F32),
            pltpu.VMEM_SHARED((NPAD,), _F32),
            pltpu.SemaphoreType.DMA,
            pltpu.SemaphoreType.DMA,
            pltpu.SemaphoreType.DMA,
        ],
    )
    def edge_kernel(tab_hbm, g_hbm, d_hbm, z2_hbm, z1_hbm, acc_out, deg_out,
                    gall, dall, rows, ones, acc, acc1, gsem, ssem, osem):
        c = lax.axis_index("c")
        s = lax.axis_index("s")
        wid = s * 2 + c
        for t in range(CH // 16):
            ones[pl.ds(t * 16, 16)] = jnp.ones((16,), _F32)
        pltpu.sync_copy(z2_hbm, acc.at[pl.ds(s * STRIPE, STRIPE)])
        pltpu.sync_copy(z1_hbm, acc1.at[pl.ds(s * STRIPE, STRIPE)])
        plsc.subcore_barrier()

        n_groups = n_chunks // 8

        def body(gi, carry):
            gb = lax.rem(gi, 2)
            row0 = pl.multiple_of(wid * n_chunks + gi * 8, 8)
            pltpu.sync_copy(g_hbm.at[pl.ds(row0, 8)], gall.at[gb])
            pltpu.sync_copy(d_hbm.at[pl.ds(row0, 8)], dall.at[gb])
            pltpu.async_copy(tab_hbm.at[gall.at[gb, 0]], rows.at[0], gsem)
            for k in range(8):
                b = k % 2
                pltpu.make_async_copy(tab_hbm.at[gall.at[gb, k]],
                                      rows.at[b], gsem).wait()
                if k > 0:
                    pltpu.make_async_copy(rows.at[1 - b],
                                          acc.at[dall.at[gb, k - 1]],
                                          ssem).wait()
                    pltpu.make_async_copy(ones, acc1.at[dall.at[gb, k - 1]],
                                          osem).wait()
                if k < 7:
                    pltpu.async_copy(tab_hbm.at[gall.at[gb, k + 1]],
                                     rows.at[1 - b], gsem)
                pltpu.async_copy(rows.at[b], acc.at[dall.at[gb, k]], ssem,
                                 add=True)
                pltpu.async_copy(ones, acc1.at[dall.at[gb, k]], osem,
                                 add=True)
            pltpu.make_async_copy(rows.at[1], acc.at[dall.at[gb, 7]],
                                  ssem).wait()
            pltpu.make_async_copy(ones, acc1.at[dall.at[gb, 7]], osem).wait()
            return carry

        lax.fori_loop(0, n_groups, body, 0)
        plsc.subcore_barrier()
        pltpu.sync_copy(acc.at[pl.ds(s * STRIPE, STRIPE)],
                        acc_out.at[c, pl.ds(s * STRIPE, STRIPE)])
        pltpu.sync_copy(acc1.at[pl.ds(s * STRIPE, STRIPE)],
                        deg_out.at[c, pl.ds(s * STRIPE, STRIPE)])

    return edge_kernel(table, g2d, d2d, zeros2d, zeros1d)



def _l1_body(x_ref, acc_ref, deg_ref, root_ref, rb_ref, pool_ref,
             xl1_ref, srow_ref):
    i = pl.program_id(0)
    ident = _ident(BLK)
    aggs = acc_ref[0] + acc_ref[1]
    degr = deg_ref[0:1, :] + deg_ref[1:2, :]
    deg_col = _col(ident, degr)
    agg = aggs / jnp.maximum(deg_col, 1.0)
    xl1 = jax.nn.relu(_dot(x_ref[...], root_ref[...]) + rb_ref[...] + agg)
    xl1_ref[...] = xl1
    s_col = _dot(xl1, pool_ref[...])
    grow = i * BLK + lax.broadcasted_iota(_I32, (BLK, 1), 0)
    s_col = jnp.where(grow < N, s_col, NEG)
    s_row = lax.dot_general(s_col, ident, (((0,), (0,)), ((), ())),
                            precision=lax.Precision.HIGHEST,
                            preferred_element_type=_F32)
    srow_ref[...] = jnp.broadcast_to(s_row, (8, BLK))


def _l1_scores(x_pad, acc, deg, root, rgcn_b, pn_col):
    return pl.pallas_call(
        _l1_body,
        grid=(NG,),
        in_specs=[
            pl.BlockSpec((BLK, D), lambda i: (i, 0)),
            pl.BlockSpec((2, BLK, D), lambda i: (0, i, 0)),
            pl.BlockSpec((2, BLK), lambda i: (0, i)),
            pl.BlockSpec((D, D), lambda i: (0, 0)),
            pl.BlockSpec((1, D), lambda i: (0, 0)),
            pl.BlockSpec((D, 1), lambda i: (0, 0)),
        ],
        out_specs=[
            pl.BlockSpec((BLK, D), lambda i: (i, 0)),
            pl.BlockSpec((8, BLK), lambda i: (0, i)),
        ],
        out_shape=[
            jax.ShapeDtypeStruct((NPAD, D), _F32),
            jax.ShapeDtypeStruct((8, NPAD), _F32),
        ],
    )(x_pad, acc, deg, root, rgcn_b, pn_col)



def _rank_body(srow_ref, rank_ref, sidx_ref, scol_ref):
    ident = _ident(BLK)
    for cblk in range(NG):
        row = srow_ref[0:1, pl.ds(cblk * BLK, BLK)]
        scol_ref[pl.ds(cblk * BLK, BLK), :] = _col(ident, row)
    riota = lax.broadcasted_iota(_I32, (NPAD, 1), 0)

    def body(b, carry):
        sb = srow_ref[0:1, pl.ds(b * RBLK, RBLK)]
        ciota = b * RBLK + lax.broadcasted_iota(_I32, (1, RBLK), 1)
        scol = scol_ref[...]
        gt = (scol > sb).astype(_F32)
        eq = ((scol == sb) & (riota < ciota)).astype(_F32)
        cnt = (jnp.sum(gt, axis=0, keepdims=True)
               + jnp.sum(eq, axis=0, keepdims=True))
        rank_ref[:, pl.ds(b * RBLK, RBLK)] = jnp.broadcast_to(cnt, (8, RBLK))
        ci = cnt.astype(_I32)
        sidx = jnp.where(ci < K, ci, K + jnp.bitwise_and(ci, 7))
        sidx_ref[:, pl.ds(b * RBLK, RBLK)] = jnp.broadcast_to(sidx, (8, RBLK))
        return carry

    lax.fori_loop(0, NPAD // RBLK, body, 0)


def _ranks(srow):
    return pl.pallas_call(
        _rank_body,
        out_shape=[
            jax.ShapeDtypeStruct((8, NPAD), _F32),
            jax.ShapeDtypeStruct((8, NPAD), _I32),
        ],
        scratch_shapes=[pltpu.VMEM((NPAD, 1), _F32)],
    )(srow)



def _dense_body(xl1_ref, srow_ref, rank_ref,
                l3_ref, upw_ref, upb_ref,
                t1w_ref, t1b_ref, g1_ref, b1_ref,
                t2w_ref, t2b_ref, g2_ref, b2_ref,
                al_ref, be_ref, recw_ref, recb_ref,
                p1w_ref, p1b_ref, p2w_ref, p2b_ref,
                up_ref, ch_ref, rec_ref, csum_ref, closs_ref,
                logits_ref, down_ref):
    i = pl.program_id(0)
    ident = _ident(BLK)
    s_col = _col(ident, srow_ref[0:1, :])
    r_col = _col(ident, rank_ref[0:1, :])
    sel = r_col < float(K)
    xl1 = xl1_ref[...]
    up = xl1 * jnp.tanh(s_col)
    upper_t = _gelu(_ln(_dot(up, t2w_ref[...]) + t2b_ref[...],
                        g2_ref[...], b2_ref[...]))
    down = _dot(l3_ref[...], upw_ref[...]) + upb_ref[...]
    lower_t = _gelu(_ln(_dot(down, t1w_ref[...]) + t1b_ref[...],
                        g1_ref[...], b1_ref[...]))
    a = jax.nn.sigmoid(al_ref[...])
    b = jax.nn.sigmoid(be_ref[...])
    chiral = (a * up + (1.0 - a) * lower_t
              + b * down + (1.0 - b) * upper_t) * 0.5
    rec = _dot(chiral, recw_ref[...]) + recb_ref[...]
    grow = i * BLK + lax.broadcasted_iota(_I32, (BLK, 1), 0)
    rowm = grow < N
    selm = sel & rowm
    xrec = jnp.where(selm, rec, 0.0)
    up_ref[...] = up
    ch_ref[...] = chiral
    rec_ref[...] = xrec
    csum_c = jnp.sum(jnp.where(selm, chiral, 0.0).reshape(BLK // 8, 8, D),
                     axis=0)
    diff = jnp.where(rowm, xrec - xl1, 0.0)
    closs_c = jnp.sum((diff * diff).reshape(BLK // 8, 8, D), axis=0)

    @pl.when(i == 0)
    def _():
        csum_ref[...] = csum_c
        closs_ref[...] = closs_c

    @pl.when(i > 0)
    def _():
        csum_ref[...] += csum_c
        closs_ref[...] += closs_c

    down_ref[...] = down

    @pl.when(i == NG - 1)
    def _():
        xg = jnp.sum(csum_ref[...], axis=0, keepdims=True) / float(K)
        h1 = jax.nn.relu(_dot(xg, p1w_ref[...]) + p1b_ref[...])
        logits_ref[0:1, 0:C] = _dot(h1, p2w_ref[...]) + p2b_ref[...]
        closs_ref[0:1, 0:1] = jnp.sum(closs_ref[...]).reshape(1, 1) / float(N * D)


def _dense(xl1, srow, rankf, p):
    pb = pl.BlockSpec((BLK, D), lambda i: (i, 0))
    prm = lambda shp: pl.BlockSpec(shp, lambda i: tuple(0 for _ in shp))
    acc_spec = pl.BlockSpec((8, D), lambda i: (0, 0))
    return pl.pallas_call(
        _dense_body,
        grid=(NG,),
        in_specs=[
            pb,
            pl.BlockSpec((8, BLK), lambda i: (0, i)),
            pl.BlockSpec((8, BLK), lambda i: (0, i)),
            prm((1, D)), prm((D, D)), prm((1, D)),
            prm((D, D)), prm((1, D)), prm((1, D)), prm((1, D)),
            prm((D, D)), prm((1, D)), prm((1, D)), prm((1, D)),
            prm((1, D)), prm((1, D)), prm((D, D)), prm((1, D)),
            prm((D, D // 2)), prm((1, D // 2)), prm((D // 2, C)), prm((1, C)),
        ],
        out_specs=[
            pb, pb, pb, acc_spec, acc_spec,
            pl.BlockSpec((1, C), lambda i: (0, 0)),
            pl.BlockSpec((1, D), lambda i: (0, 0)),
        ],
        out_shape=[
            jax.ShapeDtypeStruct((NPAD, D), _F32),
            jax.ShapeDtypeStruct((NPAD, D), _F32),
            jax.ShapeDtypeStruct((N, D), _F32),
            jax.ShapeDtypeStruct((8, D), _F32),
            jax.ShapeDtypeStruct((8, D), _F32),
            jax.ShapeDtypeStruct((1, C), _F32),
            jax.ShapeDtypeStruct((1, D), _F32),
        ],
    )(xl1, srow, rankf,
      p['l3_prior'], p['unpool_w'], p['unpool_b'].reshape(1, D),
      p['t1_w'], p['t1_b'].reshape(1, D), p['ln1_g'].reshape(1, D),
      p['ln1_b'].reshape(1, D),
      p['t2_w'], p['t2_b'].reshape(1, D), p['ln2_g'].reshape(1, D),
      p['ln2_b'].reshape(1, D),
      p['alpha'], p['beta'], p['rec_w'], p['rec_b'].reshape(1, D),
      p['p1_w'], p['p1_b'].reshape(1, D // 2), p['p2_w'], p['p2_b'].reshape(1, C))



def _permute(upf, chf, sidx):
    per_w = NPAD // NW
    nj = per_w // 64
    mesh = plsc.VectorSubcoreMesh(core_axis_name="c", subcore_axis_name="s")

    @functools.partial(
        pl.kernel,
        out_type=(jax.ShapeDtypeStruct((KOUT, D), _F32),
                  jax.ShapeDtypeStruct((KOUT, D), _F32)),
        mesh=mesh,
        scratch_types=[
            pltpu.VMEM((nj, 64), _I32),
            pltpu.VMEM((64, D), _F32),
            pltpu.VMEM((64, D), _F32),
        ],
    )
    def perm_kernel(up_hbm, ch_hbm, idx_hbm, upo_hbm, cho_hbm,
                    idxb, rows_u, rows_c):
        c = lax.axis_index("c")
        s = lax.axis_index("s")
        wid = s * 2 + c
        base = wid * per_w
        for j in range(nj):
            pltpu.sync_copy(idx_hbm.at[pl.ds(base + j * 64, 64)], idxb.at[j])
            pltpu.sync_copy(up_hbm.at[pl.ds(base + j * 64, 64)], rows_u)
            pltpu.sync_copy(rows_u, upo_hbm.at[idxb.at[j]])
            pltpu.sync_copy(ch_hbm.at[pl.ds(base + j * 64, 64)], rows_c)
            pltpu.sync_copy(rows_c, cho_hbm.at[idxb.at[j]])

    return perm_kernel(upf, chf, sidx)



def kernel(x, edge_index, edge_type, params):
    p = params
    e = edge_index.shape[1]
    src = edge_index[0].astype(_I32)
    dst = edge_index[1].astype(_I32)
    et = edge_type.astype(_I32)

    w = jnp.einsum('rb,bio->rio', p['comp'], p['basis'])
    table = _build_table(x, w, p['conf_w'], p['conf_b'].reshape(1, 1))

    n_chunks = -(-e // (NW * CH))
    n_chunks = (n_chunks + 7) // 8 * 8
    epad = n_chunks * CH * NW
    pad_ids = jnp.arange(epad - e, dtype=_I32)
    g2d = jnp.concatenate([et * N + src, pad_ids % RN]).reshape(-1, CH)
    d2d = jnp.concatenate([dst, N + pad_ids % (NPAD - N)]).reshape(-1, CH)
    zeros2d = jnp.zeros((STRIPE, D), _F32)
    zeros1d = jnp.zeros((STRIPE,), _F32)
    acc, deg = _edge_pass(table, g2d, d2d, zeros2d, zeros1d, n_chunks)

    x_pad = jnp.pad(x, ((0, NPAD - N), (0, 0)))
    pn = p['pool_p'] / (jnp.linalg.norm(p['pool_p']) + 1e-8)
    xl1, srow = _l1_scores(x_pad, acc, deg, p['root'],
                           p['rgcn_b'].reshape(1, D),
                           pn.reshape(D, 1))
    rankf, sidx8 = _ranks(srow)
    upf, chf, recf, _csum, _closs8, logits, down = _dense(xl1, srow, rankf, p)
    upo, cho = _permute(upf, chf, sidx8[0])

    x_l2_up = upo[:K]
    x_l2_chiral = cho[:K]
    x_l2_down = jnp.broadcast_to(down, (K, D))
    x_l1_rec = recf
    cycle_loss = _closs8[0, 0]
    return (logits, x_l2_up, x_l2_down, x_l2_chiral, x_l1_rec, cycle_loss)

# --- scband reference (transcript-rebuilt; emitter-appended) ---
"""Pipeline reference for scband-minimal-chiral-model-11982958756599 (READ-ONLY COPY).

The authoritative reference and input builder live on the scoring server;
editing this copy changes nothing except your own understanding.
"""

import jax, jax.numpy as jnp
import numpy as np

N = 10000
E = 320000
D = 128
R = 8
NB = 2
C = 10
K = int(0.5 * N)


def _layernorm(h, g, b):
    mu = h.mean(axis=-1, keepdims=True)
    var = h.var(axis=-1, keepdims=True)
    return (h - mu) / jnp.sqrt(var + 1e-5) * g + b


def setup_inputs(seed: int = 0) -> dict:
    key = jax.random.key(seed)
    ks = jax.random.split(key, 32)
    s = 0.05
    x = jax.random.normal(ks[0], (N, D), dtype=jnp.float32)
    edge_index = jax.random.randint(ks[1], (2, E), 0, N, dtype=jnp.int64)
    edge_type = jax.random.randint(ks[2], (E,), 0, R, dtype=jnp.int64)
    params = {
        'basis': jax.random.normal(ks[3], (NB, D, D), dtype=jnp.float32) * s,
        'comp': jax.random.normal(ks[4], (R, NB), dtype=jnp.float32) * s,
        'root': jax.random.normal(ks[5], (D, D), dtype=jnp.float32) * s,
        'rgcn_b': jnp.zeros((D,), jnp.float32),
        'conf_w': jax.random.normal(ks[6], (D, 1), dtype=jnp.float32) * s,
        'conf_b': jnp.zeros((1,), jnp.float32),
        'pool_p': jax.random.normal(ks[7], (D,), dtype=jnp.float32),
        'l3_prior': jax.random.normal(ks[8], (1, D), dtype=jnp.float32),
        'unpool_w': jax.random.normal(ks[9], (D, D), dtype=jnp.float32) * s,
        'unpool_b': jnp.zeros((D,), jnp.float32),
        'alpha': jnp.ones((1, D), jnp.float32) * 0.5,
        'beta': jnp.ones((1, D), jnp.float32) * 0.5,
        't1_w': jax.random.normal(ks[10], (D, D), dtype=jnp.float32) * s,
        't1_b': jnp.zeros((D,), jnp.float32),
        'ln1_g': jnp.ones((D,), jnp.float32),
        'ln1_b': jnp.zeros((D,), jnp.float32),
        't2_w': jax.random.normal(ks[11], (D, D), dtype=jnp.float32) * s,
        't2_b': jnp.zeros((D,), jnp.float32),
        'ln2_g': jnp.ones((D,), jnp.float32),
        'ln2_b': jnp.zeros((D,), jnp.float32),
        'p1_w': jax.random.normal(ks[12], (D, D // 2), dtype=jnp.float32) * s,
        'p1_b': jnp.zeros((D // 2,), jnp.float32),
        'p2_w': jax.random.normal(ks[13], (D // 2, C), dtype=jnp.float32) * s,
        'p2_b': jnp.zeros((C,), jnp.float32),
        'rec_w': jax.random.normal(ks[14], (D, D), dtype=jnp.float32) * s,
        'rec_b': jnp.zeros((D,), jnp.float32),
    }
    return {'x': x, 'edge_index': edge_index, 'edge_type': edge_type, 'params': params}


def reference(x, edge_index, edge_type, params):
    p = params
    src = edge_index[0]
    dst = edge_index[1]
    # --- ConfidenceWeightedRGCN (basis-decomposition RGCN with confidence gate) ---
    W = jnp.einsum('rb,bio->rio', p['comp'], p['basis'])          # [R, D, D]
    xW = jnp.einsum('ni,rio->rno', x, W)                           # [R, N, D]
    conf = jax.nn.sigmoid(x @ p['conf_w'] + p['conf_b'])           # [N, 1]
    msgs = xW[edge_type, src] * conf[src]                          # [E, D] gather
    deg = jax.ops.segment_sum(jnp.ones((E,), jnp.float32), dst, num_segments=N)
    agg = jax.ops.segment_sum(msgs, dst, num_segments=N) / jnp.maximum(deg, 1.0)[:, None]
    x_l1 = jax.nn.relu(x @ p['root'] + p['rgcn_b'] + agg)
    # --- SymmetricGraphPooling.why_operation (top-k score pooling) ---
    pn = p['pool_p'] / (jnp.linalg.norm(p['pool_p']) + 1e-8)
    score = x_l1 @ pn                                              # [N]
    top_scores, perm = jax.lax.top_k(score, K)
    x_l2_up = x_l1[perm] * jnp.tanh(top_scores)[:, None]           # [K, D]
    # --- lower flow: L3 prior -> unpool to L2 ---
    x_l3 = jnp.broadcast_to(p['l3_prior'], (K, D))
    x_l2_down = x_l3 @ p['unpool_w'] + p['unpool_b']
    # --- ChiralHingeExchange (eval mode, dropout = identity) ---
    lower_t = jax.nn.gelu(_layernorm(x_l2_down @ p['t1_w'] + p['t1_b'], p['ln1_g'], p['ln1_b']), approximate=False)
    upper_t = jax.nn.gelu(_layernorm(x_l2_up @ p['t2_w'] + p['t2_b'], p['ln2_g'], p['ln2_b']), approximate=False)
    a = jax.nn.sigmoid(p['alpha'])
    b = jax.nn.sigmoid(p['beta'])
    x_up_ref = a * x_l2_up + (1.0 - a) * lower_t
    x_dn_ref = b * x_l2_down + (1.0 - b) * upper_t
    x_l2_chiral = (x_up_ref + x_dn_ref) / 2.0
    # --- global mean pool (single graph: batch all zeros) ---
    x_graph = jnp.mean(x_l2_chiral, axis=0, keepdims=True)         # [1, D]
    h = jax.nn.relu(x_graph @ p['p1_w'] + p['p1_b'])
    logits = h @ p['p2_w'] + p['p2_b']                             # [1, C]
    # --- cycle reconstruction via scatter-overwrite ---
    rec = x_l2_chiral @ p['rec_w'] + p['rec_b']
    x_l1_rec = jnp.zeros_like(x_l1).at[perm].set(rec)
    cycle_loss = jnp.mean((x_l1_rec - x_l1) ** 2)
    return (logits, x_l2_up, x_l2_down, x_l2_chiral, x_l1_rec, cycle_loss)

if __name__ == "__main__":
    import jax
    _d = setup_inputs()
    print(jax.jit(kernel)(*tuple(_d.values())))

</pallas_src>

<mosaic_0001>
#map = affine_map<(d0, d1) -> (0, 0)>
#map1 = affine_map<(d0, d1) -> (0)>
#map2 = affine_map<(d0, d1) -> (0, 0, 0)>
module attributes {stable_mosaic.version = 14 : i64} {
  func.func @edge_kernel(%arg0: i32, %arg1: i32, %arg2: memref<80000x128xf32, #tpu.memory_space<hbm>>, %arg3: memref<2560x128xi32, #tpu.memory_space<hbm>>, %arg4: memref<2560x128xi32, #tpu.memory_space<hbm>>, %arg5: memref<640x128xf32, #tpu.memory_space<hbm>>, %arg6: memref<640xf32, #tpu.memory_space<hbm>>, %arg7: memref<2x10240x128xf32, #tpu.memory_space<hbm>>, %arg8: memref<2x10240xf32, #tpu.memory_space<hbm>>, %arg9: memref<2x8x128xi32, #tpu.memory_space<vmem>>, %arg10: memref<2x8x128xi32, #tpu.memory_space<vmem>>, %arg11: memref<2x128x128xf32, #tpu.memory_space<vmem>>, %arg12: memref<128xf32, #tpu.memory_space<vmem>>, %arg13: memref<10240x128xf32, #tpu.memory_space<vmem_shared>>, %arg14: memref<10240xf32, #tpu.memory_space<vmem_shared>>, %arg15: memref<!tpu.dma_semaphore, #tpu.memory_space<semaphore_mem>>, %arg16: memref<!tpu.dma_semaphore, #tpu.memory_space<semaphore_mem>>, %arg17: memref<!tpu.dma_semaphore, #tpu.memory_space<semaphore_mem>>) attributes {dimension_semantics = [#tpu.dimension_semantics<core_parallel>, #tpu.dimension_semantics<subcore_parallel>], iteration_bounds = array<i64: 2, 16>, scalar_prefetch = 0 : i64, scratch_operands = 9 : i64, tpu.core_type = #tpu.core_type<sc_vector_subcore>, window_params = [{transform_indices = #map}, {transform_indices = #map}, {transform_indices = #map}, {transform_indices = #map}, {transform_indices = #map1}, {transform_indices = #map2}, {transform_indices = #map}]} {
    %mul3A = arith.constant 2 : i32
    %mul3A_0 = arith.muli %arg1, %mul3A : i32
    %add3A = arith.addi %mul3A_0, %arg0 : i32
    %broadcast_in_dim3A = arith.constant 1.000000e+00 : f32
    %broadcast_in_dim3A_1 = vector.broadcast %broadcast_in_dim3A : f32 to vector<16xf32>
    %swap3A = arith.constant 0 : index
    %swap3A_2 = tpu.vector_load %arg12[%swap3A] {strides = array<i32>} : memref<128xf32, #tpu.memory_space<vmem>>, vector<16xf32>,
    %swap3A_3 = vector.shape_cast %swap3A_2 : vector<16xf32> to vector<16xf32>
    %swap3A_4 = vector.shape_cast %broadcast_in_dim3A_1 : vector<16xf32> to vector<16xf32>
    tpu.vector_store %arg12[%swap3A], %swap3A_4 {strides = array<i32>} : memref<128xf32, #tpu.memory_space<vmem>>, vector<16xf32>,
    %broadcast_in_dim3A_5 = arith.constant 1.000000e+00 : f32
    %broadcast_in_dim3A_6 = vector.broadcast %broadcast_in_dim3A_5 : f32 to vector<16xf32>
    %swap3A_7 = arith.constant 16 : index
    %swap3A_8 = tpu.vector_load %arg12[%swap3A_7] {strides = array<i32>} : memref<128xf32, #tpu.memory_space<vmem>>, vector<16xf32>,
    %swap3A_9 = vector.shape_cast %swap3A_8 : vector<16xf32> to vector<16xf32>
    %swap3A_10 = vector.shape_cast %broadcast_in_dim3A_6 : vector<16xf32> to vector<16xf32>
    tpu.vector_store %arg12[%swap3A_7], %swap3A_10 {strides = array<i32>} : memref<128xf32, #tpu.memory_space<vmem>>, vector<16xf32>,
    %broadcast_in_dim3A_11 = arith.constant 1.000000e+00 : f32
    %broadcast_in_dim3A_12 = vector.broadcast %broadcast_in_dim3A_11 : f32 to vector<16xf32>
    %swap3A_13 = arith.constant 32 : index
    %swap3A_14 = tpu.vector_load %arg12[%swap3A_13] {strides = array<i32>} : memref<128xf32, #tpu.memory_space<vmem>>, vector<16xf32>,
    %swap3A_15 = vector.shape_cast %swap3A_14 : vector<16xf32> to vector<16xf32>
    %swap3A_16 = vector.shape_cast %broadcast_in_dim3A_12 : vector<16xf32> to vector<16xf32>
    tpu.vector_store %arg12[%swap3A_13], %swap3A_16 {strides = array<i32>} : memref<128xf32, #tpu.memory_space<vmem>>, vector<16xf32>,
    %broadcast_in_dim3A_17 = arith.constant 1.000000e+00 : f32
    %broadcast_in_dim3A_18 = vector.broadcast %broadcast_in_dim3A_17 : f32 to vector<16xf32>
    %swap3A_19 = arith.constant 48 : index
    %swap3A_20 = tpu.vector_load %arg12[%swap3A_19] {strides = array<i32>} : memref<128xf32, #tpu.memory_space<vmem>>, vector<16xf32>,
    %swap3A_21 = vector.shape_cast %swap3A_20 : vector<16xf32> to vector<16xf32>
    %swap3A_22 = vector.shape_cast %broadcast_in_dim3A_18 : vector<16xf32> to vector<16xf32>
    tpu.vector_store %arg12[%swap3A_19], %swap3A_22 {strides = array<i32>} : memref<128xf32, #tpu.memory_space<vmem>>, vector<16xf32>,
    %broadcast_in_dim3A_23 = arith.constant 1.000000e+00 : f32
    %broadcast_in_dim3A_24 = vector.broadcast %broadcast_in_dim3A_23 : f32 to vector<16xf32>
    %swap3A_25 = arith.constant 64 : index
    %swap3A_26 = tpu.vector_load %arg12[%swap3A_25] {strides = array<i32>} : memref<128xf32, #tpu.memory_space<vmem>>, vector<16xf32>,
    %swap3A_27 = vector.shape_cast %swap3A_26 : vector<16xf32> to vector<16xf32>
    %swap3A_28 = vector.shape_cast %broadcast_in_dim3A_24 : vector<16xf32> to vector<16xf32>
    tpu.vector_store %arg12[%swap3A_25], %swap3A_28 {strides = array<i32>} : memref<128xf32, #tpu.memory_space<vmem>>, vector<16xf32>,
    %broadcast_in_dim3A_29 = arith.constant 1.000000e+00 : f32
    %broadcast_in_dim3A_30 = vector.broadcast %broadcast_in_dim3A_29 : f32 to vector<16xf32>
    %swap3A_31 = arith.constant 80 : index
    %swap3A_32 = tpu.vector_load %arg12[%swap3A_31] {strides = array<i32>} : memref<128xf32, #tpu.memory_space<vmem>>, vector<16xf32>,
    %swap3A_33 = vector.shape_cast %swap3A_32 : vector<16xf32> to vector<16xf32>
    %swap3A_34 = vector.shape_cast %broadcast_in_dim3A_30 : vector<16xf32> to vector<16xf32>
    tpu.vector_store %arg12[%swap3A_31], %swap3A_34 {strides = array<i32>} : memref<128xf32, #tpu.memory_space<vmem>>, vector<16xf32>,
    %broadcast_in_dim3A_35 = arith.constant 1.000000e+00 : f32
    %broadcast_in_dim3A_36 = vector.broadcast %broadcast_in_dim3A_35 : f32 to vector<16xf32>
    %swap3A_37 = arith.constant 96 : index
    %swap3A_38 = tpu.vector_load %arg12[%swap3A_37] {strides = array<i32>} : memref<128xf32, #tpu.memory_space<vmem>>, vector<16xf32>,
    %swap3A_39 = vector.shape_cast %swap3A_38 : vector<16xf32> to vector<16xf32>
    %swap3A_40 = vector.shape_cast %broadcast_in_dim3A_36 : vector<16xf32> to vector<16xf32>
    tpu.vector_store %arg12[%swap3A_37], %swap3A_40 {strides = array<i32>} : memref<128xf32, #tpu.memory_space<vmem>>, vector<16xf32>,
    %broadcast_in_dim3A_41 = arith.constant 1.000000e+00 : f32
    %broadcast_in_dim3A_42 = vector.broadcast %broadcast_in_dim3A_41 : f32 to vector<16xf32>
    %swap3A_43 = arith.constant 112 : index
    %swap3A_44 = tpu.vector_load %arg12[%swap3A_43] {strides = array<i32>} : memref<128xf32, #tpu.memory_space<vmem>>, vector<16xf32>,
    %swap3A_45 = vector.shape_cast %swap3A_44 : vector<16xf32> to vector<16xf32>
    %swap3A_46 = vector.shape_cast %broadcast_in_dim3A_42 : vector<16xf32> to vector<16xf32>
    tpu.vector_store %arg12[%swap3A_43], %swap3A_46 {strides = array<i32>} : memref<128xf32, #tpu.memory_space<vmem>>, vector<16xf32>,
    %mul3A_47 = arith.constant 640 : i32
    %mul3A_48 = arith.muli %arg1, %mul3A_47 : i32
    "tpu.region"() ({
      %run_scoped3A = tpu.sem_alloc : memref<!tpu.dma_semaphore, #tpu.memory_space<semaphore_mem>>
      %dma_start3A = arith.constant 0 : i32
      %dma_start3A_65 = tpu.memref_slice %arg13[%mul3A_48, %dma_start3A] : memref<10240x128xf32, #tpu.memory_space<vmem_shared>> -> memref<640x128xf32, #tpu.memory_space<vmem_shared>>
      tpu.enqueue_dma source(%arg5 : memref<640x128xf32, #tpu.memory_space<hbm>>) target(%dma_start3A_65 : memref<640x128xf32, #tpu.memory_space<vmem_shared>>) target_semaphore(%run_scoped3A : memref<!tpu.dma_semaphore, #tpu.memory_space<semaphore_mem>>)
      %dma_wait3A = arith.constant 0 : i32
      %dma_wait3A_66 = tpu.memref_slice %arg13[%mul3A_48, %dma_wait3A] : memref<10240x128xf32, #tpu.memory_space<vmem_shared>> -> memref<640x128xf32, #tpu.memory_space<vmem_shared>>
      tpu.wait_dma2 semaphore(%run_scoped3A : memref<!tpu.dma_semaphore, #tpu.memory_space<semaphore_mem>>) src(%arg5 : memref<640x128xf32, #tpu.memory_space<hbm>>) dst(%dma_wait3A_66 : memref<640x128xf32, #tpu.memory_space<vmem_shared>>)
      tpu.yield
    }) : () -> ()
    %mul3A_49 = arith.constant 640 : i32
    %mul3A_50 = arith.muli %arg1, %mul3A_49 : i32
    "tpu.region"() ({
      %run_scoped3A = tpu.sem_alloc : memref<!tpu.dma_semaphore, #tpu.memory_space<semaphore_mem>>
      %dma_start3A = tpu.memref_slice %arg14[%mul3A_50] : memref<10240xf32, #tpu.memory_space<vmem_shared>> -> memref<640xf32, #tpu.memory_space<vmem_shared>>
      tpu.enqueue_dma source(%arg6 : memref<640xf32, #tpu.memory_space<hbm>>) target(%dma_start3A : memref<640xf32, #tpu.memory_space<vmem_shared>>) target_semaphore(%run_scoped3A : memref<!tpu.dma_semaphore, #tpu.memory_space<semaphore_mem>>)
      %dma_wait3A = tpu.memref_slice %arg14[%mul3A_50] : memref<10240xf32, #tpu.memory_space<vmem_shared>> -> memref<640xf32, #tpu.memory_space<vmem_shared>>
      tpu.wait_dma2 semaphore(%run_scoped3A : memref<!tpu.dma_semaphore, #tpu.memory_space<semaphore_mem>>) src(%arg6 : memref<640xf32, #tpu.memory_space<hbm>>) dst(%dma_wait3A : memref<640xf32, #tpu.memory_space<vmem_shared>>)
      tpu.yield
    }) : () -> ()
    %barrier3A = arith.constant 0 : index
    tpu.barrier barrier_id(%barrier3A)
    %scan3A = arith.constant 0 : i32
    %scan3A_51 = arith.constant 0 : i32
    %scan3A_52 = arith.constant 10 : i32
    %scan3A_53 = arith.addi %scan3A_51, %scan3A_52 : i32
    %scan3A_54 = arith.constant 1 : i32
    scf.for %scan3A_65 = %scan3A_51 to %scan3A_53 step %scan3A_54  : i32 {
      %rem3A = arith.constant 2 : i32
      %rem3A_66 = arith.remsi %scan3A_65, %rem3A : i32
      %mul3A_67 = arith.constant 80 : i32
      %mul3A_68 = arith.muli %add3A, %mul3A_67 : i32
      %mul3A_69 = arith.constant 8 : i32
      %mul3A_70 = arith.muli %scan3A_65, %mul3A_69 : i32
      %add3A_71 = arith.addi %mul3A_68, %mul3A_70 : i32
      %multiple_of3A = tpu.assume_multiple %add3A_71, 8 : i32
      "tpu.region"() ({
        %run_scoped3A = tpu.sem_alloc : memref<!tpu.dma_semaphore, #tpu.memory_space<semaphore_mem>>
        %dma_start3A_550 = arith.constant 0 : i32
        %dma_start3A_551 = arith.constant 0 : i32
        %dma_start3A_552 = tpu.memref_slice %arg9[%rem3A_66, %dma_start3A_550, %dma_start3A_551] : memref<2x8x128xi32, #tpu.memory_space<vmem>> -> memref<1x8x128xi32, #tpu.memory_space<vmem>>
        %dma_start3A_553 = tpu.memref_squeeze %dma_start3A_552 : memref<1x8x128xi32, #tpu.memory_space<vmem>> -> memref<8x128xi32, #tpu.memory_space<vmem>>
        %dma_start3A_554 = arith.constant 0 : i32
        %dma_start3A_555 = tpu.memref_slice %arg3[%multiple_of3A, %dma_start3A_554] : memref<2560x128xi32, #tpu.memory_space<hbm>> -> memref<8x128xi32, #tpu.memory_space<hbm>>
        %dma_start3A_556 = arith.constant 0 : i32
        %dma_start3A_557 = arith.constant 0 : i32
        %dma_start3A_558 = tpu.memref_slice %arg9[%rem3A_66, %dma_start3A_556, %dma_start3A_557] : memref<2x8x128xi32, #tpu.memory_space<vmem>> -> memref<1x8x128xi32, #tpu.memory_space<vmem>>
        %dma_start3A_559 = tpu.memref_squeeze %dma_start3A_558 : memref<1x8x128xi32, #tpu.memory_space<vmem>> -> memref<8x128xi32, #tpu.memory_space<vmem>>
        %dma_start3A_560 = arith.constant 0 : i32
        %dma_start3A_561 = tpu.memref_slice %arg3[%multiple_of3A, %dma_start3A_560] : memref<2560x128xi32, #tpu.memory_space<hbm>> -> memref<8x128xi32, #tpu.memory_space<hbm>>
        tpu.enqueue_dma source(%dma_start3A_561 : memref<8x128xi32, #tpu.memory_space<hbm>>) target(%dma_start3A_559 : memref<8x128xi32, #tpu.memory_space<vmem>>) target_semaphore(%run_scoped3A : memref<!tpu.dma_semaphore, #tpu.memory_space<semaphore_mem>>)
        %dma_wait3A_562 = arith.constant 0 : i32
        %dma_wait3A_563 = arith.constant 0 : i32
        %dma_wait3A_564 = tpu.memref_slice %arg9[%rem3A_66, %dma_wait3A_562, %dma_wait3A_563] : memref<2x8x128xi32, #tpu.memory_space<vmem>> -> memref<1x8x128xi32, #tpu.memory_space<vmem>>
        %dma_wait3A_565 = tpu.memref_squeeze %dma_wait3A_564 : memref<1x8x128xi32, #tpu.memory_space<vmem>> -> memref<8x128xi32, #tpu.memory_space<vmem>>
        %dma_wait3A_566 = arith.constant 0 : i32
        %dma_wait3A_567 = tpu.memref_slice %arg3[%multiple_of3A, %dma_wait3A_566] : memref<2560x128xi32, #tpu.memory_space<hbm>> -> memref<8x128xi32, #tpu.memory_space<hbm>>
        %dma_wait3A_568 = arith.constant 0 : i32
        %dma_wait3A_569 = arith.constant 0 : i32
        %dma_wait3A_570 = tpu.memref_slice %arg9[%rem3A_66, %dma_wait3A_568, %dma_wait3A_569] : memref<2x8x128xi32, #tpu.memory_space<vmem>> -> memref<1x8x128xi32, #tpu.memory_space<vmem>>
        %dma_wait3A_571 = tpu.memref_squeeze %dma_wait3A_570 : memref<1x8x128xi32, #tpu.memory_space<vmem>> -> memref<8x128xi32, #tpu.memory_space<vmem>>
        %dma_wait3A_572 = arith.constant 0 : i32
        %dma_wait3A_573 = tpu.memref_slice %arg3[%multiple_of3A, %dma_wait3A_572] : memref<2560x128xi32, #tpu.memory_space<hbm>> -> memref<8x128xi32, #tpu.memory_space<hbm>>
        tpu.wait_dma2 semaphore(%run_scoped3A : memref<!tpu.dma_semaphore, #tpu.memory_space<semaphore_mem>>) src(%dma_wait3A_573 : memref<8x128xi32, #tpu.memory_space<hbm>>) dst(%dma_wait3A_571 : memref<8x128xi32, #tpu.memory_space<vmem>>)
        tpu.yield
      }) : () -> ()
      "tpu.region"() ({
        %run_scoped3A = tpu.sem_alloc : memref<!tpu.dma_semaphore, #tpu.memory_space<semaphore_mem>>
        %dma_start3A_550 = arith.constant 0 : i32
        %dma_start3A_551 = arith.constant 0 : i32
        %dma_start3A_552 = tpu.memref_slice %arg10[%rem3A_66, %dma_start3A_550, %dma_start3A_551] : memref<2x8x128xi32, #tpu.memory_space<vmem>> -> memref<1x8x128xi32, #tpu.memory_space<vmem>>
        %dma_start3A_553 = tpu.memref_squeeze %dma_start3A_552 : memref<1x8x128xi32, #tpu.memory_space<vmem>> -> memref<8x128xi32, #tpu.memory_space<vmem>>
        %dma_start3A_554 = arith.constant 0 : i32
        %dma_start3A_555 = tpu.memref_slice %arg4[%multiple_of3A, %dma_start3A_554] : memref<2560x128xi32, #tpu.memory_space<hbm>> -> memref<8x128xi32, #tpu.memory_space<hbm>>
        %dma_start3A_556 = arith.constant 0 : i32
        %dma_start3A_557 = arith.constant 0 : i32
        %dma_start3A_558 = tpu.memref_slice %arg10[%rem3A_66, %dma_start3A_556, %dma_start3A_557] : memref<2x8x128xi32, #tpu.memory_space<vmem>> -> memref<1x8x128xi32, #tpu.memory_space<vmem>>
        %dma_start3A_559 = tpu.memref_squeeze %dma_start3A_558 : memref<1x8x128xi32, #tpu.memory_space<vmem>> -> memref<8x128xi32, #tpu.memory_space<vmem>>
        %dma_start3A_560 = arith.constant 0 : i32
        %dma_start3A_561 = tpu.memref_slice %arg4[%multiple_of3A, %dma_start3A_560] : memref<2560x128xi32, #tpu.memory_space<hbm>> -> memref<8x128xi32, #tpu.memory_space<hbm>>
        tpu.enqueue_dma source(%dma_start3A_561 : memref<8x128xi32, #tpu.memory_space<hbm>>) target(%dma_start3A_559 : memref<8x128xi32, #tpu.memory_space<vmem>>) target_semaphore(%run_scoped3A : memref<!tpu.dma_semaphore, #tpu.memory_space<semaphore_mem>>)
        %dma_wait3A_562 = arith.constant 0 : i32
        %dma_wait3A_563 = arith.constant 0 : i32
        %dma_wait3A_564 = tpu.memref_slice %arg10[%rem3A_66, %dma_wait3A_562, %dma_wait3A_563] : memref<2x8x128xi32, #tpu.memory_space<vmem>> -> memref<1x8x128xi32, #tpu.memory_space<vmem>>
        %dma_wait3A_565 = tpu.memref_squeeze %dma_wait3A_564 : memref<1x8x128xi32, #tpu.memory_space<vmem>> -> memref<8x128xi32, #tpu.memory_space<vmem>>
        %dma_wait3A_566 = arith.constant 0 : i32
        %dma_wait3A_567 = tpu.memref_slice %arg4[%multiple_of3A, %dma_wait3A_566] : memref<2560x128xi32, #tpu.memory_space<hbm>> -> memref<8x128xi32, #tpu.memory_space<hbm>>
        %dma_wait3A_568 = arith.constant 0 : i32
        %dma_wait3A_569 = arith.constant 0 : i32
        %dma_wait3A_570 = tpu.memref_slice %arg10[%rem3A_66, %dma_wait3A_568, %dma_wait3A_569] : memref<2x8x128xi32, #tpu.memory_space<vmem>> -> memref<1x8x128xi32, #tpu.memory_space<vmem>>
        %dma_wait3A_571 = tpu.memref_squeeze %dma_wait3A_570 : memref<1x8x128xi32, #tpu.memory_space<vmem>> -> memref<8x128xi32, #tpu.memory_space<vmem>>
        %dma_wait3A_572 = arith.constant 0 : i32
        %dma_wait3A_573 = tpu.memref_slice %arg4[%multiple_of3A, %dma_wait3A_572] : memref<2560x128xi32, #tpu.memory_space<hbm>> -> memref<8x128xi32, #tpu.memory_space<hbm>>
        tpu.wait_dma2 semaphore(%run_scoped3A : memref<!tpu.dma_semaphore, #tpu.memory_space<semaphore_mem>>) src(%dma_wait3A_573 : memref<8x128xi32, #tpu.memory_space<hbm>>) dst(%dma_wait3A_571 : memref<8x128xi32, #tpu.memory_space<vmem>>)
        tpu.yield
      }) : () -> ()
      %dma_start3A = arith.constant 0 : i32
      %dma_start3A_72 = arith.constant 0 : i32
      %dma_start3A_73 = arith.constant 0 : i32
      %dma_start3A_74 = arith.constant 0 : i32
      %dma_start3A_75 = tpu.memref_slice %arg11[%dma_start3A_72, %dma_start3A_73, %dma_start3A_74] : memref<2x128x128xf32, #tpu.memory_space<vmem>> -> memref<1x128x128xf32, #tpu.memory_space<vmem>>
      %dma_start3A_76 = tpu.memref_squeeze %dma_start3A_75 : memref<1x128x128xf32, #tpu.memory_space<vmem>> -> memref<128x128xf32, #tpu.memory_space<vmem>>
      %dma_start3A_77 = arith.constant 0 : i32
      %dma_start3A_78 = tpu.memref_slice %arg9[%rem3A_66, %dma_start3A, %dma_start3A_77] : memref<2x8x128xi32, #tpu.memory_space<vmem>> -> memref<1x1x128xi32, #tpu.memory_space<vmem>>
      %dma_start3A_79 = tpu.memref_squeeze %dma_start3A_78 : memref<1x1x128xi32, #tpu.memory_space<vmem>> -> memref<128xi32, #tpu.memory_space<vmem>>
      %dma_start3A_80 = arith.constant 0 : i32
      %dma_start3A_81 = arith.constant 0 : i32
      %dma_start3A_82 = tpu.memref_slice %arg2[%dma_start3A_80, %dma_start3A_81] : memref<80000x128xf32, #tpu.memory_space<hbm>> -> memref<80000x128xf32, #tpu.memory_space<hbm>>
      tpu.enqueue_indirect_dma source(%dma_start3A_82 : memref<80000x128xf32, #tpu.memory_space<hbm>>) target(%dma_start3A_76 : memref<128x128xf32, #tpu.memory_space<vmem>>) offsets(%dma_start3A_79 : memref<128xi32, #tpu.memory_space<vmem>>) semaphore(%arg15 : memref<!tpu.dma_semaphore, #tpu.memory_space<semaphore_mem>>)
      %dma_wait3A = arith.constant 0 : i32
      %dma_wait3A_83 = arith.constant 0 : i32
      %dma_wait3A_84 = arith.constant 0 : i32
      %dma_wait3A_85 = arith.constant 0 : i32
      %dma_wait3A_86 = tpu.memref_slice %arg11[%dma_wait3A_83, %dma_wait3A_84, %dma_wait3A_85] : memref<2x128x128xf32, #tpu.memory_space<vmem>> -> memref<1x128x128xf32, #tpu.memory_space<vmem>>
      %dma_wait3A_87 = tpu.memref_squeeze %dma_wait3A_86 : memref<1x128x128xf32, #tpu.memory_space<vmem>> -> memref<128x128xf32, #tpu.memory_space<vmem>>
      %dma_wait3A_88 = arith.constant 0 : i32
      %dma_wait3A_89 = tpu.memref_slice %arg9[%rem3A_66, %dma_wait3A, %dma_wait3A_88] : memref<2x8x128xi32, #tpu.memory_space<vmem>> -> memref<1x1x128xi32, #tpu.memory_space<vmem>>
      %dma_wait3A_90 = tpu.memref_squeeze %dma_wait3A_89 : memref<1x1x128xi32, #tpu.memory_space<vmem>> -> memref<128xi32, #tpu.memory_space<vmem>>
      %dma_wait3A_91 = arith.constant 0 : i32
      %dma_wait3A_92 = arith.constant 0 : i32
      %dma_wait3A_93 = tpu.memref_slice %arg2[%dma_wait3A_91, %dma_wait3A_92] : memref<80000x128xf32, #tpu.memory_space<hbm>> -> memref<80000x128xf32, #tpu.memory_space<hbm>>
      tpu.wait_indirect_dma semaphore(%arg15 : memref<!tpu.dma_semaphore, #tpu.memory_space<semaphore_mem>>) src(%dma_wait3A_93 : memref<80000x128xf32, #tpu.memory_space<hbm>>) dst(%dma_wait3A_87 : memref<128x128xf32, #tpu.memory_space<vmem>>)
      %dma_start3A_94 = arith.constant 1 : i32
      %dma_start3A_95 = arith.constant 1 : i32
      %dma_start3A_96 = arith.constant 0 : i32
      %dma_start3A_97 = arith.constant 0 : i32
      %dma_start3A_98 = tpu.memref_slice %arg11[%dma_start3A_95, %dma_start3A_96, %dma_start3A_97] : memref<2x128x128xf32, #tpu.memory_space<vmem>> -> memref<1x128x128xf32, #tpu.memory_space<vmem>>
      %dma_start3A_99 = tpu.memref_squeeze %dma_start3A_98 : memref<1x128x128xf32, #tpu.memory_space<vmem>> -> memref<128x128xf32, #tpu.memory_space<vmem>>
      %dma_start3A_100 = arith.constant 0 : i32
      %dma_start3A_101 = tpu.memref_slice %arg9[%rem3A_66, %dma_start3A_94, %dma_start3A_100] : memref<2x8x128xi32, #tpu.memory_space<vmem>> -> memref<1x1x128xi32, #tpu.memory_space<vmem>>
      %dma_start3A_102 = tpu.memref_squeeze %dma_start3A_101 : memref<1x1x128xi32, #tpu.memory_space<vmem>> -> memref<128xi32, #tpu.memory_space<vmem>>
      %dma_start3A_103 = arith.constant 0 : i32
      %dma_start3A_104 = arith.constant 0 : i32
      %dma_start3A_105 = tpu.memref_slice %arg2[%dma_start3A_103, %dma_start3A_104] : memref<80000x128xf32, #tpu.memory_space<hbm>> -> memref<80000x128xf32, #tpu.memory_space<hbm>>
      tpu.enqueue_indirect_dma source(%dma_start3A_105 : memref<80000x128xf32, #tpu.memory_space<hbm>>) target(%dma_start3A_99 : memref<128x128xf32, #tpu.memory_space<vmem>>) offsets(%dma_start3A_102 : memref<128xi32, #tpu.memory_space<vmem>>) semaphore(%arg15 : memref<!tpu.dma_semaphore, #tpu.memory_space<semaphore_mem>>)
      %dma_start3A_106 = arith.constant 0 : i32
      %dma_start3A_107 = arith.constant 0 : i32
      %dma_start3A_108 = arith.constant 0 : i32
      %dma_start3A_109 = arith.constant 0 : i32
      %dma_start3A_110 = tpu.memref_slice %arg11[%dma_start3A_106, %dma_start3A_108, %dma_start3A_109] : memref<2x128x128xf32, #tpu.memory_space<vmem>> -> memref<1x128x128xf32, #tpu.memory_space<vmem>>
      %dma_start3A_111 = tpu.memref_squeeze %dma_start3A_110 : memref<1x128x128xf32, #tpu.memory_space<vmem>> -> memref<128x128xf32, #tpu.memory_space<vmem>>
      %dma_start3A_112 = arith.constant 0 : i32
      %dma_start3A_113 = tpu.memref_slice %arg10[%rem3A_66, %dma_start3A_107, %dma_start3A_112] : memref<2x8x128xi32, #tpu.memory_space<vmem>> -> memref<1x1x128xi32, #tpu.memory_space<vmem>>
      %dma_start3A_114 = tpu.memref_squeeze %dma_start3A_113 : memref<1x1x128xi32, #tpu.memory_space<vmem>> -> memref<128xi32, #tpu.memory_space<vmem>>
      %dma_start3A_115 = arith.constant 0 : i32
      %dma_start3A_116 = arith.constant 0 : i32
      %dma_start3A_117 = tpu.memref_slice %arg13[%dma_start3A_115, %dma_start3A_116] : memref<10240x128xf32, #tpu.memory_space<vmem_shared>> -> memref<10240x128xf32, #tpu.memory_space<vmem_shared>>
      tpu.enqueue_indirect_dma source(%dma_start3A_111 : memref<128x128xf32, #tpu.memory_space<vmem>>) target(%dma_start3A_117 : memref<10240x128xf32, #tpu.memory_space<vmem_shared>>) offsets(%dma_start3A_114 : memref<128xi32, #tpu.memory_space<vmem>>) semaphore(%arg16 : memref<!tpu.dma_semaphore, #tpu.memory_space<semaphore_mem>>) {add = true}
      %dma_start3A_118 = arith.constant 0 : i32
      %dma_start3A_119 = arith.constant 0 : i32
      %dma_start3A_120 = tpu.memref_slice %arg10[%rem3A_66, %dma_start3A_118, %dma_start3A_119] : memref<2x8x128xi32, #tpu.memory_space<vmem>> -> memref<1x1x128xi32, #tpu.memory_space<vmem>>
      %dma_start3A_121 = tpu.memref_squeeze %dma_start3A_120 : memref<1x1x128xi32, #tpu.memory_space<vmem>> -> memref<128xi32, #tpu.memory_space<vmem>>
      %dma_start3A_122 = arith.constant 0 : i32
      %dma_start3A_123 = tpu.memref_slice %arg14[%dma_start3A_122] : memref<10240xf32, #tpu.memory_space<vmem_shared>> -> memref<10240xf32, #tpu.memory_space<vmem_shared>>
      tpu.enqueue_indirect_dma source(%arg12 : memref<128xf32, #tpu.memory_space<vmem>>) target(%dma_start3A_123 : memref<10240xf32, #tpu.memory_space<vmem_shared>>) offsets(%dma_start3A_121 : memref<128xi32, #tpu.memory_space<vmem>>) semaphore(%arg17 : memref<!tpu.dma_semaphore, #tpu.memory_space<semaphore_mem>>) {add = true}
      %dma_wait3A_124 = arith.constant 1 : i32
      %dma_wait3A_125 = arith.constant 1 : i32
      %dma_wait3A_126 = arith.constant 0 : i32
      %dma_wait3A_127 = arith.constant 0 : i32
      %dma_wait3A_128 = tpu.memref_slice %arg11[%dma_wait3A_125, %dma_wait3A_126, %dma_wait3A_127] : memref<2x128x128xf32, #tpu.memory_space<vmem>> -> memref<1x128x128xf32, #tpu.memory_space<vmem>>
      %dma_wait3A_129 = tpu.memref_squeeze %dma_wait3A_128 : memref<1x128x128xf32, #tpu.memory_space<vmem>> -> memref<128x128xf32, #tpu.memory_space<vmem>>
      %dma_wait3A_130 = arith.constant 0 : i32
      %dma_wait3A_131 = tpu.memref_slice %arg9[%rem3A_66, %dma_wait3A_124, %dma_wait3A_130] : memref<2x8x128xi32, #tpu.memory_space<vmem>> -> memref<1x1x128xi32, #tpu.memory_space<vmem>>
      %dma_wait3A_132 = tpu.memref_squeeze %dma_wait3A_131 : memref<1x1x128xi32, #tpu.memory_space<vmem>> -> memref<128xi32, #tpu.memory_space<vmem>>
      %dma_wait3A_133 = arith.constant 0 : i32
      %dma_wait3A_134 = arith.constant 0 : i32
      %dma_wait3A_135 = tpu.memref_slice %arg2[%dma_wait3A_133, %dma_wait3A_134] : memref<80000x128xf32, #tpu.memory_space<hbm>> -> memref<80000x128xf32, #tpu.memory_space<hbm>>
      tpu.wait_indirect_dma semaphore(%arg15 : memref<!tpu.dma_semaphore, #tpu.memory_space<semaphore_mem>>) src(%dma_wait3A_135 : memref<80000x128xf32, #tpu.memory_space<hbm>>) dst(%dma_wait3A_129 : memref<128x128xf32, #tpu.memory_space<vmem>>)
      %dma_wait3A_136 = arith.constant 0 : i32
      %dma_wait3A_137 = arith.constant 0 : i32
      %dma_wait3A_138 = arith.constant 0 : i32
      %dma_wait3A_139 = arith.constant 0 : i32
      %dma_wait3A_140 = tpu.memref_slice %arg11[%dma_wait3A_136, %dma_wait3A_138, %dma_wait3A_139] : memref<2x128x128xf32, #tpu.memory_space<vmem>> -> memref<1x128x128xf32, #tpu.memory_space<vmem>>
      %dma_wait3A_141 = tpu.memref_squeeze %dma_wait3A_140 : memref<1x128x128xf32, #tpu.memory_space<vmem>> -> memref<128x128xf32, #tpu.memory_space<vmem>>
      %dma_wait3A_142 = arith.constant 0 : i32
      %dma_wait3A_143 = tpu.memref_slice %arg10[%rem3A_66, %dma_wait3A_137, %dma_wait3A_142] : memref<2x8x128xi32, #tpu.memory_space<vmem>> -> memref<1x1x128xi32, #tpu.memory_space<vmem>>
      %dma_wait3A_144 = tpu.memref_squeeze %dma_wait3A_143 : memref<1x1x128xi32, #tpu.memory_space<vmem>> -> memref<128xi32, #tpu.memory_space<vmem>>
      %dma_wait3A_145 = arith.constant 0 : i32
      %dma_wait3A_146 = arith.constant 0 : i32
      %dma_wait3A_147 = tpu.memref_slice %arg13[%dma_wait3A_145, %dma_wait3A_146] : memref<10240x128xf32, #tpu.memory_space<vmem_shared>> -> memref<10240x128xf32, #tpu.memory_space<vmem_shared>>
      tpu.wait_indirect_dma semaphore(%arg16 : memref<!tpu.dma_semaphore, #tpu.memory_space<semaphore_mem>>) src(%dma_wait3A_141 : memref<128x128xf32, #tpu.memory_space<vmem>>) dst(%dma_wait3A_147 : memref<10240x128xf32, #tpu.memory_space<vmem_shared>>)
      %dma_wait3A_148 = arith.constant 0 : i32
      %dma_wait3A_149 = arith.constant 0 : i32
      %dma_wait3A_150 = tpu.memref_slice %arg10[%rem3A_66, %dma_wait3A_148, %dma_wait3A_149] : memref<2x8x128xi32, #tpu.memory_space<vmem>> -> memref<1x1x128xi32, #tpu.memory_space<vmem>>
      %dma_wait3A_151 = tpu.memref_squeeze %dma_wait3A_150 : memref<1x1x128xi32, #tpu.memory_space<vmem>> -> memref<128xi32, #tpu.memory_space<vmem>>
      %dma_wait3A_152 = arith.constant 0 : i32
      %dma_wait3A_153 = tpu.memref_slice %arg14[%dma_wait3A_152] : memref<10240xf32, #tpu.memory_space<vmem_shared>> -> memref<10240xf32, #tpu.memory_space<vmem_shared>>
      tpu.wait_indirect_dma semaphore(%arg17 : memref<!tpu.dma_semaphore, #tpu.memory_space<semaphore_mem>>) src(%arg12 : memref<128xf32, #tpu.memory_space<vmem>>) dst(%dma_wait3A_153 : memref<10240xf32, #tpu.memory_space<vmem_shared>>)
      %dma_start3A_154 = arith.constant 2 : i32
      %dma_start3A_155 = arith.constant 0 : i32
      %dma_start3A_156 = arith.constant 0 : i32
      %dma_start3A_157 = arith.constant 0 : i32
      %dma_start3A_158 = tpu.memref_slice %arg11[%dma_start3A_155, %dma_start3A_156, %dma_start3A_157] : memref<2x128x128xf32, #tpu.memory_space<vmem>> -> memref<1x128x128xf32, #tpu.memory_space<vmem>>
      %dma_start3A_159 = tpu.memref_squeeze %dma_start3A_158 : memref<1x128x128xf32, #tpu.memory_space<vmem>> -> memref<128x128xf32, #tpu.memory_space<vmem>>
      %dma_start3A_160 = arith.constant 0 : i32
      %dma_start3A_161 = tpu.memref_slice %arg9[%rem3A_66, %dma_start3A_154, %dma_start3A_160] : memref<2x8x128xi32, #tpu.memory_space<vmem>> -> memref<1x1x128xi32, #tpu.memory_space<vmem>>
      %dma_start3A_162 = tpu.memref_squeeze %dma_start3A_161 : memref<1x1x128xi32, #tpu.memory_space<vmem>> -> memref<128xi32, #tpu.memory_space<vmem>>
      %dma_start3A_163 = arith.constant 0 : i32
      %dma_start3A_164 = arith.constant 0 : i32
      %dma_start3A_165 = tpu.memref_slice %arg2[%dma_start3A_163, %dma_start3A_164] : memref<80000x128xf32, #tpu.memory_space<hbm>> -> memref<80000x128xf32, #tpu.memory_space<hbm>>
      tpu.enqueue_indirect_dma source(%dma_start3A_165 : memref<80000x128xf32, #tpu.memory_space<hbm>>) target(%dma_start3A_159 : memref<128x128xf32, #tpu.memory_space<vmem>>) offsets(%dma_start3A_162 : memref<128xi32, #tpu.memory_space<vmem>>) semaphore(%arg15 : memref<!tpu.dma_semaphore, #tpu.memory_space<semaphore_mem>>)
      %dma_start3A_166 = arith.constant 1 : i32
      %dma_start3A_167 = arith.constant 1 : i32
      %dma_start3A_168 = arith.constant 0 : i32
      %dma_start3A_169 = arith.constant 0 : i32
      %dma_start3A_170 = tpu.memref_slice %arg11[%dma_start3A_166, %dma_start3A_168, %dma_start3A_169] : memref<2x128x128xf32, #tpu.memory_space<vmem>> -> memref<1x128x128xf32, #tpu.memory_space<vmem>>
      %dma_start3A_171 = tpu.memref_squeeze %dma_start3A_170 : memref<1x128x128xf32, #tpu.memory_space<vmem>> -> memref<128x128xf32, #tpu.memory_space<vmem>>
      %dma_start3A_172 = arith.constant 0 : i32
      %dma_start3A_173 = tpu.memref_slice %arg10[%rem3A_66, %dma_start3A_167, %dma_start3A_172] : memref<2x8x128xi32, #tpu.memory_space<vmem>> -> memref<1x1x128xi32, #tpu.memory_space<vmem>>
      %dma_start3A_174 = tpu.memref_squeeze %dma_start3A_173 : memref<1x1x128xi32, #tpu.memory_space<vmem>> -> memref<128xi32, #tpu.memory_space<vmem>>
      %dma_start3A_175 = arith.constant 0 : i32
      %dma_start3A_176 = arith.constant 0 : i32
      %dma_start3A_177 = tpu.memref_slice %arg13[%dma_start3A_175, %dma_start3A_176] : memref<10240x128xf32, #tpu.memory_space<vmem_shared>> -> memref<10240x128xf32, #tpu.memory_space<vmem_shared>>
      tpu.enqueue_indirect_dma source(%dma_start3A_171 : memref<128x128xf32, #tpu.memory_space<vmem>>) target(%dma_start3A_177 : memref<10240x128xf32, #tpu.memory_space<vmem_shared>>) offsets(%dma_start3A_174 : memref<128xi32, #tpu.memory_space<vmem>>) semaphore(%arg16 : memref<!tpu.dma_semaphore, #tpu.memory_space<semaphore_mem>>) {add = true}
      %dma_start3A_178 = arith.constant 1 : i32
      %dma_start3A_179 = arith.constant 0 : i32
      %dma_start3A_180 = tpu.memref_slice %arg10[%rem3A_66, %dma_start3A_178, %dma_start3A_179] : memref<2x8x128xi32, #tpu.memory_space<vmem>> -> memref<1x1x128xi32, #tpu.memory_space<vmem>>
      %dma_start3A_181 = tpu.memref_squeeze %dma_start3A_180 : memref<1x1x128xi32, #tpu.memory_space<vmem>> -> memref<128xi32, #tpu.memory_space<vmem>>
      %dma_start3A_182 = arith.constant 0 : i32
      %dma_start3A_183 = tpu.memref_slice %arg14[%dma_start3A_182] : memref<10240xf32, #tpu.memory_space<vmem_shared>> -> memref<10240xf32, #tpu.memory_space<vmem_shared>>
      tpu.enqueue_indirect_dma source(%arg12 : memref<128xf32, #tpu.memory_space<vmem>>) target(%dma_start3A_183 : memref<10240xf32, #tpu.memory_space<vmem_shared>>) offsets(%dma_start3A_181 : memref<128xi32, #tpu.memory_space<vmem>>) semaphore(%arg17 : memref<!tpu.dma_semaphore, #tpu.memory_space<semaphore_mem>>) {add = true}
      %dma_wait3A_184 = arith.constant 2 : i32
      %dma_wait3A_185 = arith.constant 0 : i32
      %dma_wait3A_186 = arith.constant 0 : i32
      %dma_wait3A_187 = arith.constant 0 : i32
      %dma_wait3A_188 = tpu.memref_slice %arg11[%dma_wait3A_185, %dma_wait3A_186, %dma_wait3A_187] : memref<2x128x128xf32, #tpu.memory_space<vmem>> -> memref<1x128x128xf32, #tpu.memory_space<vmem>>
      %dma_wait3A_189 = tpu.memref_squeeze %dma_wait3A_188 : memref<1x128x128xf32, #tpu.memory_space<vmem>> -> memref<128x128xf32, #tpu.memory_space<vmem>>
      %dma_wait3A_190 = arith.constant 0 : i32
      %dma_wait3A_191 = tpu.memref_slice %arg9[%rem3A_66, %dma_wait3A_184, %dma_wait3A_190] : memref<2x8x128xi32, #tpu.memory_space<vmem>> -> memref<1x1x128xi32, #tpu.memory_space<vmem>>
      %dma_wait3A_192 = tpu.memref_squeeze %dma_wait3A_191 : memref<1x1x128xi32, #tpu.memory_space<vmem>> -> memref<128xi32, #tpu.memory_space<vmem>>
      %dma_wait3A_193 = arith.constant 0 : i32
      %dma_wait3A_194 = arith.constant 0 : i32
      %dma_wait3A_195 = tpu.memref_slice %arg2[%dma_wait3A_193, %dma_wait3A_194] : memref<80000x128xf32, #tpu.memory_space<hbm>> -> memref<80000x128xf32, #tpu.memory_space<hbm>>
      tpu.wait_indirect_dma semaphore(%arg15 : memref<!tpu.dma_semaphore, #tpu.memory_space<semaphore_mem>>) src(%dma_wait3A_195 : memref<80000x128xf32, #tpu.memory_space<hbm>>) dst(%dma_wait3A_189 : memref<128x128xf32, #tpu.memory_space<vmem>>)
      %dma_wait3A_196 = arith.constant 1 : i32
      %dma_wait3A_197 = arith.constant 1 : i32
      %dma_wait3A_198 = arith.constant 0 : i32
      %dma_wait3A_199 = arith.constant 0 : i32
      %dma_wait3A_200 = tpu.memref_slice %arg11[%dma_wait3A_196, %dma_wait3A_198, %dma_wait3A_199] : memref<2x128x128xf32, #tpu.memory_space<vmem>> -> memref<1x128x128xf32, #tpu.memory_space<vmem>>
      %dma_wait3A_201 = tpu.memref_squeeze %dma_wait3A_200 : memref<1x128x128xf32, #tpu.memory_space<vmem>> -> memref<128x128xf32, #tpu.memory_space<vmem>>
      %dma_wait3A_202 = arith.constant 0 : i32
      %dma_wait3A_203 = tpu.memref_slice %arg10[%rem3A_66, %dma_wait3A_197, %dma_wait3A_202] : memref<2x8x128xi32, #tpu.memory_space<vmem>> -> memref<1x1x128xi32, #tpu.memory_space<vmem>>
      %dma_wait3A_204 = tpu.memref_squeeze %dma_wait3A_203 : memref<1x1x128xi32, #tpu.memory_space<vmem>> -> memref<128xi32, #tpu.memory_space<vmem>>
      %dma_wait3A_205 = arith.constant 0 : i32
      %dma_wait3A_206 = arith.constant 0 : i32
      %dma_wait3A_207 = tpu.memref_slice %arg13[%dma_wait3A_205, %dma_wait3A_206] : memref<10240x128xf32, #tpu.memory_space<vmem_shared>> -> memref<10240x128xf32, #tpu.memory_space<vmem_shared>>
      tpu.wait_indirect_dma semaphore(%arg16 : memref<!tpu.dma_semaphore, #tpu.memory_space<semaphore_mem>>) src(%dma_wait3A_201 : memref<128x128xf32, #tpu.memory_space<vmem>>) dst(%dma_wait3A_207 : memref<10240x128xf32, #tpu.memory_space<vmem_shared>>)
      %dma_wait3A_208 = arith.constant 1 : i32
      %dma_wait3A_209 = arith.constant 0 : i32
      %dma_wait3A_210 = tpu.memref_slice %arg10[%rem3A_66, %dma_wait3A_208, %dma_wait3A_209] : memref<2x8x128xi32, #tpu.memory_space<vmem>> -> memref<1x1x128xi32, #tpu.memory_space<vmem>>
      %dma_wait3A_211 = tpu.memref_squeeze %dma_wait3A_210 : memref<1x1x128xi32, #tpu.memory_space<vmem>> -> memref<128xi32, #tpu.memory_space<vmem>>
      %dma_wait3A_212 = arith.constant 0 : i32
      %dma_wait3A_213 = tpu.memref_slice %arg14[%dma_wait3A_212] : memref<10240xf32, #tpu.memory_space<vmem_shared>> -> memref<10240xf32, #tpu.memory_space<vmem_shared>>
      tpu.wait_indirect_dma semaphore(%arg17 : memref<!tpu.dma_semaphore, #tpu.memory_space<semaphore_mem>>) src(%arg12 : memref<128xf32, #tpu.memory_space<vmem>>) dst(%dma_wait3A_213 : memref<10240xf32, #tpu.memory_space<vmem_shared>>)
      %dma_start3A_214 = arith.constant 3 : i32
      %dma_start3A_215 = arith.constant 1 : i32
      %dma_start3A_216 = arith.constant 0 : i32
      %dma_start3A_217 = arith.constant 0 : i32
      %dma_start3A_218 = tpu.memref_slice %arg11[%dma_start3A_215, %dma_start3A_216, %dma_start3A_217] : memref<2x128x128xf32, #tpu.memory_space<vmem>> -> memref<1x128x128xf32, #tpu.memory_space<vmem>>
      %dma_start3A_219 = tpu.memref_squeeze %dma_start3A_218 : memref<1x128x128xf32, #tpu.memory_space<vmem>> -> memref<128x128xf32, #tpu.memory_space<vmem>>
      %dma_start3A_220 = arith.constant 0 : i32
      %dma_start3A_221 = tpu.memref_slice %arg9[%rem3A_66, %dma_start3A_214, %dma_start3A_220] : memref<2x8x128xi32, #tpu.memory_space<vmem>> -> memref<1x1x128xi32, #tpu.memory_space<vmem>>
      %dma_start3A_222 = tpu.memref_squeeze %dma_start3A_221 : memref<1x1x128xi32, #tpu.memory_space<vmem>> -> memref<128xi32, #tpu.memory_space<vmem>>
      %dma_start3A_223 = arith.constant 0 : i32
      %dma_start3A_224 = arith.constant 0 : i32
      %dma_start3A_225 = tpu.memref_slice %arg2[%dma_start3A_223, %dma_start3A_224] : memref<80000x128xf32, #tpu.memory_space<hbm>> -> memref<80000x128xf32, #tpu.memory_space<hbm>>
      tpu.enqueue_indirect_dma source(%dma_start3A_225 : memref<80000x128xf32, #tpu.memory_space<hbm>>) target(%dma_start3A_219 : memref<128x128xf32, #tpu.memory_space<vmem>>) offsets(%dma_start3A_222 : memref<128xi32, #tpu.memory_space<vmem>>) semaphore(%arg15 : memref<!tpu.dma_semaphore, #tpu.memory_space<semaphore_mem>>)
      %dma_start3A_226 = arith.constant 0 : i32
      %dma_start3A_227 = arith.constant 2 : i32
      %dma_start3A_228 = arith.constant 0 : i32
      %dma_start3A_229 = arith.constant 0 : i32
      %dma_start3A_230 = tpu.memref_slice %arg11[%dma_start3A_226, %dma_start3A_228, %dma_start3A_229] : memref<2x128x128xf32, #tpu.memory_space<vmem>> -> memref<1x128x128xf32, #tpu.memory_space<vmem>>
      %dma_start3A_231 = tpu.memref_squeeze %dma_start3A_230 : memref<1x128x128xf32, #tpu.memory_space<vmem>> -> memref<128x128xf32, #tpu.memory_space<vmem>>
      %dma_start3A_232 = arith.constant 0 : i32
      %dma_start3A_233 = tpu.memref_slice %arg10[%rem3A_66, %dma_start3A_227, %dma_start3A_232] : memref<2x8x128xi32, #tpu.memory_space<vmem>> -> memref<1x1x128xi32, #tpu.memory_space<vmem>>
      %dma_start3A_234 = tpu.memref_squeeze %dma_start3A_233 : memref<1x1x128xi32, #tpu.memory_space<vmem>> -> memref<128xi32, #tpu.memory_space<vmem>>
      %dma_start3A_235 = arith.constant 0 : i32
      %dma_start3A_236 = arith.constant 0 : i32
      %dma_start3A_237 = tpu.memref_slice %arg13[%dma_start3A_235, %dma_start3A_236] : memref<10240x128xf32, #tpu.memory_space<vmem_shared>> -> memref<10240x128xf32, #tpu.memory_space<vmem_shared>>
      tpu.enqueue_indirect_dma source(%dma_start3A_231 : memref<128x128xf32, #tpu.memory_space<vmem>>) target(%dma_start3A_237 : memref<10240x128xf32, #tpu.memory_space<vmem_shared>>) offsets(%dma_start3A_234 : memref<128xi32, #tpu.memory_space<vmem>>) semaphore(%arg16 : memref<!tpu.dma_semaphore, #tpu.memory_space<semaphore_mem>>) {add = true}
      %dma_start3A_238 = arith.constant 2 : i32
      %dma_start3A_239 = arith.constant 0 : i32
      %dma_start3A_240 = tpu.memref_slice %arg10[%rem3A_66, %dma_start3A_238, %dma_start3A_239] : memref<2x8x128xi32, #tpu.memory_space<vmem>> -> memref<1x1x128xi32, #tpu.memory_space<vmem>>
      %dma_start3A_241 = tpu.memref_squeeze %dma_start3A_240 : memref<1x1x128xi32, #tpu.memory_space<vmem>> -> memref<128xi32, #tpu.memory_space<vmem>>
      %dma_start3A_242 = arith.constant 0 : i32
      %dma_start3A_243 = tpu.memref_slice %arg14[%dma_start3A_242] : memref<10240xf32, #tpu.memory_space<vmem_shared>> -> memref<10240xf32, #tpu.memory_space<vmem_shared>>
      tpu.enqueue_indirect_dma source(%arg12 : memref<128xf32, #tpu.memory_space<vmem>>) target(%dma_start3A_243 : memref<10240xf32, #tpu.memory_space<vmem_shared>>) offsets(%dma_start3A_241 : memref<128xi32, #tpu.memory_space<vmem>>) semaphore(%arg17 : memref<!tpu.dma_semaphore, #tpu.memory_space<semaphore_mem>>) {add = true}
      %dma_wait3A_244 = arith.constant 3 : i32
      %dma_wait3A_245 = arith.constant 1 : i32
      %dma_wait3A_246 = arith.constant 0 : i32
      %dma_wait3A_247 = arith.constant 0 : i32
      %dma_wait3A_248 = tpu.memref_slice %arg11[%dma_wait3A_245, %dma_wait3A_246, %dma_wait3A_247] : memref<2x128x128xf32, #tpu.memory_space<vmem>> -> memref<1x128x128xf32, #tpu.memory_space<vmem>>
      %dma_wait3A_249 = tpu.memref_squeeze %dma_wait3A_248 : memref<1x128x128xf32, #tpu.memory_space<vmem>> -> memref<128x128xf32, #tpu.memory_space<vmem>>
      %dma_wait3A_250 = arith.constant 0 : i32
      %dma_wait3A_251 = tpu.memref_slice %arg9[%rem3A_66, %dma_wait3A_244, %dma_wait3A_250] : memref<2x8x128xi32, #tpu.memory_space<vmem>> -> memref<1x1x128xi32, #tpu.memory_space<vmem>>
      %dma_wait3A_252 = tpu.memref_squeeze %dma_wait3A_251 : memref<1x1x128xi32, #tpu.memory_space<vmem>> -> memref<128xi32, #tpu.memory_space<vmem>>
      %dma_wait3A_253 = arith.constant 0 : i32
      %dma_wait3A_254 = arith.constant 0 : i32
      %dma_wait3A_255 = tpu.memref_slice %arg2[%dma_wait3A_253, %dma_wait3A_254] : memref<80000x128xf32, #tpu.memory_space<hbm>> -> memref<80000x128xf32, #tpu.memory_space<hbm>>
      tpu.wait_indirect_dma semaphore(%arg15 : memref<!tpu.dma_semaphore, #tpu.memory_space<semaphore_mem>>) src(%dma_wait3A_255 : memref<80000x128xf32, #tpu.memory_space<hbm>>) dst(%dma_wait3A_249 : memref<128x128xf32, #tpu.memory_space<vmem>>)
      %dma_wait3A_256 = arith.constant 0 : i32
      %dma_wait3A_257 = arith.constant 2 : i32
      %dma_wait3A_258 = arith.constant 0 : i32
      %dma_wait3A_259 = arith.constant 0 : i32
      %dma_wait3A_260 = tpu.memref_slice %arg11[%dma_wait3A_256, %dma_wait3A_258, %dma_wait3A_259] : memref<2x128x128xf32, #tpu.memory_space<vmem>> -> memref<1x128x128xf32, #tpu.memory_space<vmem>>
      %dma_wait3A_261 = tpu.memref_squeeze %dma_wait3A_260 : memref<1x128x128xf32, #tpu.memory_space<vmem>> -> memref<128x128xf32, #tpu.memory_space<vmem>>
      %dma_wait3A_262 = arith.constant 0 : i32
      %dma_wait3A_263 = tpu.memref_slice %arg10[%rem3A_66, %dma_wait3A_257, %dma_wait3A_262] : memref<2x8x128xi32, #tpu.memory_space<vmem>> -> memref<1x1x128xi32, #tpu.memory_space<vmem>>
      %dma_wait3A_264 = tpu.memref_squeeze %dma_wait3A_263 : memref<1x1x128xi32, #tpu.memory_space<vmem>> -> memref<128xi32, #tpu.memory_space<vmem>>
      %dma_wait3A_265 = arith.constant 0 : i32
      %dma_wait3A_266 = arith.constant 0 : i32
      %dma_wait3A_267 = tpu.memref_slice %arg13[%dma_wait3A_265, %dma_wait3A_266] : memref<10240x128xf32, #tpu.memory_space<vmem_shared>> -> memref<10240x128xf32, #tpu.memory_space<vmem_shared>>
      tpu.wait_indirect_dma semaphore(%arg16 : memref<!tpu.dma_semaphore, #tpu.memory_space<semaphore_mem>>) src(%dma_wait3A_261 : memref<128x128xf32, #tpu.memory_space<vmem>>) dst(%dma_wait3A_267 : memref<10240x128xf32, #tpu.memory_space<vmem_shared>>)
      %dma_wait3A_268 = arith.constant 2 : i32
      %dma_wait3A_269 = arith.constant 0 : i32
      %dma_wait3A_270 = tpu.memref_slice %arg10[%rem3A_66, %dma_wait3A_268, %dma_wait3A_269] : memref<2x8x128xi32, #tpu.memory_space<vmem>> -> memref<1x1x128xi32, #tpu.memory_space<vmem>>
      %dma_wait3A_271 = tpu.memref_squeeze %dma_wait3A_270 : memref<1x1x128xi32, #tpu.memory_space<vmem>> -> memref<128xi32, #tpu.memory_space<vmem>>
      %dma_wait3A_272 = arith.constant 0 : i32
      %dma_wait3A_273 = tpu.memref_slice %arg14[%dma_wait3A_272] : memref<10240xf32, #tpu.memory_space<vmem_shared>> -> memref<10240xf32, #tpu.memory_space<vmem_shared>>
      tpu.wait_indirect_dma semaphore(%arg17 : memref<!tpu.dma_semaphore, #tpu.memory_space<semaphore_mem>>) src(%arg12 : memref<128xf32, #tpu.memory_space<vmem>>) dst(%dma_wait3A_273 : memref<10240xf32, #tpu.memory_space<vmem_shared>>)
      %dma_start3A_274 = arith.constant 4 : i32
      %dma_start3A_275 = arith.constant 0 : i32
      %dma_start3A_276 = arith.constant 0 : i32
      %dma_start3A_277 = arith.constant 0 : i32
      %dma_start3A_278 = tpu.memref_slice %arg11[%dma_start3A_275, %dma_start3A_276, %dma_start3A_277] : memref<2x128x128xf32, #tpu.memory_space<vmem>> -> memref<1x128x128xf32, #tpu.memory_space<vmem>>
      %dma_start3A_279 = tpu.memref_squeeze %dma_start3A_278 : memref<1x128x128xf32, #tpu.memory_space<vmem>> -> memref<128x128xf32, #tpu.memory_space<vmem>>
      %dma_start3A_280 = arith.constant 0 : i32
      %dma_start3A_281 = tpu.memref_slice %arg9[%rem3A_66, %dma_start3A_274, %dma_start3A_280] : memref<2x8x128xi32, #tpu.memory_space<vmem>> -> memref<1x1x128xi32, #tpu.memory_space<vmem>>
      %dma_start3A_282 = tpu.memref_squeeze %dma_start3A_281 : memref<1x1x128xi32, #tpu.memory_space<vmem>> -> memref<128xi32, #tpu.memory_space<vmem>>
      %dma_start3A_283 = arith.constant 0 : i32
      %dma_start3A_284 = arith.constant 0 : i32
      %dma_start3A_285 = tpu.memref_slice %arg2[%dma_start3A_283, %dma_start3A_284] : memref<80000x128xf32, #tpu.memory_space<hbm>> -> memref<80000x128xf32, #tpu.memory_space<hbm>>
      tpu.enqueue_indirect_dma source(%dma_start3A_285 : memref<80000x128xf32, #tpu.memory_space<hbm>>) target(%dma_start3A_279 : memref<128x128xf32, #tpu.memory_space<vmem>>) offsets(%dma_start3A_282 : memref<128xi32, #tpu.memory_space<vmem>>) semaphore(%arg15 : memref<!tpu.dma_semaphore, #tpu.memory_space<semaphore_mem>>)
      %dma_start3A_286 = arith.constant 1 : i32
      %dma_start3A_287 = arith.constant 3 : i32
      %dma_start3A_288 = arith.constant 0 : i32
      %dma_start3A_289 = arith.constant 0 : i32
      %dma_start3A_290 = tpu.memref_slice %arg11[%dma_start3A_286, %dma_start3A_288, %dma_start3A_289] : memref<2x128x128xf32, #tpu.memory_space<vmem>> -> memref<1x128x128xf32, #tpu.memory_space<vmem>>
      %dma_start3A_291 = tpu.memref_squeeze %dma_start3A_290 : memref<1x128x128xf32, #tpu.memory_space<vmem>> -> memref<128x128xf32, #tpu.memory_space<vmem>>
      %dma_start3A_292 = arith.constant 0 : i32
      %dma_start3A_293 = tpu.memref_slice %arg10[%rem3A_66, %dma_start3A_287, %dma_start3A_292] : memref<2x8x128xi32, #tpu.memory_space<vmem>> -> memref<1x1x128xi32, #tpu.memory_space<vmem>>
      %dma_start3A_294 = tpu.memref_squeeze %dma_start3A_293 : memref<1x1x128xi32, #tpu.memory_space<vmem>> -> memref<128xi32, #tpu.memory_space<vmem>>
      %dma_start3A_295 = arith.constant 0 : i32
      %dma_start3A_296 = arith.constant 0 : i32
      %dma_start3A_297 = tpu.memref_slice %arg13[%dma_start3A_295, %dma_start3A_296] : memref<10240x128xf32, #tpu.memory_space<vmem_shared>> -> memref<10240x128xf32, #tpu.memory_space<vmem_shared>>
      tpu.enqueue_indirect_dma source(%dma_start3A_291 : memref<128x128xf32, #tpu.memory_space<vmem>>) target(%dma_start3A_297 : memref<10240x128xf32, #tpu.memory_space<vmem_shared>>) offsets(%dma_start3A_294 : memref<128xi32, #tpu.memory_space<vmem>>) semaphore(%arg16 : memref<!tpu.dma_semaphore, #tpu.memory_space<semaphore_mem>>) {add = true}
      %dma_start3A_298 = arith.constant 3 : i32
      %dma_start3A_299 = arith.constant 0 : i32
      %dma_start3A_300 = tpu.memref_slice %arg10[%rem3A_66, %dma_start3A_298, %dma_start3A_299] : memref<2x8x128xi32, #tpu.memory_space<vmem>> -> memref<1x1x128xi32, #tpu.memory_space<vmem>>
      %dma_start3A_301 = tpu.memref_squeeze %dma_start3A_300 : memref<1x1x128xi32, #tpu.memory_space<vmem>> -> memref<128xi32, #tpu.memory_space<vmem>>
      %dma_start3A_302 = arith.constant 0 : i32
      %dma_start3A_303 = tpu.memref_slice %arg14[%dma_start3A_302] : memref<10240xf32, #tpu.memory_space<vmem_shared>> -> memref<10240xf32, #tpu.memory_space<vmem_shared>>
      tpu.enqueue_indirect_dma source(%arg12 : memref<128xf32, #tpu.memory_space<vmem>>) target(%dma_start3A_303 : memref<10240xf32, #tpu.memory_space<vmem_shared>>) offsets(%dma_start3A_301 : memref<128xi32, #tpu.memory_space<vmem>>) semaphore(%arg17 : memref<!tpu.dma_semaphore, #tpu.memory_space<semaphore_mem>>) {add = true}
      %dma_wait3A_304 = arith.constant 4 : i32
      %dma_wait3A_305 = arith.constant 0 : i32
      %dma_wait3A_306 = arith.constant 0 : i32
      %dma_wait3A_307 = arith.constant 0 : i32
      %dma_wait3A_308 = tpu.memref_slice %arg11[%dma_wait3A_305, %dma_wait3A_306, %dma_wait3A_307] : memref<2x128x128xf32, #tpu.memory_space<vmem>> -> memref<1x128x128xf32, #tpu.memory_space<vmem>>
      %dma_wait3A_309 = tpu.memref_squeeze %dma_wait3A_308 : memref<1x128x128xf32, #tpu.memory_space<vmem>> -> memref<128x128xf32, #tpu.memory_space<vmem>>
      %dma_wait3A_310 = arith.constant 0 : i32
      %dma_wait3A_311 = tpu.memref_slice %arg9[%rem3A_66, %dma_wait3A_304, %dma_wait3A_310] : memref<2x8x128xi32, #tpu.memory_space<vmem>> -> memref<1x1x128xi32, #tpu.memory_space<vmem>>
      %dma_wait3A_312 = tpu.memref_squeeze %dma_wait3A_311 : memref<1x1x128xi32, #tpu.memory_space<vmem>> -> memref<128xi32, #tpu.memory_space<vmem>>
      %dma_wait3A_313 = arith.constant 0 : i32
      %dma_wait3A_314 = arith.constant 0 : i32
      %dma_wait3A_315 = tpu.memref_slice %arg2[%dma_wait3A_313, %dma_wait3A_314] : memref<80000x128xf32, #tpu.memory_space<hbm>> -> memref<80000x128xf32, #tpu.memory_space<hbm>>
      tpu.wait_indirect_dma semaphore(%arg15 : memref<!tpu.dma_semaphore, #tpu.memory_space<semaphore_mem>>) src(%dma_wait3A_315 : memref<80000x128xf32, #tpu.memory_space<hbm>>) dst(%dma_wait3A_309 : memref<128x128xf32, #tpu.memory_space<vmem>>)
      %dma_wait3A_316 = arith.constant 1 : i32
      %dma_wait3A_317 = arith.constant 3 : i32
      %dma_wait3A_318 = arith.constant 0 : i32
      %dma_wait3A_319 = arith.constant 0 : i32
      %dma_wait3A_320 = tpu.memref_slice %arg11[%dma_wait3A_316, %dma_wait3A_318, %dma_wait3A_319] : memref<2x128x128xf32, #tpu.memory_space<vmem>> -> memref<1x128x128xf32, #tpu.memory_space<vmem>>
      %dma_wait3A_321 = tpu.memref_squeeze %dma_wait3A_320 : memref<1x128x128xf32, #tpu.memory_space<vmem>> -> memref<128x128xf32, #tpu.memory_space<vmem>>
      %dma_wait3A_322 = arith.constant 0 : i32
      %dma_wait3A_323 = tpu.memref_slice %arg10[%rem3A_66, %dma_wait3A_317, %dma_wait3A_322] : memref<2x8x128xi32, #tpu.memory_space<vmem>> -> memref<1x1x128xi32, #tpu.memory_space<vmem>>
      %dma_wait3A_324 = tpu.memref_squeeze %dma_wait3A_323 : memref<1x1x128xi32, #tpu.memory_space<vmem>> -> memref<128xi32, #tpu.memory_space<vmem>>
      %dma_wait3A_325 = arith.constant 0 : i32
      %dma_wait3A_326 = arith.constant 0 : i32
      %dma_wait3A_327 = tpu.memref_slice %arg13[%dma_wait3A_325, %dma_wait3A_326] : memref<10240x128xf32, #tpu.memory_space<vmem_shared>> -> memref<10240x128xf32, #tpu.memory_space<vmem_shared>>
      tpu.wait_indirect_dma semaphore(%arg16 : memref<!tpu.dma_semaphore, #tpu.memory_space<semaphore_mem>>) src(%dma_wait3A_321 : memref<128x128xf32, #tpu.memory_space<vmem>>) dst(%dma_wait3A_327 : memref<10240x128xf32, #tpu.memory_space<vmem_shared>>)
      %dma_wait3A_328 = arith.constant 3 : i32
      %dma_wait3A_329 = arith.constant 0 : i32
      %dma_wait3A_330 = tpu.memref_slice %arg10[%rem3A_66, %dma_wait3A_328, %dma_wait3A_329] : memref<2x8x128xi32, #tpu.memory_space<vmem>> -> memref<1x1x128xi32, #tpu.memory_space<vmem>>
      %dma_wait3A_331 = tpu.memref_squeeze %dma_wait3A_330 : memref<1x1x128xi32, #tpu.memory_space<vmem>> -> memref<128xi32, #tpu.memory_space<vmem>>
      %dma_wait3A_332 = arith.constant 0 : i32
      %dma_wait3A_333 = tpu.memref_slice %arg14[%dma_wait3A_332] : memref<10240xf32, #tpu.memory_space<vmem_shared>> -> memref<10240xf32, #tpu.memory_space<vmem_shared>>
      tpu.wait_indirect_dma semaphore(%arg17 : memref<!tpu.dma_semaphore, #tpu.memory_space<semaphore_mem>>) src(%arg12 : memref<128xf32, #tpu.memory_space<vmem>>) dst(%dma_wait3A_333 : memref<10240xf32, #tpu.memory_space<vmem_shared>>)
      %dma_start3A_334 = arith.constant 5 : i32
      %dma_start3A_335 = arith.constant 1 : i32
      %dma_start3A_336 = arith.constant 0 : i32
      %dma_start3A_337 = arith.constant 0 : i32
      %dma_start3A_338 = tpu.memref_slice %arg11[%dma_start3A_335, %dma_start3A_336, %dma_start3A_337] : memref<2x128x128xf32, #tpu.memory_space<vmem>> -> memref<1x128x128xf32, #tpu.memory_space<vmem>>
      %dma_start3A_339 = tpu.memref_squeeze %dma_start3A_338 : memref<1x128x128xf32, #tpu.memory_space<vmem>> -> memref<128x128xf32, #tpu.memory_space<vmem>>
      %dma_start3A_340 = arith.constant 0 : i32
      %dma_start3A_341 = tpu.memref_slice %arg9[%rem3A_66, %dma_start3A_334, %dma_start3A_340] : memref<2x8x128xi32, #tpu.memory_space<vmem>> -> memref<1x1x128xi32, #tpu.memory_space<vmem>>
      %dma_start3A_342 = tpu.memref_squeeze %dma_start3A_341 : memref<1x1x128xi32, #tpu.memory_space<vmem>> -> memref<128xi32, #tpu.memory_space<vmem>>
      %dma_start3A_343 = arith.constant 0 : i32
      %dma_start3A_344 = arith.constant 0 : i32
      %dma_start3A_345 = tpu.memref_slice %arg2[%dma_start3A_343, %dma_start3A_344] : memref<80000x128xf32, #tpu.memory_space<hbm>> -> memref<80000x128xf32, #tpu.memory_space<hbm>>
      tpu.enqueue_indirect_dma source(%dma_start3A_345 : memref<80000x128xf32, #tpu.memory_space<hbm>>) target(%dma_start3A_339 : memref<128x128xf32, #tpu.memory_space<vmem>>) offsets(%dma_start3A_342 : memref<128xi32, #tpu.memory_space<vmem>>) semaphore(%arg15 : memref<!tpu.dma_semaphore, #tpu.memory_space<semaphore_mem>>)
      %dma_start3A_346 = arith.constant 0 : i32
      %dma_start3A_347 = arith.constant 4 : i32
      %dma_start3A_348 = arith.constant 0 : i32
      %dma_start3A_349 = arith.constant 0 : i32
      %dma_start3A_350 = tpu.memref_slice %arg11[%dma_start3A_346, %dma_start3A_348, %dma_start3A_349] : memref<2x128x128xf32, #tpu.memory_space<vmem>> -> memref<1x128x128xf32, #tpu.memory_space<vmem>>
      %dma_start3A_351 = tpu.memref_squeeze %dma_start3A_350 : memref<1x128x128xf32, #tpu.memory_space<vmem>> -> memref<128x128xf32, #tpu.memory_space<vmem>>
      %dma_start3A_352 = arith.constant 0 : i32
      %dma_start3A_353 = tpu.memref_slice %arg10[%rem3A_66, %dma_start3A_347, %dma_start3A_352] : memref<2x8x128xi32, #tpu.memory_space<vmem>> -> memref<1x1x128xi32, #tpu.memory_space<vmem>>
      %dma_start3A_354 = tpu.memref_squeeze %dma_start3A_353 : memref<1x1x128xi32, #tpu.memory_space<vmem>> -> memref<128xi32, #tpu.memory_space<vmem>>
      %dma_start3A_355 = arith.constant 0 : i32
      %dma_start3A_356 = arith.constant 0 : i32
      %dma_start3A_357 = tpu.memref_slice %arg13[%dma_start3A_355, %dma_start3A_356] : memref<10240x128xf32, #tpu.memory_space<vmem_shared>> -> memref<10240x128xf32, #tpu.memory_space<vmem_shared>>
      tpu.enqueue_indirect_dma source(%dma_start3A_351 : memref<128x128xf32, #tpu.memory_space<vmem>>) target(%dma_start3A_357 : memref<10240x128xf32, #tpu.memory_space<vmem_shared>>) offsets(%dma_start3A_354 : memref<128xi32, #tpu.memory_space<vmem>>) semaphore(%arg16 : memref<!tpu.dma_semaphore, #tpu.memory_space<semaphore_mem>>) {add = true}
      %dma_start3A_358 = arith.constant 4 : i32
      %dma_start3A_359 = arith.constant 0 : i32
      %dma_start3A_360 = tpu.memref_slice %arg10[%rem3A_66, %dma_start3A_358, %dma_start3A_359] : memref<2x8x128xi32, #tpu.memory_space<vmem>> -> memref<1x1x128xi32, #tpu.memory_space<vmem>>
      %dma_start3A_361 = tpu.memref_squeeze %dma_start3A_360 : memref<1x1x128xi32, #tpu.memory_space<vmem>> -> memref<128xi32, #tpu.memory_space<vmem>>
      %dma_start3A_362 = arith.constant 0 : i32
      %dma_start3A_363 = tpu.memref_slice %arg14[%dma_start3A_362] : memref<10240xf32, #tpu.memory_space<vmem_shared>> -> memref<10240xf32, #tpu.memory_space<vmem_shared>>
      tpu.enqueue_indirect_dma source(%arg12 : memref<128xf32, #tpu.memory_space<vmem>>) target(%dma_start3A_363 : memref<10240xf32, #tpu.memory_space<vmem_shared>>) offsets(%dma_start3A_361 : memref<128xi32, #tpu.memory_space<vmem>>) semaphore(%arg17 : memref<!tpu.dma_semaphore, #tpu.memory_space<semaphore_mem>>) {add = true}
      %dma_wait3A_364 = arith.constant 5 : i32
      %dma_wait3A_365 = arith.constant 1 : i32
      %dma_wait3A_366 = arith.constant 0 : i32
      %dma_wait3A_367 = arith.constant 0 : i32
      %dma_wait3A_368 = tpu.memref_slice %arg11[%dma_wait3A_365, %dma_wait3A_366, %dma_wait3A_367] : memref<2x128x128xf32, #tpu.memory_space<vmem>> -> memref<1x128x128xf32, #tpu.memory_space<vmem>>
      %dma_wait3A_369 = tpu.memref_squeeze %dma_wait3A_368 : memref<1x128x128xf32, #tpu.memory_space<vmem>> -> memref<128x128xf32, #tpu.memory_space<vmem>>
      %dma_wait3A_370 = arith.constant 0 : i32
      %dma_wait3A_371 = tpu.memref_slice %arg9[%rem3A_66, %dma_wait3A_364, %dma_wait3A_370] : memref<2x8x128xi32, #tpu.memory_space<vmem>> -> memref<1x1x128xi32, #tpu.memory_space<vmem>>
      %dma_wait3A_372 = tpu.memref_squeeze %dma_wait3A_371 : memref<1x1x128xi32, #tpu.memory_space<vmem>> -> memref<128xi32, #tpu.memory_space<vmem>>
      %dma_wait3A_373 = arith.constant 0 : i32
      %dma_wait3A_374 = arith.constant 0 : i32
      %dma_wait3A_375 = tpu.memref_slice %arg2[%dma_wait3A_373, %dma_wait3A_374] : memref<80000x128xf32, #tpu.memory_space<hbm>> -> memref<80000x128xf32, #tpu.memory_space<hbm>>
      tpu.wait_indirect_dma semaphore(%arg15 : memref<!tpu.dma_semaphore, #tpu.memory_space<semaphore_mem>>) src(%dma_wait3A_375 : memref<80000x128xf32, #tpu.memory_space<hbm>>) dst(%dma_wait3A_369 : memref<128x128xf32, #tpu.memory_space<vmem>>)
      %dma_wait3A_376 = arith.constant 0 : i32
      %dma_wait3A_377 = arith.constant 4 : i32
      %dma_wait3A_378 = arith.constant 0 : i32
      %dma_wait3A_379 = arith.constant 0 : i32
      %dma_wait3A_380 = tpu.memref_slice %arg11[%dma_wait3A_376, %dma_wait3A_378, %dma_wait3A_379] : memref<2x128x128xf32, #tpu.memory_space<vmem>> -> memref<1x128x128xf32, #tpu.memory_space<vmem>>
      %dma_wait3A_381 = tpu.memref_squeeze %dma_wait3A_380 : memref<1x128x128xf32, #tpu.memory_space<vmem>> -> memref<128x128xf32, #tpu.memory_space<vmem>>
      %dma_wait3A_382 = arith.constant 0 : i32
      %dma_wait3A_383 = tpu.memref_slice %arg10[%rem3A_66, %dma_wait3A_377, %dma_wait3A_382] : memref<2x8x128xi32, #tpu.memory_space<vmem>> -> memref<1x1x128xi32, #tpu.memory_space<vmem>>
      %dma_wait3A_384 = tpu.memref_squeeze %dma_wait3A_383 : memref<1x1x128xi32, #tpu.memory_space<vmem>> -> memref<128xi32, #tpu.memory_space<vmem>>
      %dma_wait3A_385 = arith.constant 0 : i32
      %dma_wait3A_386 = arith.constant 0 : i32
      %dma_wait3A_387 = tpu.memref_slice %arg13[%dma_wait3A_385, %dma_wait3A_386] : memref<10240x128xf32, #tpu.memory_space<vmem_shared>> -> memref<10240x128xf32, #tpu.memory_space<vmem_shared>>
      tpu.wait_indirect_dma semaphore(%arg16 : memref<!tpu.dma_semaphore, #tpu.memory_space<semaphore_mem>>) src(%dma_wait3A_381 : memref<128x128xf32, #tpu.memory_space<vmem>>) dst(%dma_wait3A_387 : memref<10240x128xf32, #tpu.memory_space<vmem_shared>>)
      %dma_wait3A_388 = arith.constant 4 : i32
      %dma_wait3A_389 = arith.constant 0 : i32
      %dma_wait3A_390 = tpu.memref_slice %arg10[%rem3A_66, %dma_wait3A_388, %dma_wait3A_389] : memref<2x8x128xi32, #tpu.memory_space<vmem>> -> memref<1x1x128xi32, #tpu.memory_space<vmem>>
      %dma_wait3A_391 = tpu.memref_squeeze %dma_wait3A_390 : memref<1x1x128xi32, #tpu.memory_space<vmem>> -> memref<128xi32, #tpu.memory_space<vmem>>
      %dma_wait3A_392 = arith.constant 0 : i32
      %dma_wait3A_393 = tpu.memref_slice %arg14[%dma_wait3A_392] : memref<10240xf32, #tpu.memory_space<vmem_shared>> -> memref<10240xf32, #tpu.memory_space<vmem_shared>>
      tpu.wait_indirect_dma semaphore(%arg17 : memref<!tpu.dma_semaphore, #tpu.memory_space<semaphore_mem>>) src(%arg12 : memref<128xf32, #tpu.memory_space<vmem>>) dst(%dma_wait3A_393 : memref<10240xf32, #tpu.memory_space<vmem_shared>>)
      %dma_start3A_394 = arith.constant 6 : i32
      %dma_start3A_395 = arith.constant 0 : i32
      %dma_start3A_396 = arith.constant 0 : i32
      %dma_start3A_397 = arith.constant 0 : i32
      %dma_start3A_398 = tpu.memref_slice %arg11[%dma_start3A_395, %dma_start3A_396, %dma_start3A_397] : memref<2x128x128xf32, #tpu.memory_space<vmem>> -> memref<1x128x128xf32, #tpu.memory_space<vmem>>
      %dma_start3A_399 = tpu.memref_squeeze %dma_start3A_398 : memref<1x128x128xf32, #tpu.memory_space<vmem>> -> memref<128x128xf32, #tpu.memory_space<vmem>>
      %dma_start3A_400 = arith.constant 0 : i32
      %dma_start3A_401 = tpu.memref_slice %arg9[%rem3A_66, %dma_start3A_394, %dma_start3A_400] : memref<2x8x128xi32, #tpu.memory_space<vmem>> -> memref<1x1x128xi32, #tpu.memory_space<vmem>>
      %dma_start3A_402 = tpu.memref_squeeze %dma_start3A_401 : memref<1x1x128xi32, #tpu.memory_space<vmem>> -> memref<128xi32, #tpu.memory_space<vmem>>
      %dma_start3A_403 = arith.constant 0 : i32
      %dma_start3A_404 = arith.constant 0 : i32
      %dma_start3A_405 = tpu.memref_slice %arg2[%dma_start3A_403, %dma_start3A_404] : memref<80000x128xf32, #tpu.memory_space<hbm>> -> memref<80000x128xf32, #tpu.memory_space<hbm>>
      tpu.enqueue_indirect_dma source(%dma_start3A_405 : memref<80000x128xf32, #tpu.memory_space<hbm>>) target(%dma_start3A_399 : memref<128x128xf32, #tpu.memory_space<vmem>>) offsets(%dma_start3A_402 : memref<128xi32, #tpu.memory_space<vmem>>) semaphore(%arg15 : memref<!tpu.dma_semaphore, #tpu.memory_space<semaphore_mem>>)
      %dma_start3A_406 = arith.constant 1 : i32
      %dma_start3A_407 = arith.constant 5 : i32
      %dma_start3A_408 = arith.constant 0 : i32
      %dma_start3A_409 = arith.constant 0 : i32
      %dma_start3A_410 = tpu.memref_slice %arg11[%dma_start3A_406, %dma_start3A_408, %dma_start3A_409] : memref<2x128x128xf32, #tpu.memory_space<vmem>> -> memref<1x128x128xf32, #tpu.memory_space<vmem>>
      %dma_start3A_411 = tpu.memref_squeeze %dma_start3A_410 : memref<1x128x128xf32, #tpu.memory_space<vmem>> -> memref<128x128xf32, #tpu.memory_space<vmem>>
      %dma_start3A_412 = arith.constant 0 : i32
      %dma_start3A_413 = tpu.memref_slice %arg10[%rem3A_66, %dma_start3A_407, %dma_start3A_412] : memref<2x8x128xi32, #tpu.memory_space<vmem>> -> memref<1x1x128xi32, #tpu.memory_space<vmem>>
      %dma_start3A_414 = tpu.memref_squeeze %dma_start3A_413 : memref<1x1x128xi32, #tpu.memory_space<vmem>> -> memref<128xi32, #tpu.memory_space<vmem>>
      %dma_start3A_415 = arith.constant 0 : i32
      %dma_start3A_416 = arith.constant 0 : i32
      %dma_start3A_417 = tpu.memref_slice %arg13[%dma_start3A_415, %dma_start3A_416] : memref<10240x128xf32, #tpu.memory_space<vmem_shared>> -> memref<10240x128xf32, #tpu.memory_space<vmem_shared>>
      tpu.enqueue_indirect_dma source(%dma_start3A_411 : memref<128x128xf32, #tpu.memory_space<vmem>>) target(%dma_start3A_417 : memref<10240x128xf32, #tpu.memory_space<vmem_shared>>) offsets(%dma_start3A_414 : memref<128xi32, #tpu.memory_space<vmem>>) semaphore(%arg16 : memref<!tpu.dma_semaphore, #tpu.memory_space<semaphore_mem>>) {add = true}
      %dma_start3A_418 = arith.constant 5 : i32
      %dma_start3A_419 = arith.constant 0 : i32
      %dma_start3A_420 = tpu.memref_slice %arg10[%rem3A_66, %dma_start3A_418, %dma_start3A_419] : memref<2x8x128xi32, #tpu.memory_space<vmem>> -> memref<1x1x128xi32, #tpu.memory_space<vmem>>
      %dma_start3A_421 = tpu.memref_squeeze %dma_start3A_420 : memref<1x1x128xi32, #tpu.memory_space<vmem>> -> memref<128xi32, #tpu.memory_space<vmem>>
      %dma_start3A_422 = arith.constant 0 : i32
      %dma_start3A_423 = tpu.memref_slice %arg14[%dma_start3A_422] : memref<10240xf32, #tpu.memory_space<vmem_shared>> -> memref<10240xf32, #tpu.memory_space<vmem_shared>>
      tpu.enqueue_indirect_dma source(%arg12 : memref<128xf32, #tpu.memory_space<vmem>>) target(%dma_start3A_423 : memref<10240xf32, #tpu.memory_space<vmem_shared>>) offsets(%dma_start3A_421 : memref<128xi32, #tpu.memory_space<vmem>>) semaphore(%arg17 : memref<!tpu.dma_semaphore, #tpu.memory_space<semaphore_mem>>) {add = true}
      %dma_wait3A_424 = arith.constant 6 : i32
      %dma_wait3A_425 = arith.constant 0 : i32
      %dma_wait3A_426 = arith.constant 0 : i32
      %dma_wait3A_427 = arith.constant 0 : i32
      %dma_wait3A_428 = tpu.memref_slice %arg11[%dma_wait3A_425, %dma_wait3A_426, %dma_wait3A_427] : memref<2x128x128xf32, #tpu.memory_space<vmem>> -> memref<1x128x128xf32, #tpu.memory_space<vmem>>
      %dma_wait3A_429 = tpu.memref_squeeze %dma_wait3A_428 : memref<1x128x128xf32, #tpu.memory_space<vmem>> -> memref<128x128xf32, #tpu.memory_space<vmem>>
      %dma_wait3A_430 = arith.constant 0 : i32
      %dma_wait3A_431 = tpu.memref_slice %arg9[%rem3A_66, %dma_wait3A_424, %dma_wait3A_430] : memref<2x8x128xi32, #tpu.memory_space<vmem>> -> memref<1x1x128xi32, #tpu.memory_space<vmem>>
      %dma_wait3A_432 = tpu.memref_squeeze %dma_wait3A_431 : memref<1x1x128xi32, #tpu.memory_space<vmem>> -> memref<128xi32, #tpu.memory_space<vmem>>
      %dma_wait3A_433 = arith.constant 0 : i32
      %dma_wait3A_434 = arith.constant 0 : i32
      %dma_wait3A_435 = tpu.memref_slice %arg2[%dma_wait3A_433, %dma_wait3A_434] : memref<80000x128xf32, #tpu.memory_space<hbm>> -> memref<80000x128xf32, #tpu.memory_space<hbm>>
      tpu.wait_indirect_dma semaphore(%arg15 : memref<!tpu.dma_semaphore, #tpu.memory_space<semaphore_mem>>) src(%dma_wait3A_435 : memref<80000x128xf32, #tpu.memory_space<hbm>>) dst(%dma_wait3A_429 : memref<128x128xf32, #tpu.memory_space<vmem>>)
      %dma_wait3A_436 = arith.constant 1 : i32
      %dma_wait3A_437 = arith.constant 5 : i32
      %dma_wait3A_438 = arith.constant 0 : i32
      %dma_wait3A_439 = arith.constant 0 : i32
      %dma_wait3A_440 = tpu.memref_slice %arg11[%dma_wait3A_436, %dma_wait3A_438, %dma_wait3A_439] : memref<2x128x128xf32, #tpu.memory_space<vmem>> -> memref<1x128x128xf32, #tpu.memory_space<vmem>>
      %dma_wait3A_441 = tpu.memref_squeeze %dma_wait3A_440 : memref<1x128x128xf32, #tpu.memory_space<vmem>> -> memref<128x128xf32, #tpu.memory_space<vmem>>
      %dma_wait3A_442 = arith.constant 0 : i32
      %dma_wait3A_443 = tpu.memref_slice %arg10[%rem3A_66, %dma_wait3A_437, %dma_wait3A_442] : memref<2x8x128xi32, #tpu.memory_space<vmem>> -> memref<1x1x128xi32, #tpu.memory_space<vmem>>
      %dma_wait3A_444 = tpu.memref_squeeze %dma_wait3A_443 : memref<1x1x128xi32, #tpu.memory_space<vmem>> -> memref<128xi32, #tpu.memory_space<vmem>>
      %dma_wait3A_445 = arith.constant 0 : i32
      %dma_wait3A_446 = arith.constant 0 : i32
      %dma_wait3A_447 = tpu.memref_slice %arg13[%dma_wait3A_445, %dma_wait3A_446] : memref<10240x128xf32, #tpu.memory_space<vmem_shared>> -> memref<10240x128xf32, #tpu.memory_space<vmem_shared>>
      tpu.wait_indirect_dma semaphore(%arg16 : memref<!tpu.dma_semaphore, #tpu.memory_space<semaphore_mem>>) src(%dma_wait3A_441 : memref<128x128xf32, #tpu.memory_space<vmem>>) dst(%dma_wait3A_447 : memref<10240x128xf32, #tpu.memory_space<vmem_shared>>)
      %dma_wait3A_448 = arith.constant 5 : i32
      %dma_wait3A_449 = arith.constant 0 : i32
      %dma_wait3A_450 = tpu.memref_slice %arg10[%rem3A_66, %dma_wait3A_448, %dma_wait3A_449] : memref<2x8x128xi32, #tpu.memory_space<vmem>> -> memref<1x1x128xi32, #tpu.memory_space<vmem>>
      %dma_wait3A_451 = tpu.memref_squeeze %dma_wait3A_450 : memref<1x1x128xi32, #tpu.memory_space<vmem>> -> memref<128xi32, #tpu.memory_space<vmem>>
      %dma_wait3A_452 = arith.constant 0 : i32
      %dma_wait3A_453 = tpu.memref_slice %arg14[%dma_wait3A_452] : memref<10240xf32, #tpu.memory_space<vmem_shared>> -> memref<10240xf32, #tpu.memory_space<vmem_shared>>
      tpu.wait_indirect_dma semaphore(%arg17 : memref<!tpu.dma_semaphore, #tpu.memory_space<semaphore_mem>>) src(%arg12 : memref<128xf32, #tpu.memory_space<vmem>>) dst(%dma_wait3A_453 : memref<10240xf32, #tpu.memory_space<vmem_shared>>)
      %dma_start3A_454 = arith.constant 7 : i32
      %dma_start3A_455 = arith.constant 1 : i32
      %dma_start3A_456 = arith.constant 0 : i32
      %dma_start3A_457 = arith.constant 0 : i32
      %dma_start3A_458 = tpu.memref_slice %arg11[%dma_start3A_455, %dma_start3A_456, %dma_start3A_457] : memref<2x128x128xf32, #tpu.memory_space<vmem>> -> memref<1x128x128xf32, #tpu.memory_space<vmem>>
      %dma_start3A_459 = tpu.memref_squeeze %dma_start3A_458 : memref<1x128x128xf32, #tpu.memory_space<vmem>> -> memref<128x128xf32, #tpu.memory_space<vmem>>
      %dma_start3A_460 = arith.constant 0 : i32
      %dma_start3A_461 = tpu.memref_slice %arg9[%rem3A_66, %dma_start3A_454, %dma_start3A_460] : memref<2x8x128xi32, #tpu.memory_space<vmem>> -> memref<1x1x128xi32, #tpu.memory_space<vmem>>
      %dma_start3A_462 = tpu.memref_squeeze %dma_start3A_461 : memref<1x1x128xi32, #tpu.memory_space<vmem>> -> memref<128xi32, #tpu.memory_space<vmem>>
      %dma_start3A_463 = arith.constant 0 : i32
      %dma_start3A_464 = arith.constant 0 : i32
      %dma_start3A_465 = tpu.memref_slice %arg2[%dma_start3A_463, %dma_start3A_464] : memref<80000x128xf32, #tpu.memory_space<hbm>> -> memref<80000x128xf32, #tpu.memory_space<hbm>>
      tpu.enqueue_indirect_dma source(%dma_start3A_465 : memref<80000x128xf32, #tpu.memory_space<hbm>>) target(%dma_start3A_459 : memref<128x128xf32, #tpu.memory_space<vmem>>) offsets(%dma_start3A_462 : memref<128xi32, #tpu.memory_space<vmem>>) semaphore(%arg15 : memref<!tpu.dma_semaphore, #tpu.memory_space<semaphore_mem>>)
      %dma_start3A_466 = arith.constant 0 : i32
      %dma_start3A_467 = arith.constant 6 : i32
      %dma_start3A_468 = arith.constant 0 : i32
      %dma_start3A_469 = arith.constant 0 : i32
      %dma_start3A_470 = tpu.memref_slice %arg11[%dma_start3A_466, %dma_start3A_468, %dma_start3A_469] : memref<2x128x128xf32, #tpu.memory_space<vmem>> -> memref<1x128x128xf32, #tpu.memory_space<vmem>>
      %dma_start3A_471 = tpu.memref_squeeze %dma_start3A_470 : memref<1x128x128xf32, #tpu.memory_space<vmem>> -> memref<128x128xf32, #tpu.memory_space<vmem>>
      %dma_start3A_472 = arith.constant 0 : i32
      %dma_start3A_473 = tpu.memref_slice %arg10[%rem3A_66, %dma_start3A_467, %dma_start3A_472] : memref<2x8x128xi32, #tpu.memory_space<vmem>> -> memref<1x1x128xi32, #tpu.memory_space<vmem>>
      %dma_start3A_474 = tpu.memref_squeeze %dma_start3A_473 : memref<1x1x128xi32, #tpu.memory_space<vmem>> -> memref<128xi32, #tpu.memory_space<vmem>>
      %dma_start3A_475 = arith.constant 0 : i32
      %dma_start3A_476 = arith.constant 0 : i32
      %dma_start3A_477 = tpu.memref_slice %arg13[%dma_start3A_475, %dma_start3A_476] : memref<10240x128xf32, #tpu.memory_space<vmem_shared>> -> memref<10240x128xf32, #tpu.memory_space<vmem_shared>>
      tpu.enqueue_indirect_dma source(%dma_start3A_471 : memref<128x128xf32, #tpu.memory_space<vmem>>) target(%dma_start3A_477 : memref<10240x128xf32, #tpu.memory_space<vmem_shared>>) offsets(%dma_start3A_474 : memref<128xi32, #tpu.memory_space<vmem>>) semaphore(%arg16 : memref<!tpu.dma_semaphore, #tpu.memory_space<semaphore_mem>>) {add = true}
      %dma_start3A_478 = arith.constant 6 : i32
      %dma_start3A_479 = arith.constant 0 : i32
      %dma_start3A_480 = tpu.memref_slice %arg10[%rem3A_66, %dma_start3A_478, %dma_start3A_479] : memref<2x8x128xi32, #tpu.memory_space<vmem>> -> memref<1x1x128xi32, #tpu.memory_space<vmem>>
      %dma_start3A_481 = tpu.memref_squeeze %dma_start3A_480 : memref<1x1x128xi32, #tpu.memory_space<vmem>> -> memref<128xi32, #tpu.memory_space<vmem>>
      %dma_start3A_482 = arith.constant 0 : i32
      %dma_start3A_483 = tpu.memref_slice %arg14[%dma_start3A_482] : memref<10240xf32, #tpu.memory_space<vmem_shared>> -> memref<10240xf32, #tpu.memory_space<vmem_shared>>
      tpu.enqueue_indirect_dma source(%arg12 : memref<128xf32, #tpu.memory_space<vmem>>) target(%dma_start3A_483 : memref<10240xf32, #tpu.memory_space<vmem_shared>>) offsets(%dma_start3A_481 : memref<128xi32, #tpu.memory_space<vmem>>) semaphore(%arg17 : memref<!tpu.dma_semaphore, #tpu.memory_space<semaphore_mem>>) {add = true}
      %dma_wait3A_484 = arith.constant 7 : i32
      %dma_wait3A_485 = arith.constant 1 : i32
      %dma_wait3A_486 = arith.constant 0 : i32
      %dma_wait3A_487 = arith.constant 0 : i32
      %dma_wait3A_488 = tpu.memref_slice %arg11[%dma_wait3A_485, %dma_wait3A_486, %dma_wait3A_487] : memref<2x128x128xf32, #tpu.memory_space<vmem>> -> memref<1x128x128xf32, #tpu.memory_space<vmem>>
      %dma_wait3A_489 = tpu.memref_squeeze %dma_wait3A_488 : memref<1x128x128xf32, #tpu.memory_space<vmem>> -> memref<128x128xf32, #tpu.memory_space<vmem>>
      %dma_wait3A_490 = arith.constant 0 : i32
      %dma_wait3A_491 = tpu.memref_slice %arg9[%rem3A_66, %dma_wait3A_484, %dma_wait3A_490] : memref<2x8x128xi32, #tpu.memory_space<vmem>> -> memref<1x1x128xi32, #tpu.memory_space<vmem>>
      %dma_wait3A_492 = tpu.memref_squeeze %dma_wait3A_491 : memref<1x1x128xi32, #tpu.memory_space<vmem>> -> memref<128xi32, #tpu.memory_space<vmem>>
      %dma_wait3A_493 = arith.constant 0 : i32
      %dma_wait3A_494 = arith.constant 0 : i32
      %dma_wait3A_495 = tpu.memref_slice %arg2[%dma_wait3A_493, %dma_wait3A_494] : memref<80000x128xf32, #tpu.memory_space<hbm>> -> memref<80000x128xf32, #tpu.memory_space<hbm>>
      tpu.wait_indirect_dma semaphore(%arg15 : memref<!tpu.dma_semaphore, #tpu.memory_space<semaphore_mem>>) src(%dma_wait3A_495 : memref<80000x128xf32, #tpu.memory_space<hbm>>) dst(%dma_wait3A_489 : memref<128x128xf32, #tpu.memory_space<vmem>>)
      %dma_wait3A_496 = arith.constant 0 : i32
      %dma_wait3A_497 = arith.constant 6 : i32
      %dma_wait3A_498 = arith.constant 0 : i32
      %dma_wait3A_499 = arith.constant 0 : i32
      %dma_wait3A_500 = tpu.memref_slice %arg11[%dma_wait3A_496, %dma_wait3A_498, %dma_wait3A_499] : memref<2x128x128xf32, #tpu.memory_space<vmem>> -> memref<1x128x128xf32, #tpu.memory_space<vmem>>
      %dma_wait3A_501 = tpu.memref_squeeze %dma_wait3A_500 : memref<1x128x128xf32, #tpu.memory_space<vmem>> -> memref<128x128xf32, #tpu.memory_space<vmem>>
      %dma_wait3A_502 = arith.constant 0 : i32
      %dma_wait3A_503 = tpu.memref_slice %arg10[%rem3A_66, %dma_wait3A_497, %dma_wait3A_502] : memref<2x8x128xi32, #tpu.memory_space<vmem>> -> memref<1x1x128xi32, #tpu.memory_space<vmem>>
      %dma_wait3A_504 = tpu.memref_squeeze %dma_wait3A_503 : memref<1x1x128xi32, #tpu.memory_space<vmem>> -> memref<128xi32, #tpu.memory_space<vmem>>
      %dma_wait3A_505 = arith.constant 0 : i32
      %dma_wait3A_506 = arith.constant 0 : i32
      %dma_wait3A_507 = tpu.memref_slice %arg13[%dma_wait3A_505, %dma_wait3A_506] : memref<10240x128xf32, #tpu.memory_space<vmem_shared>> -> memref<10240x128xf32, #tpu.memory_space<vmem_shared>>
      tpu.wait_indirect_dma semaphore(%arg16 : memref<!tpu.dma_semaphore, #tpu.memory_space<semaphore_mem>>) src(%dma_wait3A_501 : memref<128x128xf32, #tpu.memory_space<vmem>>) dst(%dma_wait3A_507 : memref<10240x128xf32, #tpu.memory_space<vmem_shared>>)
      %dma_wait3A_508 = arith.constant 6 : i32
      %dma_wait3A_509 = arith.constant 0 : i32
      %dma_wait3A_510 = tpu.memref_slice %arg10[%rem3A_66, %dma_wait3A_508, %dma_wait3A_509] : memref<2x8x128xi32, #tpu.memory_space<vmem>> -> memref<1x1x128xi32, #tpu.memory_space<vmem>>
      %dma_wait3A_511 = tpu.memref_squeeze %dma_wait3A_510 : memref<1x1x128xi32, #tpu.memory_space<vmem>> -> memref<128xi32, #tpu.memory_space<vmem>>
      %dma_wait3A_512 = arith.constant 0 : i32
      %dma_wait3A_513 = tpu.memref_slice %arg14[%dma_wait3A_512] : memref<10240xf32, #tpu.memory_space<vmem_shared>> -> memref<10240xf32, #tpu.memory_space<vmem_shared>>
      tpu.wait_indirect_dma semaphore(%arg17 : memref<!tpu.dma_semaphore, #tpu.memory_space<semaphore_mem>>) src(%arg12 : memref<128xf32, #tpu.memory_space<vmem>>) dst(%dma_wait3A_513 : memref<10240xf32, #tpu.memory_space<vmem_shared>>)
      %dma_start3A_514 = arith.constant 1 : i32
      %dma_start3A_515 = arith.constant 7 : i32
      %dma_start3A_516 = arith.constant 0 : i32
      %dma_start3A_517 = arith.constant 0 : i32
      %dma_start3A_518 = tpu.memref_slice %arg11[%dma_start3A_514, %dma_start3A_516, %dma_start3A_517] : memref<2x128x128xf32, #tpu.memory_space<vmem>> -> memref<1x128x128xf32, #tpu.memory_space<vmem>>
      %dma_start3A_519 = tpu.memref_squeeze %dma_start3A_518 : memref<1x128x128xf32, #tpu.memory_space<vmem>> -> memref<128x128xf32, #tpu.memory_space<vmem>>
      %dma_start3A_520 = arith.constant 0 : i32
      %dma_start3A_521 = tpu.memref_slice %arg10[%rem3A_66, %dma_start3A_515, %dma_start3A_520] : memref<2x8x128xi32, #tpu.memory_space<vmem>> -> memref<1x1x128xi32, #tpu.memory_space<vmem>>
      %dma_start3A_522 = tpu.memref_squeeze %dma_start3A_521 : memref<1x1x128xi32, #tpu.memory_space<vmem>> -> memref<128xi32, #tpu.memory_space<vmem>>
      %dma_start3A_523 = arith.constant 0 : i32
      %dma_start3A_524 = arith.constant 0 : i32
      %dma_start3A_525 = tpu.memref_slice %arg13[%dma_start3A_523, %dma_start3A_524] : memref<10240x128xf32, #tpu.memory_space<vmem_shared>> -> memref<10240x128xf32, #tpu.memory_space<vmem_shared>>
      tpu.enqueue_indirect_dma source(%dma_start3A_519 : memref<128x128xf32, #tpu.memory_space<vmem>>) target(%dma_start3A_525 : memref<10240x128xf32, #tpu.memory_space<vmem_shared>>) offsets(%dma_start3A_522 : memref<128xi32, #tpu.memory_space<vmem>>) semaphore(%arg16 : memref<!tpu.dma_semaphore, #tpu.memory_space<semaphore_mem>>) {add = true}
      %dma_start3A_526 = arith.constant 7 : i32
      %dma_start3A_527 = arith.constant 0 : i32
      %dma_start3A_528 = tpu.memref_slice %arg10[%rem3A_66, %dma_start3A_526, %dma_start3A_527] : memref<2x8x128xi32, #tpu.memory_space<vmem>> -> memref<1x1x128xi32, #tpu.memory_space<vmem>>
      %dma_start3A_529 = tpu.memref_squeeze %dma_start3A_528 : memref<1x1x128xi32, #tpu.memory_space<vmem>> -> memref<128xi32, #tpu.memory_space<vmem>>
      %dma_start3A_530 = arith.constant 0 : i32
      %dma_start3A_531 = tpu.memref_slice %arg14[%dma_start3A_530] : memref<10240xf32, #tpu.memory_space<vmem_shared>> -> memref<10240xf32, #tpu.memory_space<vmem_shared>>
      tpu.enqueue_indirect_dma source(%arg12 : memref<128xf32, #tpu.memory_space<vmem>>) target(%dma_start3A_531 : memref<10240xf32, #tpu.memory_space<vmem_shared>>) offsets(%dma_start3A_529 : memref<128xi32, #tpu.memory_space<vmem>>) semaphore(%arg17 : memref<!tpu.dma_semaphore, #tpu.memory_space<semaphore_mem>>) {add = true}
      %dma_wait3A_532 = arith.constant 1 : i32
      %dma_wait3A_533 = arith.constant 7 : i32
      %dma_wait3A_534 = arith.constant 0 : i32
      %dma_wait3A_535 = arith.constant 0 : i32
      %dma_wait3A_536 = tpu.memref_slice %arg11[%dma_wait3A_532, %dma_wait3A_534, %dma_wait3A_535] : memref<2x128x128xf32, #tpu.memory_space<vmem>> -> memref<1x128x128xf32, #tpu.memory_space<vmem>>
      %dma_wait3A_537 = tpu.memref_squeeze %dma_wait3A_536 : memref<1x128x128xf32, #tpu.memory_space<vmem>> -> memref<128x128xf32, #tpu.memory_space<vmem>>
      %dma_wait3A_538 = arith.constant 0 : i32
      %dma_wait3A_539 = tpu.memref_slice %arg10[%rem3A_66, %dma_wait3A_533, %dma_wait3A_538] : memref<2x8x128xi32, #tpu.memory_space<vmem>> -> memref<1x1x128xi32, #tpu.memory_space<vmem>>
      %dma_wait3A_540 = tpu.memref_squeeze %dma_wait3A_539 : memref<1x1x128xi32, #tpu.memory_space<vmem>> -> memref<128xi32, #tpu.memory_space<vmem>>
      %dma_wait3A_541 = arith.constant 0 : i32
      %dma_wait3A_542 = arith.constant 0 : i32
      %dma_wait3A_543 = tpu.memref_slice %arg13[%dma_wait3A_541, %dma_wait3A_542] : memref<10240x128xf32, #tpu.memory_space<vmem_shared>> -> memref<10240x128xf32, #tpu.memory_space<vmem_shared>>
      tpu.wait_indirect_dma semaphore(%arg16 : memref<!tpu.dma_semaphore, #tpu.memory_space<semaphore_mem>>) src(%dma_wait3A_537 : memref<128x128xf32, #tpu.memory_space<vmem>>) dst(%dma_wait3A_543 : memref<10240x128xf32, #tpu.memory_space<vmem_shared>>)
      %dma_wait3A_544 = arith.constant 7 : i32
      %dma_wait3A_545 = arith.constant 0 : i32
      %dma_wait3A_546 = tpu.memref_slice %arg10[%rem3A_66, %dma_wait3A_544, %dma_wait3A_545] : memref<2x8x128xi32, #tpu.memory_space<vmem>> -> memref<1x1x128xi32, #tpu.memory_space<vmem>>
      %dma_wait3A_547 = tpu.memref_squeeze %dma_wait3A_546 : memref<1x1x128xi32, #tpu.memory_space<vmem>> -> memref<128xi32, #tpu.memory_space<vmem>>
      %dma_wait3A_548 = arith.constant 0 : i32
      %dma_wait3A_549 = tpu.memref_slice %arg14[%dma_wait3A_548] : memref<10240xf32, #tpu.memory_space<vmem_shared>> -> memref<10240xf32, #tpu.memory_space<vmem_shared>>
      tpu.wait_indirect_dma semaphore(%arg17 : memref<!tpu.dma_semaphore, #tpu.memory_space<semaphore_mem>>) src(%arg12 : memref<128xf32, #tpu.memory_space<vmem>>) dst(%dma_wait3A_549 : memref<10240xf32, #tpu.memory_space<vmem_shared>>)
    }
    %scan3A_55 = arith.constant 10 : i32
    %barrier3A_56 = arith.constant 0 : index
    tpu.barrier barrier_id(%barrier3A_56)
    %mul3A_57 = arith.constant 640 : i32
    %mul3A_58 = arith.muli %arg1, %mul3A_57 : i32
    %mul3A_59 = arith.constant 640 : i32
    %mul3A_60 = arith.muli %arg1, %mul3A_59 : i32
    "tpu.region"() ({
      %run_scoped3A = tpu.sem_alloc : memref<!tpu.dma_semaphore, #tpu.memory_space<semaphore_mem>>
      %dma_start3A = arith.constant 0 : i32
      %dma_start3A_65 = tpu.memref_slice %arg7[%arg0, %mul3A_60, %dma_start3A] : memref<2x10240x128xf32, #tpu.memory_space<hbm>> -> memref<1x640x128xf32, #tpu.memory_space<hbm>>
      %dma_start3A_66 = tpu.memref_squeeze %dma_start3A_65 : memref<1x640x128xf32, #tpu.memory_space<hbm>> -> memref<640x128xf32, #tpu.memory_space<hbm>>
      %dma_start3A_67 = arith.constant 0 : i32
      %dma_start3A_68 = tpu.memref_slice %arg13[%mul3A_58, %dma_start3A_67] : memref<10240x128xf32, #tpu.memory_space<vmem_shared>> -> memref<640x128xf32, #tpu.memory_space<vmem_shared>>
      tpu.enqueue_dma source(%dma_start3A_68 : memref<640x128xf32, #tpu.memory_space<vmem_shared>>) target(%dma_start3A_66 : memref<640x128xf32, #tpu.memory_space<hbm>>) target_semaphore(%run_scoped3A : memref<!tpu.dma_semaphore, #tpu.memory_space<semaphore_mem>>)
      %dma_wait3A = arith.constant 0 : i32
      %dma_wait3A_69 = tpu.memref_slice %arg7[%arg0, %mul3A_60, %dma_wait3A] : memref<2x10240x128xf32, #tpu.memory_space<hbm>> -> memref<1x640x128xf32, #tpu.memory_space<hbm>>
      %dma_wait3A_70 = tpu.memref_squeeze %dma_wait3A_69 : memref<1x640x128xf32, #tpu.memory_space<hbm>> -> memref<640x128xf32, #tpu.memory_space<hbm>>
      %dma_wait3A_71 = arith.constant 0 : i32
      %dma_wait3A_72 = tpu.memref_slice %arg13[%mul3A_58, %dma_wait3A_71] : memref<10240x128xf32, #tpu.memory_space<vmem_shared>> -> memref<640x128xf32, #tpu.memory_space<vmem_shared>>
      tpu.wait_dma2 semaphore(%run_scoped3A : memref<!tpu.dma_semaphore, #tpu.memory_space<semaphore_mem>>) src(%dma_wait3A_72 : memref<640x128xf32, #tpu.memory_space<vmem_shared>>) dst(%dma_wait3A_70 : memref<640x128xf32, #tpu.memory_space<hbm>>)
      tpu.yield
    }) : () -> ()
    %mul3A_61 = arith.constant 640 : i32
    %mul3A_62 = arith.muli %arg1, %mul3A_61 : i32
    %mul3A_63 = arith.constant 640 : i32
    %mul3A_64 = arith.muli %arg1, %mul3A_63 : i32
    "tpu.region"() ({
      %run_scoped3A = tpu.sem_alloc : memref<!tpu.dma_semaphore, #tpu.memory_space<semaphore_mem>>
      %dma_start3A = tpu.memref_slice %arg8[%arg0, %mul3A_64] : memref<2x10240xf32, #tpu.memory_space<hbm>> -> memref<1x640xf32, #tpu.memory_space<hbm>>
      %dma_start3A_65 = tpu.memref_squeeze %dma_start3A : memref<1x640xf32, #tpu.memory_space<hbm>> -> memref<640xf32, #tpu.memory_space<hbm>>
      %dma_start3A_66 = tpu.memref_slice %arg14[%mul3A_62] : memref<10240xf32, #tpu.memory_space<vmem_shared>> -> memref<640xf32, #tpu.memory_space<vmem_shared>>
      tpu.enqueue_dma source(%dma_start3A_66 : memref<640xf32, #tpu.memory_space<vmem_shared>>) target(%dma_start3A_65 : memref<640xf32, #tpu.memory_space<hbm>>) target_semaphore(%run_scoped3A : memref<!tpu.dma_semaphore, #tpu.memory_space<semaphore_mem>>)
      %dma_wait3A = tpu.memref_slice %arg8[%arg0, %mul3A_64] : memref<2x10240xf32, #tpu.memory_space<hbm>> -> memref<1x640xf32, #tpu.memory_space<hbm>>
      %dma_wait3A_67 = tpu.memref_squeeze %dma_wait3A : memref<1x640xf32, #tpu.memory_space<hbm>> -> memref<640xf32, #tpu.memory_space<hbm>>
      %dma_wait3A_68 = tpu.memref_slice %arg14[%mul3A_62] : memref<10240xf32, #tpu.memory_space<vmem_shared>> -> memref<640xf32, #tpu.memory_space<vmem_shared>>
      tpu.wait_dma2 semaphore(%run_scoped3A : memref<!tpu.dma_semaphore, #tpu.memory_space<semaphore_mem>>) src(%dma_wait3A_68 : memref<640xf32, #tpu.memory_space<vmem_shared>>) dst(%dma_wait3A_67 : memref<640xf32, #tpu.memory_space<hbm>>)
      tpu.yield
    }) : () -> ()
    return
  }
}

#map = affine_map<(d0, d1) -> (0, 0)>
#map1 = affine_map<(d0, d1) -> (0)>
module attributes {stable_mosaic.version = 14 : i64} {
  func.func @perm_kernel(%arg0: i32, %arg1: i32, %arg2: memref<10240x128xf32, #tpu.memory_space<hbm>>, %arg3: memref<10240x128xf32, #tpu.memory_space<hbm>>, %arg4: memref<10240xi32, #tpu.memory_space<hbm>>, %arg5: memref<5008x128xf32, #tpu.memory_space<hbm>>, %arg6: memref<5008x128xf32, #tpu.memory_space<hbm>>, %arg7: memref<5x64xi32, #tpu.memory_space<vmem>>, %arg8: memref<64x128xf32, #tpu.memory_space<vmem>>, %arg9: memref<64x128xf32, #tpu.memory_space<vmem>>) attributes {dimension_semantics = [#tpu.dimension_semantics<core_parallel>, #tpu.dimension_semantics<subcore_parallel>], iteration_bounds = array<i64: 2, 16>, scalar_prefetch = 0 : i64, scratch_operands = 3 : i64, tpu.core_type = #tpu.core_type<sc_vector_subcore>, window_params = [{transform_indices = #map}, {transform_indices = #map}, {transform_indices = #map1}, {transform_indices = #map}, {transform_indices = #map}]} {
    %mul3A = arith.constant 2 : i32
    %mul3A_0 = arith.muli %arg1, %mul3A : i32
    %add3A = arith.addi %mul3A_0, %arg0 : i32
    %mul3A_1 = arith.constant 320 : i32
    %mul3A_2 = arith.muli %add3A, %mul3A_1 : i32
    %add3A_3 = arith.constant 0 : i32
    %add3A_4 = arith.addi %mul3A_2, %add3A_3 : i32
    %run_scoped3A = arith.constant 0 : i32
    "tpu.region"() ({
      %run_scoped3A_47 = tpu.sem_alloc : memref<!tpu.dma_semaphore, #tpu.memory_space<semaphore_mem>>
      %dma_start3A = arith.constant 0 : i32
      %dma_start3A_48 = tpu.memref_slice %arg7[%run_scoped3A, %dma_start3A] : memref<5x64xi32, #tpu.memory_space<vmem>> -> memref<1x64xi32, #tpu.memory_space<vmem>>
      %dma_start3A_49 = tpu.memref_squeeze %dma_start3A_48 : memref<1x64xi32, #tpu.memory_space<vmem>> -> memref<64xi32, #tpu.memory_space<vmem>>
      %dma_start3A_50 = tpu.memref_slice %arg4[%add3A_4] : memref<10240xi32, #tpu.memory_space<hbm>> -> memref<64xi32, #tpu.memory_space<hbm>>
      %dma_start3A_51 = arith.constant 0 : i32
      %dma_start3A_52 = tpu.memref_slice %arg7[%run_scoped3A, %dma_start3A_51] : memref<5x64xi32, #tpu.memory_space<vmem>> -> memref<1x64xi32, #tpu.memory_space<vmem>>
      %dma_start3A_53 = tpu.memref_squeeze %dma_start3A_52 : memref<1x64xi32, #tpu.memory_space<vmem>> -> memref<64xi32, #tpu.memory_space<vmem>>
      %dma_start3A_54 = tpu.memref_slice %arg4[%add3A_4] : memref<10240xi32, #tpu.memory_space<hbm>> -> memref<64xi32, #tpu.memory_space<hbm>>
      tpu.enqueue_dma source(%dma_start3A_54 : memref<64xi32, #tpu.memory_space<hbm>>) target(%dma_start3A_53 : memref<64xi32, #tpu.memory_space<vmem>>) target_semaphore(%run_scoped3A_47 : memref<!tpu.dma_semaphore, #tpu.memory_space<semaphore_mem>>)
      %dma_wait3A = arith.constant 0 : i32
      %dma_wait3A_55 = tpu.memref_slice %arg7[%run_scoped3A, %dma_wait3A] : memref<5x64xi32, #tpu.memory_space<vmem>> -> memref<1x64xi32, #tpu.memory_space<vmem>>
      %dma_wait3A_56 = tpu.memref_squeeze %dma_wait3A_55 : memref<1x64xi32, #tpu.memory_space<vmem>> -> memref<64xi32, #tpu.memory_space<vmem>>
      %dma_wait3A_57 = tpu.memref_slice %arg4[%add3A_4] : memref<10240xi32, #tpu.memory_space<hbm>> -> memref<64xi32, #tpu.memory_space<hbm>>
      %dma_wait3A_58 = arith.constant 0 : i32
      %dma_wait3A_59 = tpu.memref_slice %arg7[%run_scoped3A, %dma_wait3A_58] : memref<5x64xi32, #tpu.memory_space<vmem>> -> memref<1x64xi32, #tpu.memory_space<vmem>>
      %dma_wait3A_60 = tpu.memref_squeeze %dma_wait3A_59 : memref<1x64xi32, #tpu.memory_space<vmem>> -> memref<64xi32, #tpu.memory_space<vmem>>
      %dma_wait3A_61 = tpu.memref_slice %arg4[%add3A_4] : memref<10240xi32, #tpu.memory_space<hbm>> -> memref<64xi32, #tpu.memory_space<hbm>>
      tpu.wait_dma2 semaphore(%run_scoped3A_47 : memref<!tpu.dma_semaphore, #tpu.memory_space<semaphore_mem>>) src(%dma_wait3A_61 : memref<64xi32, #tpu.memory_space<hbm>>) dst(%dma_wait3A_60 : memref<64xi32, #tpu.memory_space<vmem>>)
      tpu.yield
    }) : () -> ()
    %add3A_5 = arith.constant 0 : i32
    %add3A_6 = arith.addi %mul3A_2, %add3A_5 : i32
    "tpu.region"() ({
      %run_scoped3A_47 = tpu.sem_alloc : memref<!tpu.dma_semaphore, #tpu.memory_space<semaphore_mem>>
      %dma_start3A = arith.constant 0 : i32
      %dma_start3A_48 = tpu.memref_slice %arg2[%add3A_6, %dma_start3A] : memref<10240x128xf32, #tpu.memory_space<hbm>> -> memref<64x128xf32, #tpu.memory_space<hbm>>
      %dma_start3A_49 = arith.constant 0 : i32
      %dma_start3A_50 = tpu.memref_slice %arg2[%add3A_6, %dma_start3A_49] : memref<10240x128xf32, #tpu.memory_space<hbm>> -> memref<64x128xf32, #tpu.memory_space<hbm>>
      tpu.enqueue_dma source(%dma_start3A_50 : memref<64x128xf32, #tpu.memory_space<hbm>>) target(%arg8 : memref<64x128xf32, #tpu.memory_space<vmem>>) target_semaphore(%run_scoped3A_47 : memref<!tpu.dma_semaphore, #tpu.memory_space<semaphore_mem>>)
      %dma_wait3A = arith.constant 0 : i32
      %dma_wait3A_51 = tpu.memref_slice %arg2[%add3A_6, %dma_wait3A] : memref<10240x128xf32, #tpu.memory_space<hbm>> -> memref<64x128xf32, #tpu.memory_space<hbm>>
      %dma_wait3A_52 = arith.constant 0 : i32
      %dma_wait3A_53 = tpu.memref_slice %arg2[%add3A_6, %dma_wait3A_52] : memref<10240x128xf32, #tpu.memory_space<hbm>> -> memref<64x128xf32, #tpu.memory_space<hbm>>
      tpu.wait_dma2 semaphore(%run_scoped3A_47 : memref<!tpu.dma_semaphore, #tpu.memory_space<semaphore_mem>>) src(%dma_wait3A_53 : memref<64x128xf32, #tpu.memory_space<hbm>>) dst(%arg8 : memref<64x128xf32, #tpu.memory_space<vmem>>)
      tpu.yield
    }) : () -> ()
    %run_scoped3A_7 = arith.constant 0 : i32
    "tpu.region"() ({
      %run_scoped3A_47 = tpu.sem_alloc : memref<!tpu.dma_semaphore, #tpu.memory_space<semaphore_mem>>
      %dma_start3A = arith.constant 0 : i32
      %dma_start3A_48 = tpu.memref_slice %arg7[%run_scoped3A_7, %dma_start3A] : memref<5x64xi32, #tpu.memory_space<vmem>> -> memref<1x64xi32, #tpu.memory_space<vmem>>
      %dma_start3A_49 = tpu.memref_squeeze %dma_start3A_48 : memref<1x64xi32, #tpu.memory_space<vmem>> -> memref<64xi32, #tpu.memory_space<vmem>>
      %dma_start3A_50 = arith.constant 0 : i32
      %dma_start3A_51 = arith.constant 0 : i32
      %dma_start3A_52 = tpu.memref_slice %arg5[%dma_start3A_50, %dma_start3A_51] : memref<5008x128xf32, #tpu.memory_space<hbm>> -> memref<5008x128xf32, #tpu.memory_space<hbm>>
      tpu.enqueue_indirect_dma source(%arg8 : memref<64x128xf32, #tpu.memory_space<vmem>>) target(%dma_start3A_52 : memref<5008x128xf32, #tpu.memory_space<hbm>>) offsets(%dma_start3A_49 : memref<64xi32, #tpu.memory_space<vmem>>) semaphore(%run_scoped3A_47 : memref<!tpu.dma_semaphore, #tpu.memory_space<semaphore_mem>>)
      %dma_wait3A = arith.constant 0 : i32
      %dma_wait3A_53 = tpu.memref_slice %arg7[%run_scoped3A_7, %dma_wait3A] : memref<5x64xi32, #tpu.memory_space<vmem>> -> memref<1x64xi32, #tpu.memory_space<vmem>>
      %dma_wait3A_54 = tpu.memref_squeeze %dma_wait3A_53 : memref<1x64xi32, #tpu.memory_space<vmem>> -> memref<64xi32, #tpu.memory_space<vmem>>
      %dma_wait3A_55 = arith.constant 0 : i32
      %dma_wait3A_56 = arith.constant 0 : i32
      %dma_wait3A_57 = tpu.memref_slice %arg5[%dma_wait3A_55, %dma_wait3A_56] : memref<5008x128xf32, #tpu.memory_space<hbm>> -> memref<5008x128xf32, #tpu.memory_space<hbm>>
      tpu.wait_indirect_dma semaphore(%run_scoped3A_47 : memref<!tpu.dma_semaphore, #tpu.memory_space<semaphore_mem>>) src(%arg8 : memref<64x128xf32, #tpu.memory_space<vmem>>) dst(%dma_wait3A_57 : memref<5008x128xf32, #tpu.memory_space<hbm>>)
      tpu.yield
    }) : () -> ()
    %add3A_8 = arith.constant 0 : i32
    %add3A_9 = arith.addi %mul3A_2, %add3A_8 : i32
    "tpu.region"() ({
      %run_scoped3A_47 = tpu.sem_alloc : memref<!tpu.dma_semaphore, #tpu.memory_space<semaphore_mem>>
      %dma_start3A = arith.constant 0 : i32
      %dma_start3A_48 = tpu.memref_slice %arg3[%add3A_9, %dma_start3A] : memref<10240x128xf32, #tpu.memory_space<hbm>> -> memref<64x128xf32, #tpu.memory_space<hbm>>
      %dma_start3A_49 = arith.constant 0 : i32
      %dma_start3A_50 = tpu.memref_slice %arg3[%add3A_9, %dma_start3A_49] : memref<10240x128xf32, #tpu.memory_space<hbm>> -> memref<64x128xf32, #tpu.memory_space<hbm>>
      tpu.enqueue_dma source(%dma_start3A_50 : memref<64x128xf32, #tpu.memory_space<hbm>>) target(%arg9 : memref<64x128xf32, #tpu.memory_space<vmem>>) target_semaphore(%run_scoped3A_47 : memref<!tpu.dma_semaphore, #tpu.memory_space<semaphore_mem>>)
      %dma_wait3A = arith.constant 0 : i32
      %dma_wait3A_51 = tpu.memref_slice %arg3[%add3A_9, %dma_wait3A] : memref<10240x128xf32, #tpu.memory_space<hbm>> -> memref<64x128xf32, #tpu.memory_space<hbm>>
      %dma_wait3A_52 = arith.constant 0 : i32
      %dma_wait3A_53 = tpu.memref_slice %arg3[%add3A_9, %dma_wait3A_52] : memref<10240x128xf32, #tpu.memory_space<hbm>> -> memref<64x128xf32, #tpu.memory_space<hbm>>
      tpu.wait_dma2 semaphore(%run_scoped3A_47 : memref<!tpu.dma_semaphore, #tpu.memory_space<semaphore_mem>>) src(%dma_wait3A_53 : memref<64x128xf32, #tpu.memory_space<hbm>>) dst(%arg9 : memref<64x128xf32, #tpu.memory_space<vmem>>)
      tpu.yield
    }) : () -> ()
    %run_scoped3A_10 = arith.constant 0 : i32
    "tpu.region"() ({
      %run_scoped3A_47 = tpu.sem_alloc : memref<!tpu.dma_semaphore, #tpu.memory_space<semaphore_mem>>
      %dma_start3A = arith.constant 0 : i32
      %dma_start3A_48 = tpu.memref_slice %arg7[%run_scoped3A_10, %dma_start3A] : memref<5x64xi32, #tpu.memory_space<vmem>> -> memref<1x64xi32, #tpu.memory_space<vmem>>
      %dma_start3A_49 = tpu.memref_squeeze %dma_start3A_48 : memref<1x64xi32, #tpu.memory_space<vmem>> -> memref<64xi32, #tpu.memory_space<vmem>>
      %dma_start3A_50 = arith.constant 0 : i32
      %dma_start3A_51 = arith.constant 0 : i32
      %dma_start3A_52 = tpu.memref_slice %arg6[%dma_start3A_50, %dma_start3A_51] : memref<5008x128xf32, #tpu.memory_space<hbm>> -> memref<5008x128xf32, #tpu.memory_space<hbm>>
      tpu.enqueue_indirect_dma source(%arg9 : memref<64x128xf32, #tpu.memory_space<vmem>>) target(%dma_start3A_52 : memref<5008x128xf32, #tpu.memory_space<hbm>>) offsets(%dma_start3A_49 : memref<64xi32, #tpu.memory_space<vmem>>) semaphore(%run_scoped3A_47 : memref<!tpu.dma_semaphore, #tpu.memory_space<semaphore_mem>>)
      %dma_wait3A = arith.constant 0 : i32
      %dma_wait3A_53 = tpu.memref_slice %arg7[%run_scoped3A_10, %dma_wait3A] : memref<5x64xi32, #tpu.memory_space<vmem>> -> memref<1x64xi32, #tpu.memory_space<vmem>>
      %dma_wait3A_54 = tpu.memref_squeeze %dma_wait3A_53 : memref<1x64xi32, #tpu.memory_space<vmem>> -> memref<64xi32, #tpu.memory_space<vmem>>
      %dma_wait3A_55 = arith.constant 0 : i32
      %dma_wait3A_56 = arith.constant 0 : i32
      %dma_wait3A_57 = tpu.memref_slice %arg6[%dma_wait3A_55, %dma_wait3A_56] : memref<5008x128xf32, #tpu.memory_space<hbm>> -> memref<5008x128xf32, #tpu.memory_space<hbm>>
      tpu.wait_indirect_dma semaphore(%run_scoped3A_47 : memref<!tpu.dma_semaphore, #tpu.memory_space<semaphore_mem>>) src(%arg9 : memref<64x128xf32, #tpu.memory_space<vmem>>) dst(%dma_wait3A_57 : memref<5008x128xf32, #tpu.memory_space<hbm>>)
      tpu.yield
    }) : () -> ()
    %add3A_11 = arith.constant 64 : i32
    %add3A_12 = arith.addi %mul3A_2, %add3A_11 : i32
    %run_scoped3A_13 = arith.constant 1 : i32
    "tpu.region"() ({
      %run_scoped3A_47 = tpu.sem_alloc : memref<!tpu.dma_semaphore, #tpu.memory_space<semaphore_mem>>
      %dma_start3A = arith.constant 0 : i32
      %dma_start3A_48 = tpu.memref_slice %arg7[%run_scoped3A_13, %dma_start3A] : memref<5x64xi32, #tpu.memory_space<vmem>> -> memref<1x64xi32, #tpu.memory_space<vmem>>
      %dma_start3A_49 = tpu.memref_squeeze %dma_start3A_48 : memref<1x64xi32, #tpu.memory_space<vmem>> -> memref<64xi32, #tpu.memory_space<vmem>>
      %dma_start3A_50 = tpu.memref_slice %arg4[%add3A_12] : memref<10240xi32, #tpu.memory_space<hbm>> -> memref<64xi32, #tpu.memory_space<hbm>>
      %dma_start3A_51 = arith.constant 0 : i32
      %dma_start3A_52 = tpu.memref_slice %arg7[%run_scoped3A_13, %dma_start3A_51] : memref<5x64xi32, #tpu.memory_space<vmem>> -> memref<1x64xi32, #tpu.memory_space<vmem>>
      %dma_start3A_53 = tpu.memref_squeeze %dma_start3A_52 : memref<1x64xi32, #tpu.memory_space<vmem>> -> memref<64xi32, #tpu.memory_space<vmem>>
      %dma_start3A_54 = tpu.memref_slice %arg4[%add3A_12] : memref<10240xi32, #tpu.memory_space<hbm>> -> memref<64xi32, #tpu.memory_space<hbm>>
      tpu.enqueue_dma source(%dma_start3A_54 : memref<64xi32, #tpu.memory_space<hbm>>) target(%dma_start3A_53 : memref<64xi32, #tpu.memory_space<vmem>>) target_semaphore(%run_scoped3A_47 : memref<!tpu.dma_semaphore, #tpu.memory_space<semaphore_mem>>)
      %dma_wait3A = arith.constant 0 : i32
      %dma_wait3A_55 = tpu.memref_slice %arg7[%run_scoped3A_13, %dma_wait3A] : memref<5x64xi32, #tpu.memory_space<vmem>> -> memref<1x64xi32, #tpu.memory_space<vmem>>
      %dma_wait3A_56 = tpu.memref_squeeze %dma_wait3A_55 : memref<1x64xi32, #tpu.memory_space<vmem>> -> memref<64xi32, #tpu.memory_space<vmem>>
      %dma_wait3A_57 = tpu.memref_slice %arg4[%add3A_12] : memref<10240xi32, #tpu.memory_space<hbm>> -> memref<64xi32, #tpu.memory_space<hbm>>
      %dma_wait3A_58 = arith.constant 0 : i32
      %dma_wait3A_59 = tpu.memref_slice %arg7[%run_scoped3A_13, %dma_wait3A_58] : memref<5x64xi32, #tpu.memory_space<vmem>> -> memref<1x64xi32, #tpu.memory_space<vmem>>
      %dma_wait3A_60 = tpu.memref_squeeze %dma_wait3A_59 : memref<1x64xi32, #tpu.memory_space<vmem>> -> memref<64xi32, #tpu.memory_space<vmem>>
      %dma_wait3A_61 = tpu.memref_slice %arg4[%add3A_12] : memref<10240xi32, #tpu.memory_space<hbm>> -> memref<64xi32, #tpu.memory_space<hbm>>
      tpu.wait_dma2 semaphore(%run_scoped3A_47 : memref<!tpu.dma_semaphore, #tpu.memory_space<semaphore_mem>>) src(%dma_wait3A_61 : memref<64xi32, #tpu.memory_space<hbm>>) dst(%dma_wait3A_60 : memref<64xi32, #tpu.memory_space<vmem>>)
      tpu.yield
    }) : () -> ()
    %add3A_14 = arith.constant 64 : i32
    %add3A_15 = arith.addi %mul3A_2, %add3A_14 : i32
    "tpu.region"() ({
      %run_scoped3A_47 = tpu.sem_alloc : memref<!tpu.dma_semaphore, #tpu.memory_space<semaphore_mem>>
      %dma_start3A = arith.constant 0 : i32
      %dma_start3A_48 = tpu.memref_slice %arg2[%add3A_15, %dma_start3A] : memref<10240x128xf32, #tpu.memory_space<hbm>> -> memref<64x128xf32, #tpu.memory_space<hbm>>
      %dma_start3A_49 = arith.constant 0 : i32
      %dma_start3A_50 = tpu.memref_slice %arg2[%add3A_15, %dma_start3A_49] : memref<10240x128xf32, #tpu.memory_space<hbm>> -> memref<64x128xf32, #tpu.memory_space<hbm>>
      tpu.enqueue_dma source(%dma_start3A_50 : memref<64x128xf32, #tpu.memory_space<hbm>>) target(%arg8 : memref<64x128xf32, #tpu.memory_space<vmem>>) target_semaphore(%run_scoped3A_47 : memref<!tpu.dma_semaphore, #tpu.memory_space<semaphore_mem>>)
      %dma_wait3A = arith.constant 0 : i32
      %dma_wait3A_51 = tpu.memref_slice %arg2[%add3A_15, %dma_wait3A] : memref<10240x128xf32, #tpu.memory_space<hbm>> -> memref<64x128xf32, #tpu.memory_space<hbm>>
      %dma_wait3A_52 = arith.constant 0 : i32
      %dma_wait3A_53 = tpu.memref_slice %arg2[%add3A_15, %dma_wait3A_52] : memref<10240x128xf32, #tpu.memory_space<hbm>> -> memref<64x128xf32, #tpu.memory_space<hbm>>
      tpu.wait_dma2 semaphore(%run_scoped3A_47 : memref<!tpu.dma_semaphore, #tpu.memory_space<semaphore_mem>>) src(%dma_wait3A_53 : memref<64x128xf32, #tpu.memory_space<hbm>>) dst(%arg8 : memref<64x128xf32, #tpu.memory_space<vmem>>)
      tpu.yield
    }) : () -> ()
    %run_scoped3A_16 = arith.constant 1 : i32
    "tpu.region"() ({
      %run_scoped3A_47 = tpu.sem_alloc : memref<!tpu.dma_semaphore, #tpu.memory_space<semaphore_mem>>
      %dma_start3A = arith.constant 0 : i32
      %dma_start3A_48 = tpu.memref_slice %arg7[%run_scoped3A_16, %dma_start3A] : memref<5x64xi32, #tpu.memory_space<vmem>> -> memref<1x64xi32, #tpu.memory_space<vmem>>
      %dma_start3A_49 = tpu.memref_squeeze %dma_start3A_48 : memref<1x64xi32, #tpu.memory_space<vmem>> -> memref<64xi32, #tpu.memory_space<vmem>>
      %dma_start3A_50 = arith.constant 0 : i32
      %dma_start3A_51 = arith.constant 0 : i32
      %dma_start3A_52 = tpu.memref_slice %arg5[%dma_start3A_50, %dma_start3A_51] : memref<5008x128xf32, #tpu.memory_space<hbm>> -> memref<5008x128xf32, #tpu.memory_space<hbm>>
      tpu.enqueue_indirect_dma source(%arg8 : memref<64x128xf32, #tpu.memory_space<vmem>>) target(%dma_start3A_52 : memref<5008x128xf32, #tpu.memory_space<hbm>>) offsets(%dma_start3A_49 : memref<64xi32, #tpu.memory_space<vmem>>) semaphore(%run_scoped3A_47 : memref<!tpu.dma_semaphore, #tpu.memory_space<semaphore_mem>>)
      %dma_wait3A = arith.constant 0 : i32
      %dma_wait3A_53 = tpu.memref_slice %arg7[%run_scoped3A_16, %dma_wait3A] : memref<5x64xi32, #tpu.memory_space<vmem>> -> memref<1x64xi32, #tpu.memory_space<vmem>>
      %dma_wait3A_54 = tpu.memref_squeeze %dma_wait3A_53 : memref<1x64xi32, #tpu.memory_space<vmem>> -> memref<64xi32, #tpu.memory_space<vmem>>
      %dma_wait3A_55 = arith.constant 0 : i32
      %dma_wait3A_56 = arith.constant 0 : i32
      %dma_wait3A_57 = tpu.memref_slice %arg5[%dma_wait3A_55, %dma_wait3A_56] : memref<5008x128xf32, #tpu.memory_space<hbm>> -> memref<5008x128xf32, #tpu.memory_space<hbm>>
      tpu.wait_indirect_dma semaphore(%run_scoped3A_47 : memref<!tpu.dma_semaphore, #tpu.memory_space<semaphore_mem>>) src(%arg8 : memref<64x128xf32, #tpu.memory_space<vmem>>) dst(%dma_wait3A_57 : memref<5008x128xf32, #tpu.memory_space<hbm>>)
      tpu.yield
    }) : () -> ()
    %add3A_17 = arith.constant 64 : i32
    %add3A_18 = arith.addi %mul3A_2, %add3A_17 : i32
    "tpu.region"() ({
      %run_scoped3A_47 = tpu.sem_alloc : memref<!tpu.dma_semaphore, #tpu.memory_space<semaphore_mem>>
      %dma_start3A = arith.constant 0 : i32
      %dma_start3A_48 = tpu.memref_slice %arg3[%add3A_18, %dma_start3A] : memref<10240x128xf32, #tpu.memory_space<hbm>> -> memref<64x128xf32, #tpu.memory_space<hbm>>
      %dma_start3A_49 = arith.constant 0 : i32
      %dma_start3A_50 = tpu.memref_slice %arg3[%add3A_18, %dma_start3A_49] : memref<10240x128xf32, #tpu.memory_space<hbm>> -> memref<64x128xf32, #tpu.memory_space<hbm>>
      tpu.enqueue_dma source(%dma_start3A_50 : memref<64x128xf32, #tpu.memory_space<hbm>>) target(%arg9 : memref<64x128xf32, #tpu.memory_space<vmem>>) target_semaphore(%run_scoped3A_47 : memref<!tpu.dma_semaphore, #tpu.memory_space<semaphore_mem>>)
      %dma_wait3A = arith.constant 0 : i32
      %dma_wait3A_51 = tpu.memref_slice %arg3[%add3A_18, %dma_wait3A] : memref<10240x128xf32, #tpu.memory_space<hbm>> -> memref<64x128xf32, #tpu.memory_space<hbm>>
      %dma_wait3A_52 = arith.constant 0 : i32
      %dma_wait3A_53 = tpu.memref_slice %arg3[%add3A_18, %dma_wait3A_52] : memref<10240x128xf32, #tpu.memory_space<hbm>> -> memref<64x128xf32, #tpu.memory_space<hbm>>
      tpu.wait_dma2 semaphore(%run_scoped3A_47 : memref<!tpu.dma_semaphore, #tpu.memory_space<semaphore_mem>>) src(%dma_wait3A_53 : memref<64x128xf32, #tpu.memory_space<hbm>>) dst(%arg9 : memref<64x128xf32, #tpu.memory_space<vmem>>)
      tpu.yield
    }) : () -> ()
    %run_scoped3A_19 = arith.constant 1 : i32
    "tpu.region"() ({
      %run_scoped3A_47 = tpu.sem_alloc : memref<!tpu.dma_semaphore, #tpu.memory_space<semaphore_mem>>
      %dma_start3A = arith.constant 0 : i32
      %dma_start3A_48 = tpu.memref_slice %arg7[%run_scoped3A_19, %dma_start3A] : memref<5x64xi32, #tpu.memory_space<vmem>> -> memref<1x64xi32, #tpu.memory_space<vmem>>
      %dma_start3A_49 = tpu.memref_squeeze %dma_start3A_48 : memref<1x64xi32, #tpu.memory_space<vmem>> -> memref<64xi32, #tpu.memory_space<vmem>>
      %dma_start3A_50 = arith.constant 0 : i32
      %dma_start3A_51 = arith.constant 0 : i32
      %dma_start3A_52 = tpu.memref_slice %arg6[%dma_start3A_50, %dma_start3A_51] : memref<5008x128xf32, #tpu.memory_space<hbm>> -> memref<5008x128xf32, #tpu.memory_space<hbm>>
      tpu.enqueue_indirect_dma source(%arg9 : memref<64x128xf32, #tpu.memory_space<vmem>>) target(%dma_start3A_52 : memref<5008x128xf32, #tpu.memory_space<hbm>>) offsets(%dma_start3A_49 : memref<64xi32, #tpu.memory_space<vmem>>) semaphore(%run_scoped3A_47 : memref<!tpu.dma_semaphore, #tpu.memory_space<semaphore_mem>>)
      %dma_wait3A = arith.constant 0 : i32
      %dma_wait3A_53 = tpu.memref_slice %arg7[%run_scoped3A_19, %dma_wait3A] : memref<5x64xi32, #tpu.memory_space<vmem>> -> memref<1x64xi32, #tpu.memory_space<vmem>>
      %dma_wait3A_54 = tpu.memref_squeeze %dma_wait3A_53 : memref<1x64xi32, #tpu.memory_space<vmem>> -> memref<64xi32, #tpu.memory_space<vmem>>
      %dma_wait3A_55 = arith.constant 0 : i32
      %dma_wait3A_56 = arith.constant 0 : i32
      %dma_wait3A_57 = tpu.memref_slice %arg6[%dma_wait3A_55, %dma_wait3A_56] : memref<5008x128xf32, #tpu.memory_space<hbm>> -> memref<5008x128xf32, #tpu.memory_space<hbm>>
      tpu.wait_indirect_dma semaphore(%run_scoped3A_47 : memref<!tpu.dma_semaphore, #tpu.memory_space<semaphore_mem>>) src(%arg9 : memref<64x128xf32, #tpu.memory_space<vmem>>) dst(%dma_wait3A_57 : memref<5008x128xf32, #tpu.memory_space<hbm>>)
      tpu.yield
    }) : () -> ()
    %add3A_20 = arith.constant 128 : i32
    %add3A_21 = arith.addi %mul3A_2, %add3A_20 : i32
    %run_scoped3A_22 = arith.constant 2 : i32
    "tpu.region"() ({
      %run_scoped3A_47 = tpu.sem_alloc : memref<!tpu.dma_semaphore, #tpu.memory_space<semaphore_mem>>
      %dma_start3A = arith.constant 0 : i32
      %dma_start3A_48 = tpu.memref_slice %arg7[%run_scoped3A_22, %dma_start3A] : memref<5x64xi32, #tpu.memory_space<vmem>> -> memref<1x64xi32, #tpu.memory_space<vmem>>
      %dma_start3A_49 = tpu.memref_squeeze %dma_start3A_48 : memref<1x64xi32, #tpu.memory_space<vmem>> -> memref<64xi32, #tpu.memory_space<vmem>>
      %dma_start3A_50 = tpu.memref_slice %arg4[%add3A_21] : memref<10240xi32, #tpu.memory_space<hbm>> -> memref<64xi32, #tpu.memory_space<hbm>>
      %dma_start3A_51 = arith.constant 0 : i32
      %dma_start3A_52 = tpu.memref_slice %arg7[%run_scoped3A_22, %dma_start3A_51] : memref<5x64xi32, #tpu.memory_space<vmem>> -> memref<1x64xi32, #tpu.memory_space<vmem>>
      %dma_start3A_53 = tpu.memref_squeeze %dma_start3A_52 : memref<1x64xi32, #tpu.memory_space<vmem>> -> memref<64xi32, #tpu.memory_space<vmem>>
      %dma_start3A_54 = tpu.memref_slice %arg4[%add3A_21] : memref<10240xi32, #tpu.memory_space<hbm>> -> memref<64xi32, #tpu.memory_space<hbm>>
      tpu.enqueue_dma source(%dma_start3A_54 : memref<64xi32, #tpu.memory_space<hbm>>) target(%dma_start3A_53 : memref<64xi32, #tpu.memory_space<vmem>>) target_semaphore(%run_scoped3A_47 : memref<!tpu.dma_semaphore, #tpu.memory_space<semaphore_mem>>)
      %dma_wait3A = arith.constant 0 : i32
      %dma_wait3A_55 = tpu.memref_slice %arg7[%run_scoped3A_22, %dma_wait3A] : memref<5x64xi32, #tpu.memory_space<vmem>> -> memref<1x64xi32, #tpu.memory_space<vmem>>
      %dma_wait3A_56 = tpu.memref_squeeze %dma_wait3A_55 : memref<1x64xi32, #tpu.memory_space<vmem>> -> memref<64xi32, #tpu.memory_space<vmem>>
      %dma_wait3A_57 = tpu.memref_slice %arg4[%add3A_21] : memref<10240xi32, #tpu.memory_space<hbm>> -> memref<64xi32, #tpu.memory_space<hbm>>
      %dma_wait3A_58 = arith.constant 0 : i32
      %dma_wait3A_59 = tpu.memref_slice %arg7[%run_scoped3A_22, %dma_wait3A_58] : memref<5x64xi32, #tpu.memory_space<vmem>> -> memref<1x64xi32, #tpu.memory_space<vmem>>
      %dma_wait3A_60 = tpu.memref_squeeze %dma_wait3A_59 : memref<1x64xi32, #tpu.memory_space<vmem>> -> memref<64xi32, #tpu.memory_space<vmem>>
      %dma_wait3A_61 = tpu.memref_slice %arg4[%add3A_21] : memref<10240xi32, #tpu.memory_space<hbm>> -> memref<64xi32, #tpu.memory_space<hbm>>
      tpu.wait_dma2 semaphore(%run_scoped3A_47 : memref<!tpu.dma_semaphore, #tpu.memory_space<semaphore_mem>>) src(%dma_wait3A_61 : memref<64xi32, #tpu.memory_space<hbm>>) dst(%dma_wait3A_60 : memref<64xi32, #tpu.memory_space<vmem>>)
      tpu.yield
    }) : () -> ()
    %add3A_23 = arith.constant 128 : i32
    %add3A_24 = arith.addi %mul3A_2, %add3A_23 : i32
    "tpu.region"() ({
      %run_scoped3A_47 = tpu.sem_alloc : memref<!tpu.dma_semaphore, #tpu.memory_space<semaphore_mem>>
      %dma_start3A = arith.constant 0 : i32
      %dma_start3A_48 = tpu.memref_slice %arg2[%add3A_24, %dma_start3A] : memref<10240x128xf32, #tpu.memory_space<hbm>> -> memref<64x128xf32, #tpu.memory_space<hbm>>
      %dma_start3A_49 = arith.constant 0 : i32
      %dma_start3A_50 = tpu.memref_slice %arg2[%add3A_24, %dma_start3A_49] : memref<10240x128xf32, #tpu.memory_space<hbm>> -> memref<64x128xf32, #tpu.memory_space<hbm>>
      tpu.enqueue_dma source(%dma_start3A_50 : memref<64x128xf32, #tpu.memory_space<hbm>>) target(%arg8 : memref<64x128xf32, #tpu.memory_space<vmem>>) target_semaphore(%run_scoped3A_47 : memref<!tpu.dma_semaphore, #tpu.memory_space<semaphore_mem>>)
      %dma_wait3A = arith.constant 0 : i32
      %dma_wait3A_51 = tpu.memref_slice %arg2[%add3A_24, %dma_wait3A] : memref<10240x128xf32, #tpu.memory_space<hbm>> -> memref<64x128xf32, #tpu.memory_space<hbm>>
      %dma_wait3A_52 = arith.constant 0 : i32
      %dma_wait3A_53 = tpu.memref_slice %arg2[%add3A_24, %dma_wait3A_52] : memref<10240x128xf32, #tpu.memory_space<hbm>> -> memref<64x128xf32, #tpu.memory_space<hbm>>
      tpu.wait_dma2 semaphore(%run_scoped3A_47 : memref<!tpu.dma_semaphore, #tpu.memory_space<semaphore_mem>>) src(%dma_wait3A_53 : memref<64x128xf32, #tpu.memory_space<hbm>>) dst(%arg8 : memref<64x128xf32, #tpu.memory_space<vmem>>)
      tpu.yield
    }) : () -> ()
    %run_scoped3A_25 = arith.constant 2 : i32
    "tpu.region"() ({
      %run_scoped3A_47 = tpu.sem_alloc : memref<!tpu.dma_semaphore, #tpu.memory_space<semaphore_mem>>
      %dma_start3A = arith.constant 0 : i32
      %dma_start3A_48 = tpu.memref_slice %arg7[%run_scoped3A_25, %dma_start3A] : memref<5x64xi32, #tpu.memory_space<vmem>> -> memref<1x64xi32, #tpu.memory_space<vmem>>
      %dma_start3A_49 = tpu.memref_squeeze %dma_start3A_48 : memref<1x64xi32, #tpu.memory_space<vmem>> -> memref<64xi32, #tpu.memory_space<vmem>>
      %dma_start3A_50 = arith.constant 0 : i32
      %dma_start3A_51 = arith.constant 0 : i32
      %dma_start3A_52 = tpu.memref_slice %arg5[%dma_start3A_50, %dma_start3A_51] : memref<5008x128xf32, #tpu.memory_space<hbm>> -> memref<5008x128xf32, #tpu.memory_space<hbm>>
      tpu.enqueue_indirect_dma source(%arg8 : memref<64x128xf32, #tpu.memory_space<vmem>>) target(%dma_start3A_52 : memref<5008x128xf32, #tpu.memory_space<hbm>>) offsets(%dma_start3A_49 : memref<64xi32, #tpu.memory_space<vmem>>) semaphore(%run_scoped3A_47 : memref<!tpu.dma_semaphore, #tpu.memory_space<semaphore_mem>>)
      %dma_wait3A = arith.constant 0 : i32
      %dma_wait3A_53 = tpu.memref_slice %arg7[%run_scoped3A_25, %dma_wait3A] : memref<5x64xi32, #tpu.memory_space<vmem>> -> memref<1x64xi32, #tpu.memory_space<vmem>>
      %dma_wait3A_54 = tpu.memref_squeeze %dma_wait3A_53 : memref<1x64xi32, #tpu.memory_space<vmem>> -> memref<64xi32, #tpu.memory_space<vmem>>
      %dma_wait3A_55 = arith.constant 0 : i32
      %dma_wait3A_56 = arith.constant 0 : i32
      %dma_wait3A_57 = tpu.memref_slice %arg5[%dma_wait3A_55, %dma_wait3A_56] : memref<5008x128xf32, #tpu.memory_space<hbm>> -> memref<5008x128xf32, #tpu.memory_space<hbm>>
      tpu.wait_indirect_dma semaphore(%run_scoped3A_47 : memref<!tpu.dma_semaphore, #tpu.memory_space<semaphore_mem>>) src(%arg8 : memref<64x128xf32, #tpu.memory_space<vmem>>) dst(%dma_wait3A_57 : memref<5008x128xf32, #tpu.memory_space<hbm>>)
      tpu.yield
    }) : () -> ()
    %add3A_26 = arith.constant 128 : i32
    %add3A_27 = arith.addi %mul3A_2, %add3A_26 : i32
    "tpu.region"() ({
      %run_scoped3A_47 = tpu.sem_alloc : memref<!tpu.dma_semaphore, #tpu.memory_space<semaphore_mem>>
      %dma_start3A = arith.constant 0 : i32
      %dma_start3A_48 = tpu.memref_slice %arg3[%add3A_27, %dma_start3A] : memref<10240x128xf32, #tpu.memory_space<hbm>> -> memref<64x128xf32, #tpu.memory_space<hbm>>
      %dma_start3A_49 = arith.constant 0 : i32
      %dma_start3A_50 = tpu.memref_slice %arg3[%add3A_27, %dma_start3A_49] : memref<10240x128xf32, #tpu.memory_space<hbm>> -> memref<64x128xf32, #tpu.memory_space<hbm>>
      tpu.enqueue_dma source(%dma_start3A_50 : memref<64x128xf32, #tpu.memory_space<hbm>>) target(%arg9 : memref<64x128xf32, #tpu.memory_space<vmem>>) target_semaphore(%run_scoped3A_47 : memref<!tpu.dma_semaphore, #tpu.memory_space<semaphore_mem>>)
      %dma_wait3A = arith.constant 0 : i32
      %dma_wait3A_51 = tpu.memref_slice %arg3[%add3A_27, %dma_wait3A] : memref<10240x128xf32, #tpu.memory_space<hbm>> -> memref<64x128xf32, #tpu.memory_space<hbm>>
      %dma_wait3A_52 = arith.constant 0 : i32
      %dma_wait3A_53 = tpu.memref_slice %arg3[%add3A_27, %dma_wait3A_52] : memref<10240x128xf32, #tpu.memory_space<hbm>> -> memref<64x128xf32, #tpu.memory_space<hbm>>
      tpu.wait_dma2 semaphore(%run_scoped3A_47 : memref<!tpu.dma_semaphore, #tpu.memory_space<semaphore_mem>>) src(%dma_wait3A_53 : memref<64x128xf32, #tpu.memory_space<hbm>>) dst(%arg9 : memref<64x128xf32, #tpu.memory_space<vmem>>)
      tpu.yield
    }) : () -> ()
    %run_scoped3A_28 = arith.constant 2 : i32
    "tpu.region"() ({
      %run_scoped3A_47 = tpu.sem_alloc : memref<!tpu.dma_semaphore, #tpu.memory_space<semaphore_mem>>
      %dma_start3A = arith.constant 0 : i32
      %dma_start3A_48 = tpu.memref_slice %arg7[%run_scoped3A_28, %dma_start3A] : memref<5x64xi32, #tpu.memory_space<vmem>> -> memref<1x64xi32, #tpu.memory_space<vmem>>
      %dma_start3A_49 = tpu.memref_squeeze %dma_start3A_48 : memref<1x64xi32, #tpu.memory_space<vmem>> -> memref<64xi32, #tpu.memory_space<vmem>>
      %dma_start3A_50 = arith.constant 0 : i32
      %dma_start3A_51 = arith.constant 0 : i32
      %dma_start3A_52 = tpu.memref_slice %arg6[%dma_start3A_50, %dma_start3A_51] : memref<5008x128xf32, #tpu.memory_space<hbm>> -> memref<5008x128xf32, #tpu.memory_space<hbm>>
      tpu.enqueue_indirect_dma source(%arg9 : memref<64x128xf32, #tpu.memory_space<vmem>>) target(%dma_start3A_52 : memref<5008x128xf32, #tpu.memory_space<hbm>>) offsets(%dma_start3A_49 : memref<64xi32, #tpu.memory_space<vmem>>) semaphore(%run_scoped3A_47 : memref<!tpu.dma_semaphore, #tpu.memory_space<semaphore_mem>>)
      %dma_wait3A = arith.constant 0 : i32
      %dma_wait3A_53 = tpu.memref_slice %arg7[%run_scoped3A_28, %dma_wait3A] : memref<5x64xi32, #tpu.memory_space<vmem>> -> memref<1x64xi32, #tpu.memory_space<vmem>>
      %dma_wait3A_54 = tpu.memref_squeeze %dma_wait3A_53 : memref<1x64xi32, #tpu.memory_space<vmem>> -> memref<64xi32, #tpu.memory_space<vmem>>
      %dma_wait3A_55 = arith.constant 0 : i32
      %dma_wait3A_56 = arith.constant 0 : i32
      %dma_wait3A_57 = tpu.memref_slice %arg6[%dma_wait3A_55, %dma_wait3A_56] : memref<5008x128xf32, #tpu.memory_space<hbm>> -> memref<5008x128xf32, #tpu.memory_space<hbm>>
      tpu.wait_indirect_dma semaphore(%run_scoped3A_47 : memref<!tpu.dma_semaphore, #tpu.memory_space<semaphore_mem>>) src(%arg9 : memref<64x128xf32, #tpu.memory_space<vmem>>) dst(%dma_wait3A_57 : memref<5008x128xf32, #tpu.memory_space<hbm>>)
      tpu.yield
    }) : () -> ()
    %add3A_29 = arith.constant 192 : i32
    %add3A_30 = arith.addi %mul3A_2, %add3A_29 : i32
    %run_scoped3A_31 = arith.constant 3 : i32
    "tpu.region"() ({
      %run_scoped3A_47 = tpu.sem_alloc : memref<!tpu.dma_semaphore, #tpu.memory_space<semaphore_mem>>
      %dma_start3A = arith.constant 0 : i32
      %dma_start3A_48 = tpu.memref_slice %arg7[%run_scoped3A_31, %dma_start3A] : memref<5x64xi32, #tpu.memory_space<vmem>> -> memref<1x64xi32, #tpu.memory_space<vmem>>
      %dma_start3A_49 = tpu.memref_squeeze %dma_start3A_48 : memref<1x64xi32, #tpu.memory_space<vmem>> -> memref<64xi32, #tpu.memory_space<vmem>>
      %dma_start3A_50 = tpu.memref_slice %arg4[%add3A_30] : memref<10240xi32, #tpu.memory_space<hbm>> -> memref<64xi32, #tpu.memory_space<hbm>>
      %dma_start3A_51 = arith.constant 0 : i32
      %dma_start3A_52 = tpu.memref_slice %arg7[%run_scoped3A_31, %dma_start3A_51] : memref<5x64xi32, #tpu.memory_space<vmem>> -> memref<1x64xi32, #tpu.memory_space<vmem>>
      %dma_start3A_53 = tpu.memref_squeeze %dma_start3A_52 : memref<1x64xi32, #tpu.memory_space<vmem>> -> memref<64xi32, #tpu.memory_space<vmem>>
      %dma_start3A_54 = tpu.memref_slice %arg4[%add3A_30] : memref<10240xi32, #tpu.memory_space<hbm>> -> memref<64xi32, #tpu.memory_space<hbm>>
      tpu.enqueue_dma source(%dma_start3A_54 : memref<64xi32, #tpu.memory_space<hbm>>) target(%dma_start3A_53 : memref<64xi32, #tpu.memory_space<vmem>>) target_semaphore(%run_scoped3A_47 : memref<!tpu.dma_semaphore, #tpu.memory_space<semaphore_mem>>)
      %dma_wait3A = arith.constant 0 : i32
      %dma_wait3A_55 = tpu.memref_slice %arg7[%run_scoped3A_31, %dma_wait3A] : memref<5x64xi32, #tpu.memory_space<vmem>> -> memref<1x64xi32, #tpu.memory_space<vmem>>
      %dma_wait3A_56 = tpu.memref_squeeze %dma_wait3A_55 : memref<1x64xi32, #tpu.memory_space<vmem>> -> memref<64xi32, #tpu.memory_space<vmem>>
      %dma_wait3A_57 = tpu.memref_slice %arg4[%add3A_30] : memref<10240xi32, #tpu.memory_space<hbm>> -> memref<64xi32, #tpu.memory_space<hbm>>
      %dma_wait3A_58 = arith.constant 0 : i32
      %dma_wait3A_59 = tpu.memref_slice %arg7[%run_scoped3A_31, %dma_wait3A_58] : memref<5x64xi32, #tpu.memory_space<vmem>> -> memref<1x64xi32, #tpu.memory_space<vmem>>
      %dma_wait3A_60 = tpu.memref_squeeze %dma_wait3A_59 : memref<1x64xi32, #tpu.memory_space<vmem>> -> memref<64xi32, #tpu.memory_space<vmem>>
      %dma_wait3A_61 = tpu.memref_slice %arg4[%add3A_30] : memref<10240xi32, #tpu.memory_space<hbm>> -> memref<64xi32, #tpu.memory_space<hbm>>
      tpu.wait_dma2 semaphore(%run_scoped3A_47 : memref<!tpu.dma_semaphore, #tpu.memory_space<semaphore_mem>>) src(%dma_wait3A_61 : memref<64xi32, #tpu.memory_space<hbm>>) dst(%dma_wait3A_60 : memref<64xi32, #tpu.memory_space<vmem>>)
      tpu.yield
    }) : () -> ()
    %add3A_32 = arith.constant 192 : i32
    %add3A_33 = arith.addi %mul3A_2, %add3A_32 : i32
    "tpu.region"() ({
      %run_scoped3A_47 = tpu.sem_alloc : memref<!tpu.dma_semaphore, #tpu.memory_space<semaphore_mem>>
      %dma_start3A = arith.constant 0 : i32
      %dma_start3A_48 = tpu.memref_slice %arg2[%add3A_33, %dma_start3A] : memref<10240x128xf32, #tpu.memory_space<hbm>> -> memref<64x128xf32, #tpu.memory_space<hbm>>
      %dma_start3A_49 = arith.constant 0 : i32
      %dma_start3A_50 = tpu.memref_slice %arg2[%add3A_33, %dma_start3A_49] : memref<10240x128xf32, #tpu.memory_space<hbm>> -> memref<64x128xf32, #tpu.memory_space<hbm>>
      tpu.enqueue_dma source(%dma_start3A_50 : memref<64x128xf32, #tpu.memory_space<hbm>>) target(%arg8 : memref<64x128xf32, #tpu.memory_space<vmem>>) target_semaphore(%run_scoped3A_47 : memref<!tpu.dma_semaphore, #tpu.memory_space<semaphore_mem>>)
      %dma_wait3A = arith.constant 0 : i32
      %dma_wait3A_51 = tpu.memref_slice %arg2[%add3A_33, %dma_wait3A] : memref<10240x128xf32, #tpu.memory_space<hbm>> -> memref<64x128xf32, #tpu.memory_space<hbm>>
      %dma_wait3A_52 = arith.constant 0 : i32
      %dma_wait3A_53 = tpu.memref_slice %arg2[%add3A_33, %dma_wait3A_52] : memref<10240x128xf32, #tpu.memory_space<hbm>> -> memref<64x128xf32, #tpu.memory_space<hbm>>
      tpu.wait_dma2 semaphore(%run_scoped3A_47 : memref<!tpu.dma_semaphore, #tpu.memory_space<semaphore_mem>>) src(%dma_wait3A_53 : memref<64x128xf32, #tpu.memory_space<hbm>>) dst(%arg8 : memref<64x128xf32, #tpu.memory_space<vmem>>)
      tpu.yield
    }) : () -> ()
    %run_scoped3A_34 = arith.constant 3 : i32
    "tpu.region"() ({
      %run_scoped3A_47 = tpu.sem_alloc : memref<!tpu.dma_semaphore, #tpu.memory_space<semaphore_mem>>
      %dma_start3A = arith.constant 0 : i32
      %dma_start3A_48 = tpu.memref_slice %arg7[%run_scoped3A_34, %dma_start3A] : memref<5x64xi32, #tpu.memory_space<vmem>> -> memref<1x64xi32, #tpu.memory_space<vmem>>
      %dma_start3A_49 = tpu.memref_squeeze %dma_start3A_48 : memref<1x64xi32, #tpu.memory_space<vmem>> -> memref<64xi32, #tpu.memory_space<vmem>>
      %dma_start3A_50 = arith.constant 0 : i32
      %dma_start3A_51 = arith.constant 0 : i32
      %dma_start3A_52 = tpu.memref_slice %arg5[%dma_start3A_50, %dma_start3A_51] : memref<5008x128xf32, #tpu.memory_space<hbm>> -> memref<5008x128xf32, #tpu.memory_space<hbm>>
      tpu.enqueue_indirect_dma source(%arg8 : memref<64x128xf32, #tpu.memory_space<vmem>>) target(%dma_start3A_52 : memref<5008x128xf32, #tpu.memory_space<hbm>>) offsets(%dma_start3A_49 : memref<64xi32, #tpu.memory_space<vmem>>) semaphore(%run_scoped3A_47 : memref<!tpu.dma_semaphore, #tpu.memory_space<semaphore_mem>>)
      %dma_wait3A = arith.constant 0 : i32
      %dma_wait3A_53 = tpu.memref_slice %arg7[%run_scoped3A_34, %dma_wait3A] : memref<5x64xi32, #tpu.memory_space<vmem>> -> memref<1x64xi32, #tpu.memory_space<vmem>>
      %dma_wait3A_54 = tpu.memref_squeeze %dma_wait3A_53 : memref<1x64xi32, #tpu.memory_space<vmem>> -> memref<64xi32, #tpu.memory_space<vmem>>
      %dma_wait3A_55 = arith.constant 0 : i32
      %dma_wait3A_56 = arith.constant 0 : i32
      %dma_wait3A_57 = tpu.memref_slice %arg5[%dma_wait3A_55, %dma_wait3A_56] : memref<5008x128xf32, #tpu.memory_space<hbm>> -> memref<5008x128xf32, #tpu.memory_space<hbm>>
      tpu.wait_indirect_dma semaphore(%run_scoped3A_47 : memref<!tpu.dma_semaphore, #tpu.memory_space<semaphore_mem>>) src(%arg8 : memref<64x128xf32, #tpu.memory_space<vmem>>) dst(%dma_wait3A_57 : memref<5008x128xf32, #tpu.memory_space<hbm>>)
      tpu.yield
    }) : () -> ()
    %add3A_35 = arith.constant 192 : i32
    %add3A_36 = arith.addi %mul3A_2, %add3A_35 : i32
    "tpu.region"() ({
      %run_scoped3A_47 = tpu.sem_alloc : memref<!tpu.dma_semaphore, #tpu.memory_space<semaphore_mem>>
      %dma_start3A = arith.constant 0 : i32
      %dma_start3A_48 = tpu.memref_slice %arg3[%add3A_36, %dma_start3A] : memref<10240x128xf32, #tpu.memory_space<hbm>> -> memref<64x128xf32, #tpu.memory_space<hbm>>
      %dma_start3A_49 = arith.constant 0 : i32
      %dma_start3A_50 = tpu.memref_slice %arg3[%add3A_36, %dma_start3A_49] : memref<10240x128xf32, #tpu.memory_space<hbm>> -> memref<64x128xf32, #tpu.memory_space<hbm>>
      tpu.enqueue_dma source(%dma_start3A_50 : memref<64x128xf32, #tpu.memory_space<hbm>>) target(%arg9 : memref<64x128xf32, #tpu.memory_space<vmem>>) target_semaphore(%run_scoped3A_47 : memref<!tpu.dma_semaphore, #tpu.memory_space<semaphore_mem>>)
      %dma_wait3A = arith.constant 0 : i32
      %dma_wait3A_51 = tpu.memref_slice %arg3[%add3A_36, %dma_wait3A] : memref<10240x128xf32, #tpu.memory_space<hbm>> -> memref<64x128xf32, #tpu.memory_space<hbm>>
      %dma_wait3A_52 = arith.constant 0 : i32
      %dma_wait3A_53 = tpu.memref_slice %arg3[%add3A_36, %dma_wait3A_52] : memref<10240x128xf32, #tpu.memory_space<hbm>> -> memref<64x128xf32, #tpu.memory_space<hbm>>
      tpu.wait_dma2 semaphore(%run_scoped3A_47 : memref<!tpu.dma_semaphore, #tpu.memory_space<semaphore_mem>>) src(%dma_wait3A_53 : memref<64x128xf32, #tpu.memory_space<hbm>>) dst(%arg9 : memref<64x128xf32, #tpu.memory_space<vmem>>)
      tpu.yield
    }) : () -> ()
    %run_scoped3A_37 = arith.constant 3 : i32
    "tpu.region"() ({
      %run_scoped3A_47 = tpu.sem_alloc : memref<!tpu.dma_semaphore, #tpu.memory_space<semaphore_mem>>
      %dma_start3A = arith.constant 0 : i32
      %dma_start3A_48 = tpu.memref_slice %arg7[%run_scoped3A_37, %dma_start3A] : memref<5x64xi32, #tpu.memory_space<vmem>> -> memref<1x64xi32, #tpu.memory_space<vmem>>
      %dma_start3A_49 = tpu.memref_squeeze %dma_start3A_48 : memref<1x64xi32, #tpu.memory_space<vmem>> -> memref<64xi32, #tpu.memory_space<vmem>>
      %dma_start3A_50 = arith.constant 0 : i32
      %dma_start3A_51 = arith.constant 0 : i32
      %dma_start3A_52 = tpu.memref_slice %arg6[%dma_start3A_50, %dma_start3A_51] : memref<5008x128xf32, #tpu.memory_space<hbm>> -> memref<5008x128xf32, #tpu.memory_space<hbm>>
      tpu.enqueue_indirect_dma source(%arg9 : memref<64x128xf32, #tpu.memory_space<vmem>>) target(%dma_start3A_52 : memref<5008x128xf32, #tpu.memory_space<hbm>>) offsets(%dma_start3A_49 : memref<64xi32, #tpu.memory_space<vmem>>) semaphore(%run_scoped3A_47 : memref<!tpu.dma_semaphore, #tpu.memory_space<semaphore_mem>>)
      %dma_wait3A = arith.constant 0 : i32
      %dma_wait3A_53 = tpu.memref_slice %arg7[%run_scoped3A_37, %dma_wait3A] : memref<5x64xi32, #tpu.memory_space<vmem>> -> memref<1x64xi32, #tpu.memory_space<vmem>>
      %dma_wait3A_54 = tpu.memref_squeeze %dma_wait3A_53 : memref<1x64xi32, #tpu.memory_space<vmem>> -> memref<64xi32, #tpu.memory_space<vmem>>
      %dma_wait3A_55 = arith.constant 0 : i32
      %dma_wait3A_56 = arith.constant 0 : i32
      %dma_wait3A_57 = tpu.memref_slice %arg6[%dma_wait3A_55, %dma_wait3A_56] : memref<5008x128xf32, #tpu.memory_space<hbm>> -> memref<5008x128xf32, #tpu.memory_space<hbm>>
      tpu.wait_indirect_dma semaphore(%run_scoped3A_47 : memref<!tpu.dma_semaphore, #tpu.memory_space<semaphore_mem>>) src(%arg9 : memref<64x128xf32, #tpu.memory_space<vmem>>) dst(%dma_wait3A_57 : memref<5008x128xf32, #tpu.memory_space<hbm>>)
      tpu.yield
    }) : () -> ()
    %add3A_38 = arith.constant 256 : i32
    %add3A_39 = arith.addi %mul3A_2, %add3A_38 : i32
    %run_scoped3A_40 = arith.constant 4 : i32
    "tpu.region"() ({
      %run_scoped3A_47 = tpu.sem_alloc : memref<!tpu.dma_semaphore, #tpu.memory_space<semaphore_mem>>
      %dma_start3A = arith.constant 0 : i32
      %dma_start3A_48 = tpu.memref_slice %arg7[%run_scoped3A_40, %dma_start3A] : memref<5x64xi32, #tpu.memory_space<vmem>> -> memref<1x64xi32, #tpu.memory_space<vmem>>
      %dma_start3A_49 = tpu.memref_squeeze %dma_start3A_48 : memref<1x64xi32, #tpu.memory_space<vmem>> -> memref<64xi32, #tpu.memory_space<vmem>>
      %dma_start3A_50 = tpu.memref_slice %arg4[%add3A_39] : memref<10240xi32, #tpu.memory_space<hbm>> -> memref<64xi32, #tpu.memory_space<hbm>>
      %dma_start3A_51 = arith.constant 0 : i32
      %dma_start3A_52 = tpu.memref_slice %arg7[%run_scoped3A_40, %dma_start3A_51] : memref<5x64xi32, #tpu.memory_space<vmem>> -> memref<1x64xi32, #tpu.memory_space<vmem>>
      %dma_start3A_53 = tpu.memref_squeeze %dma_start3A_52 : memref<1x64xi32, #tpu.memory_space<vmem>> -> memref<64xi32, #tpu.memory_space<vmem>>
      %dma_start3A_54 = tpu.memref_slice %arg4[%add3A_39] : memref<10240xi32, #tpu.memory_space<hbm>> -> memref<64xi32, #tpu.memory_space<hbm>>
      tpu.enqueue_dma source(%dma_start3A_54 : memref<64xi32, #tpu.memory_space<hbm>>) target(%dma_start3A_53 : memref<64xi32, #tpu.memory_space<vmem>>) target_semaphore(%run_scoped3A_47 : memref<!tpu.dma_semaphore, #tpu.memory_space<semaphore_mem>>)
      %dma_wait3A = arith.constant 0 : i32
      %dma_wait3A_55 = tpu.memref_slice %arg7[%run_scoped3A_40, %dma_wait3A] : memref<5x64xi32, #tpu.memory_space<vmem>> -> memref<1x64xi32, #tpu.memory_space<vmem>>
      %dma_wait3A_56 = tpu.memref_squeeze %dma_wait3A_55 : memref<1x64xi32, #tpu.memory_space<vmem>> -> memref<64xi32, #tpu.memory_space<vmem>>
      %dma_wait3A_57 = tpu.memref_slice %arg4[%add3A_39] : memref<10240xi32, #tpu.memory_space<hbm>> -> memref<64xi32, #tpu.memory_space<hbm>>
      %dma_wait3A_58 = arith.constant 0 : i32
      %dma_wait3A_59 = tpu.memref_slice %arg7[%run_scoped3A_40, %dma_wait3A_58] : memref<5x64xi32, #tpu.memory_space<vmem>> -> memref<1x64xi32, #tpu.memory_space<vmem>>
      %dma_wait3A_60 = tpu.memref_squeeze %dma_wait3A_59 : memref<1x64xi32, #tpu.memory_space<vmem>> -> memref<64xi32, #tpu.memory_space<vmem>>
      %dma_wait3A_61 = tpu.memref_slice %arg4[%add3A_39] : memref<10240xi32, #tpu.memory_space<hbm>> -> memref<64xi32, #tpu.memory_space<hbm>>
      tpu.wait_dma2 semaphore(%run_scoped3A_47 : memref<!tpu.dma_semaphore, #tpu.memory_space<semaphore_mem>>) src(%dma_wait3A_61 : memref<64xi32, #tpu.memory_space<hbm>>) dst(%dma_wait3A_60 : memref<64xi32, #tpu.memory_space<vmem>>)
      tpu.yield
    }) : () -> ()
    %add3A_41 = arith.constant 256 : i32
    %add3A_42 = arith.addi %mul3A_2, %add3A_41 : i32
    "tpu.region"() ({
      %run_scoped3A_47 = tpu.sem_alloc : memref<!tpu.dma_semaphore, #tpu.memory_space<semaphore_mem>>
      %dma_start3A = arith.constant 0 : i32
      %dma_start3A_48 = tpu.memref_slice %arg2[%add3A_42, %dma_start3A] : memref<10240x128xf32, #tpu.memory_space<hbm>> -> memref<64x128xf32, #tpu.memory_space<hbm>>
      %dma_start3A_49 = arith.constant 0 : i32
      %dma_start3A_50 = tpu.memref_slice %arg2[%add3A_42, %dma_start3A_49] : memref<10240x128xf32, #tpu.memory_space<hbm>> -> memref<64x128xf32, #tpu.memory_space<hbm>>
      tpu.enqueue_dma source(%dma_start3A_50 : memref<64x128xf32, #tpu.memory_space<hbm>>) target(%arg8 : memref<64x128xf32, #tpu.memory_space<vmem>>) target_semaphore(%run_scoped3A_47 : memref<!tpu.dma_semaphore, #tpu.memory_space<semaphore_mem>>)
      %dma_wait3A = arith.constant 0 : i32
      %dma_wait3A_51 = tpu.memref_slice %arg2[%add3A_42, %dma_wait3A] : memref<10240x128xf32, #tpu.memory_space<hbm>> -> memref<64x128xf32, #tpu.memory_space<hbm>>
      %dma_wait3A_52 = arith.constant 0 : i32
      %dma_wait3A_53 = tpu.memref_slice %arg2[%add3A_42, %dma_wait3A_52] : memref<10240x128xf32, #tpu.memory_space<hbm>> -> memref<64x128xf32, #tpu.memory_space<hbm>>
      tpu.wait_dma2 semaphore(%run_scoped3A_47 : memref<!tpu.dma_semaphore, #tpu.memory_space<semaphore_mem>>) src(%dma_wait3A_53 : memref<64x128xf32, #tpu.memory_space<hbm>>) dst(%arg8 : memref<64x128xf32, #tpu.memory_space<vmem>>)
      tpu.yield
    }) : () -> ()
    %run_scoped3A_43 = arith.constant 4 : i32
    "tpu.region"() ({
      %run_scoped3A_47 = tpu.sem_alloc : memref<!tpu.dma_semaphore, #tpu.memory_space<semaphore_mem>>
      %dma_start3A = arith.constant 0 : i32
      %dma_start3A_48 = tpu.memref_slice %arg7[%run_scoped3A_43, %dma_start3A] : memref<5x64xi32, #tpu.memory_space<vmem>> -> memref<1x64xi32, #tpu.memory_space<vmem>>
      %dma_start3A_49 = tpu.memref_squeeze %dma_start3A_48 : memref<1x64xi32, #tpu.memory_space<vmem>> -> memref<64xi32, #tpu.memory_space<vmem>>
      %dma_start3A_50 = arith.constant 0 : i32
      %dma_start3A_51 = arith.constant 0 : i32
      %dma_start3A_52 = tpu.memref_slice %arg5[%dma_start3A_50, %dma_start3A_51] : memref<5008x128xf32, #tpu.memory_space<hbm>> -> memref<5008x128xf32, #tpu.memory_space<hbm>>
      tpu.enqueue_indirect_dma source(%arg8 : memref<64x128xf32, #tpu.memory_space<vmem>>) target(%dma_start3A_52 : memref<5008x128xf32, #tpu.memory_space<hbm>>) offsets(%dma_start3A_49 : memref<64xi32, #tpu.memory_space<vmem>>) semaphore(%run_scoped3A_47 : memref<!tpu.dma_semaphore, #tpu.memory_space<semaphore_mem>>)
      %dma_wait3A = arith.constant 0 : i32
      %dma_wait3A_53 = tpu.memref_slice %arg7[%run_scoped3A_43, %dma_wait3A] : memref<5x64xi32, #tpu.memory_space<vmem>> -> memref<1x64xi32, #tpu.memory_space<vmem>>
      %dma_wait3A_54 = tpu.memref_squeeze %dma_wait3A_53 : memref<1x64xi32, #tpu.memory_space<vmem>> -> memref<64xi32, #tpu.memory_space<vmem>>
      %dma_wait3A_55 = arith.constant 0 : i32
      %dma_wait3A_56 = arith.constant 0 : i32
      %dma_wait3A_57 = tpu.memref_slice %arg5[%dma_wait3A_55, %dma_wait3A_56] : memref<5008x128xf32, #tpu.memory_space<hbm>> -> memref<5008x128xf32, #tpu.memory_space<hbm>>
      tpu.wait_indirect_dma semaphore(%run_scoped3A_47 : memref<!tpu.dma_semaphore, #tpu.memory_space<semaphore_mem>>) src(%arg8 : memref<64x128xf32, #tpu.memory_space<vmem>>) dst(%dma_wait3A_57 : memref<5008x128xf32, #tpu.memory_space<hbm>>)
      tpu.yield
    }) : () -> ()
    %add3A_44 = arith.constant 256 : i32
    %add3A_45 = arith.addi %mul3A_2, %add3A_44 : i32
    "tpu.region"() ({
      %run_scoped3A_47 = tpu.sem_alloc : memref<!tpu.dma_semaphore, #tpu.memory_space<semaphore_mem>>
      %dma_start3A = arith.constant 0 : i32
      %dma_start3A_48 = tpu.memref_slice %arg3[%add3A_45, %dma_start3A] : memref<10240x128xf32, #tpu.memory_space<hbm>> -> memref<64x128xf32, #tpu.memory_space<hbm>>
      %dma_start3A_49 = arith.constant 0 : i32
      %dma_start3A_50 = tpu.memref_slice %arg3[%add3A_45, %dma_start3A_49] : memref<10240x128xf32, #tpu.memory_space<hbm>> -> memref<64x128xf32, #tpu.memory_space<hbm>>
      tpu.enqueue_dma source(%dma_start3A_50 : memref<64x128xf32, #tpu.memory_space<hbm>>) target(%arg9 : memref<64x128xf32, #tpu.memory_space<vmem>>) target_semaphore(%run_scoped3A_47 : memref<!tpu.dma_semaphore, #tpu.memory_space<semaphore_mem>>)
      %dma_wait3A = arith.constant 0 : i32
      %dma_wait3A_51 = tpu.memref_slice %arg3[%add3A_45, %dma_wait3A] : memref<10240x128xf32, #tpu.memory_space<hbm>> -> memref<64x128xf32, #tpu.memory_space<hbm>>
      %dma_wait3A_52 = arith.constant 0 : i32
      %dma_wait3A_53 = tpu.memref_slice %arg3[%add3A_45, %dma_wait3A_52] : memref<10240x128xf32, #tpu.memory_space<hbm>> -> memref<64x128xf32, #tpu.memory_space<hbm>>
      tpu.wait_dma2 semaphore(%run_scoped3A_47 : memref<!tpu.dma_semaphore, #tpu.memory_space<semaphore_mem>>) src(%dma_wait3A_53 : memref<64x128xf32, #tpu.memory_space<hbm>>) dst(%arg9 : memref<64x128xf32, #tpu.memory_space<vmem>>)
      tpu.yield
    }) : () -> ()
    %run_scoped3A_46 = arith.constant 4 : i32
    "tpu.region"() ({
      %run_scoped3A_47 = tpu.sem_alloc : memref<!tpu.dma_semaphore, #tpu.memory_space<semaphore_mem>>
      %dma_start3A = arith.constant 0 : i32
      %dma_start3A_48 = tpu.memref_slice %arg7[%run_scoped3A_46, %dma_start3A] : memref<5x64xi32, #tpu.memory_space<vmem>> -> memref<1x64xi32, #tpu.memory_space<vmem>>
      %dma_start3A_49 = tpu.memref_squeeze %dma_start3A_48 : memref<1x64xi32, #tpu.memory_space<vmem>> -> memref<64xi32, #tpu.memory_space<vmem>>
      %dma_start3A_50 = arith.constant 0 : i32
      %dma_start3A_51 = arith.constant 0 : i32
      %dma_start3A_52 = tpu.memref_slice %arg6[%dma_start3A_50, %dma_start3A_51] : memref<5008x128xf32, #tpu.memory_space<hbm>> -> memref<5008x128xf32, #tpu.memory_space<hbm>>
      tpu.enqueue_indirect_dma source(%arg9 : memref<64x128xf32, #tpu.memory_space<vmem>>) target(%dma_start3A_52 : memref<5008x128xf32, #tpu.memory_space<hbm>>) offsets(%dma_start3A_49 : memref<64xi32, #tpu.memory_space<vmem>>) semaphore(%run_scoped3A_47 : memref<!tpu.dma_semaphore, #tpu.memory_space<semaphore_mem>>)
      %dma_wait3A = arith.constant 0 : i32
      %dma_wait3A_53 = tpu.memref_slice %arg7[%run_scoped3A_46, %dma_wait3A] : memref<5x64xi32, #tpu.memory_space<vmem>> -> memref<1x64xi32, #tpu.memory_space<vmem>>
      %dma_wait3A_54 = tpu.memref_squeeze %dma_wait3A_53 : memref<1x64xi32, #tpu.memory_space<vmem>> -> memref<64xi32, #tpu.memory_space<vmem>>
      %dma_wait3A_55 = arith.constant 0 : i32
      %dma_wait3A_56 = arith.constant 0 : i32
      %dma_wait3A_57 = tpu.memref_slice %arg6[%dma_wait3A_55, %dma_wait3A_56] : memref<5008x128xf32, #tpu.memory_space<hbm>> -> memref<5008x128xf32, #tpu.memory_space<hbm>>
      tpu.wait_indirect_dma semaphore(%run_scoped3A_47 : memref<!tpu.dma_semaphore, #tpu.memory_space<semaphore_mem>>) src(%arg9 : memref<64x128xf32, #tpu.memory_space<vmem>>) dst(%dma_wait3A_57 : memref<5008x128xf32, #tpu.memory_space<hbm>>)
      tpu.yield
    }) : () -> ()
    return
  }
}

module attributes {stable_mosaic.version = 14 : i64} {
  func.func @_table_body(%arg0: i32, %arg1: i32, %arg2: memref<1000x128xf32, #tpu.memory_space<vmem>>, %arg3: memref<1x128x128xf32, #tpu.memory_space<vmem>>, %arg4: memref<128x1xf32, #tpu.memory_space<vmem>>, %arg5: memref<1x1xf32, #tpu.memory_space<vmem>>, %arg6: memref<1000x128xf32, #tpu.memory_space<vmem>>) attributes {dimension_semantics = [#tpu.dimension_semantics<arbitrary>, #tpu.dimension_semantics<arbitrary>], iteration_bounds = array<i64: 10, 8>, scalar_prefetch = 0 : i64, scratch_operands = 0 : i64, tpu.core_type = #tpu.core_type<tc>, window_params = [{transform_indices = @transform_0, window_bounds = array<i64: 1000, 128>}, {transform_indices = @transform_1, window_bounds = array<i64: 1, 128, 128>}, {pipeline_mode = #tpu.pipeline_mode<synchronous>, transform_indices = @transform_2, window_bounds = array<i64: 128, 1>}, {pipeline_mode = #tpu.pipeline_mode<synchronous>, transform_indices = @transform_3, window_bounds = array<i64: 1, 1>}, {transform_indices = @transform_4, window_bounds = array<i64: 1000, 128>}]} {
    %get3A = arith.constant 0 : index
    %get3A_0 = arith.constant 0 : index
    %get3A_1 = vector.load %arg2[%get3A, %get3A_0] : memref<1000x128xf32, #tpu.memory_space<vmem>>, vector<1000x128xf32>
    %get3A_2 = arith.constant 0 : index
    %get3A_3 = arith.constant 0 : index
    %get3A_4 = vector.load %arg4[%get3A_2, %get3A_3] : memref<128x1xf32, #tpu.memory_space<vmem>>, vector<128x1xf32>
    %dot_general3A = arith.constant dense<0.000000e+00> : vector<1000x1xf32>
    %dot_general3A_5 = tpu.matmul %get3A_1, %get3A_4, %dot_general3A {dimension_numbers = #tpu.dot_dimension_numbers<[1], [0], [0], [1], [0, 0, 1, 1], [], []>, transpose_lhs_hint = false} : vector<1000x128xf32>, vector<128x1xf32>, vector<1000x1xf32> -> vector<1000x1xf32>
    %get3A_6 = arith.constant 0 : index
    %get3A_7 = arith.constant 0 : index
    %get3A_8 = vector.load %arg5[%get3A_6, %get3A_7] : memref<1x1xf32, #tpu.memory_space<vmem>>, vector<1x1xf32>
    %add3A = vector.broadcast %get3A_8 : vector<1x1xf32> to vector<1000x1xf32>
    %add3A_9 = arith.addf %dot_general3A_5, %add3A : vector<1000x1xf32>
    %logistic3A = arith.negf %add3A_9 : vector<1000x1xf32>
    %logistic3A_10 = math.exp %logistic3A : vector<1000x1xf32>
    %logistic3A_11 = arith.constant 1.000000e+00 : f32
    %logistic3A_12 = vector.broadcast %logistic3A_11 : f32 to vector<1000x1xf32>
    %logistic3A_13 = arith.addf %logistic3A_12, %logistic3A_10 : vector<1000x1xf32>
    %logistic3A_14 = arith.divf %logistic3A_12, %logistic3A_13 : vector<1000x1xf32>
    %get3A_15 = arith.constant 0 : index
    %get3A_16 = arith.constant 0 : index
    %get3A_17 = arith.constant 0 : index
    %get3A_18 = vector.load %arg3[%get3A_15, %get3A_16, %get3A_17] : memref<1x128x128xf32, #tpu.memory_space<vmem>>, vector<1x128x128xf32>
    %get3A_19 = vector.shape_cast %get3A_18 : vector<1x128x128xf32> to vector<128x128xf32>
    %dot_general3A_20 = arith.constant dense<0.000000e+00> : vector<1000x128xf32>
    %dot_general3A_21 = tpu.matmul %get3A_1, %get3A_19, %dot_general3A_20 {dimension_numbers = #tpu.dot_dimension_numbers<[1], [0], [0], [1], [0, 0, 1, 1], [], []>, transpose_lhs_hint = false} : vector<1000x128xf32>, vector<128x128xf32>, vector<1000x128xf32> -> vector<1000x128xf32>
    %mul3A = vector.broadcast %logistic3A_14 : vector<1000x1xf32> to vector<1000x128xf32>
    %mul3A_22 = arith.mulf %dot_general3A_21, %mul3A : vector<1000x128xf32>
    %swap3A = arith.constant 0 : index
    %swap3A_23 = arith.constant 0 : index
    %swap3A_24 = vector.load %arg6[%swap3A, %swap3A_23] : memref<1000x128xf32, #tpu.memory_space<vmem>>, vector<1000x128xf32>
    tpu.vector_store %arg6[%swap3A, %swap3A_23], %mul3A_22 {strides = array<i32>} : memref<1000x128xf32, #tpu.memory_space<vmem>>, vector<1000x128xf32>,
    return
  }
  func.func @transform_0(%arg0: i32, %arg1: i32) -> (i32, i32) {
    %c0_i32 = arith.constant 0 : i32
    %c0_i32_0 = arith.constant 0 : i32
    return %arg0, %c0_i32 : i32, i32
  }
  func.func @transform_1(%arg0: i32, %arg1: i32) -> (i32, i32, i32) {
    %c0_i32 = arith.constant 0 : i32
    %c0_i32_0 = arith.constant 0 : i32
    %c0_i32_1 = arith.constant 0 : i32
    return %arg1, %c0_i32, %c0_i32_0 : i32, i32, i32
  }
  func.func @transform_2(%arg0: i32, %arg1: i32) -> (i32, i32) {
    %c0_i32 = arith.constant 0 : i32
    %c0_i32_0 = arith.constant 0 : i32
    %c0_i32_1 = arith.constant 0 : i32
    return %c0_i32, %c0_i32_0 : i32, i32
  }
  func.func @transform_3(%arg0: i32, %arg1: i32) -> (i32, i32) {
    %c0_i32 = arith.constant 0 : i32
    %c0_i32_0 = arith.constant 0 : i32
    %c0_i32_1 = arith.constant 0 : i32
    return %c0_i32, %c0_i32_0 : i32, i32
  }
  func.func @transform_4(%arg0: i32, %arg1: i32) -> (i32, i32) {
    %mul3A = arith.constant 10 : i32
    %mul3A_0 = arith.muli %arg1, %mul3A : i32
    %add3A = arith.addi %mul3A_0, %arg0 : i32
    %c0_i32 = arith.constant 0 : i32
    %c0_i32_1 = arith.constant 0 : i32
    return %add3A, %c0_i32 : i32, i32
  }
}

module attributes {stable_mosaic.version = 14 : i64} {
  func.func @_l1_body(%arg0: i32, %arg1: memref<1024x128xf32, #tpu.memory_space<vmem>>, %arg2: memref<2x1024x128xf32, #tpu.memory_space<vmem>>, %arg3: memref<2x1024xf32, #tpu.memory_space<vmem>>, %arg4: memref<128x128xf32, #tpu.memory_space<vmem>>, %arg5: memref<1x128xf32, #tpu.memory_space<vmem>>, %arg6: memref<128x1xf32, #tpu.memory_space<vmem>>, %arg7: memref<1024x128xf32, #tpu.memory_space<vmem>>, %arg8: memref<8x1024xf32, #tpu.memory_space<vmem>>) attributes {dimension_semantics = [#tpu.dimension_semantics<arbitrary>], iteration_bounds = array<i64: 10>, scalar_prefetch = 0 : i64, scratch_operands = 0 : i64, tpu.core_type = #tpu.core_type<tc>, window_params = [{transform_indices = @transform_0, window_bounds = array<i64: 1024, 128>}, {transform_indices = @transform_1, window_bounds = array<i64: 2, 1024, 128>}, {transform_indices = @transform_2, window_bounds = array<i64: 2, 1024>}, {pipeline_mode = #tpu.pipeline_mode<synchronous>, transform_indices = @transform_3, window_bounds = array<i64: 128, 128>}, {pipeline_mode = #tpu.pipeline_mode<synchronous>, transform_indices = @transform_4, window_bounds = array<i64: 1, 128>}, {pipeline_mode = #tpu.pipeline_mode<synchronous>, transform_indices = @transform_5, window_bounds = array<i64: 128, 1>}, {transform_indices = @transform_6, window_bounds = array<i64: 1024, 128>}, {transform_indices = @transform_7, window_bounds = array<i64: 8, 1024>}]} {
    %iota3A = tpu.iota {dimensions = array<i32: 0>} : vector<1024x1024xi32>
    %iota3A_0 = tpu.iota {dimensions = array<i32: 1>} : vector<1024x1024xi32>
    %eq3A = arith.cmpi eq, %iota3A, %iota3A_0 : vector<1024x1024xi32>
    %convert_element_type3A = arith.extui %eq3A : vector<1024x1024xi1> to vector<1024x1024xi32>
    %convert_element_type3A_1 = arith.sitofp %convert_element_type3A : vector<1024x1024xi32> to vector<1024x1024xf32>
    %get3A = arith.constant 0 : index
    %get3A_2 = arith.constant 0 : index
    %get3A_3 = arith.constant 0 : index
    %get3A_4 = vector.load %arg2[%get3A, %get3A_2, %get3A_3] : memref<2x1024x128xf32, #tpu.memory_space<vmem>>, vector<1x1024x128xf32>
    %get3A_5 = vector.shape_cast %get3A_4 : vector<1x1024x128xf32> to vector<1024x128xf32>
    %get3A_6 = arith.constant 1 : index
    %get3A_7 = arith.constant 0 : index
    %get3A_8 = arith.constant 0 : index
    %get3A_9 = vector.load %arg2[%get3A_6, %get3A_7, %get3A_8] : memref<2x1024x128xf32, #tpu.memory_space<vmem>>, vector<1x1024x128xf32>
    %get3A_10 = vector.shape_cast %get3A_9 : vector<1x1024x128xf32> to vector<1024x128xf32>
    %add3A = arith.addf %get3A_5, %get3A_10 : vector<1024x128xf32>
    %get3A_11 = arith.constant 0 : index
    %get3A_12 = arith.constant 0 : index
    %get3A_13 = vector.load %arg3[%get3A_11, %get3A_12] : memref<2x1024xf32, #tpu.memory_space<vmem>>, vector<1x1024xf32>
    %get3A_14 = arith.constant 1 : index
    %get3A_15 = arith.constant 0 : index
    %get3A_16 = vector.load %arg3[%get3A_14, %get3A_15] : memref<2x1024xf32, #tpu.memory_space<vmem>>, vector<1x1024xf32>
    %add3A_17 = arith.addf %get3A_13, %get3A_16 : vector<1x1024xf32>
    %dot_general3A = arith.constant dense<0.000000e+00> : vector<1024x1xf32>
    %dot_general3A_18 = tpu.matmul %convert_element_type3A_1, %add3A_17, %dot_general3A {dimension_numbers = #tpu.dot_dimension_numbers<[1], [1], [0], [0], [0, 0, 1, 0], [], []>, precision = #tpu.contract_precision<fp32>, transpose_lhs_hint = false} : vector<1024x1024xf32>, vector<1x1024xf32>, vector<1024x1xf32> -> vector<1024x1xf32>
    %max3A = arith.constant 1.000000e+00 : f32
    %max3A_19 = vector.broadcast %max3A : f32 to vector<1024x1xf32>
    %max3A_20 = arith.maximumf %dot_general3A_18, %max3A_19 : vector<1024x1xf32>
    %div3A = vector.broadcast %max3A_20 : vector<1024x1xf32> to vector<1024x128xf32>
    %div3A_21 = arith.divf %add3A, %div3A : vector<1024x128xf32>
    %get3A_22 = arith.constant 0 : index
    %get3A_23 = arith.constant 0 : index
    %get3A_24 = vector.load %arg1[%get3A_22, %get3A_23] : memref<1024x128xf32, #tpu.memory_space<vmem>>, vector<1024x128xf32>
    %get3A_25 = arith.constant 0 : index
    %get3A_26 = arith.constant 0 : index
    %get3A_27 = vector.load %arg4[%get3A_25, %get3A_26] : memref<128x128xf32, #tpu.memory_space<vmem>>, vector<128x128xf32>
    %dot_general3A_28 = arith.constant dense<0.000000e+00> : vector<1024x128xf32>
    %dot_general3A_29 = tpu.matmul %get3A_24, %get3A_27, %dot_general3A_28 {dimension_numbers = #tpu.dot_dimension_numbers<[1], [0], [0], [1], [0, 0, 1, 1], [], []>, transpose_lhs_hint = false} : vector<1024x128xf32>, vector<128x128xf32>, vector<1024x128xf32> -> vector<1024x128xf32>
    %get3A_30 = arith.constant 0 : index
    %get3A_31 = arith.constant 0 : index
    %get3A_32 = vector.load %arg5[%get3A_30, %get3A_31] : memref<1x128xf32, #tpu.memory_space<vmem>>, vector<1x128xf32>
    %add3A_33 = vector.broadcast %get3A_32 : vector<1x128xf32> to vector<1024x128xf32>
    %add3A_34 = arith.addf %dot_general3A_29, %add3A_33 : vector<1024x128xf32>
    %add3A_35 = arith.addf %add3A_34, %div3A_21 : vector<1024x128xf32>
    %max3A_36 = arith.constant 0.000000e+00 : f32
    %max3A_37 = vector.broadcast %max3A_36 : f32 to vector<1024x128xf32>
    %max3A_38 = arith.maximumf %add3A_35, %max3A_37 : vector<1024x128xf32>
    %swap3A = arith.constant 0 : index
    %swap3A_39 = arith.constant 0 : index
    %swap3A_40 = vector.load %arg7[%swap3A, %swap3A_39] : memref<1024x128xf32, #tpu.memory_space<vmem>>, vector<1024x128xf32>
    tpu.vector_store %arg7[%swap3A, %swap3A_39], %max3A_38 {strides = array<i32>} : memref<1024x128xf32, #tpu.memory_space<vmem>>, vector<1024x128xf32>,
    %get3A_41 = arith.constant 0 : index
    %get3A_42 = arith.constant 0 : index
    %get3A_43 = vector.load %arg6[%get3A_41, %get3A_42] : memref<128x1xf32, #tpu.memory_space<vmem>>, vector<128x1xf32>
    %dot_general3A_44 = arith.constant dense<0.000000e+00> : vector<1024x1xf32>
    %dot_general3A_45 = tpu.matmul %max3A_38, %get3A_43, %dot_general3A_44 {dimension_numbers = #tpu.dot_dimension_numbers<[1], [0], [0], [1], [0, 0, 1, 1], [], []>, transpose_lhs_hint = false} : vector<1024x128xf32>, vector<128x1xf32>, vector<1024x1xf32> -> vector<1024x1xf32>
    %mul3A = arith.constant 1024 : i32
    %mul3A_46 = arith.muli %arg0, %mul3A : i32
    %iota3A_47 = tpu.iota {dimensions = array<i32: 0>} : vector<1024x1xi32>
    %add3A_48 = vector.broadcast %mul3A_46 : i32 to vector<1024x1xi32>
    %add3A_49 = arith.addi %add3A_48, %iota3A_47 : vector<1024x1xi32>
    %lt3A = arith.constant 10000 : i32
    %lt3A_50 = vector.broadcast %lt3A : i32 to vector<1024x1xi32>
    %lt3A_51 = arith.cmpi slt, %add3A_49, %lt3A_50 : vector<1024x1xi32>
    %jit3A = arith.constant -3.000000e+38 : f32
    %broadcast_in_dim3A = vector.broadcast %jit3A : f32 to vector<1024x1xf32>
    %select_n3A = arith.select %lt3A_51, %dot_general3A_45, %broadcast_in_dim3A : vector<1024x1xi1>, vector<1024x1xf32>
    %dot_general3A_52 = arith.constant dense<0.000000e+00> : vector<1x1024xf32>
    %dot_general3A_53 = tpu.matmul %select_n3A, %convert_element_type3A_1, %dot_general3A_52 {dimension_numbers = #tpu.dot_dimension_numbers<[0], [0], [1], [1], [0, 1, 1, 1], [], []>, precision = #tpu.contract_precision<fp32>, transpose_lhs_hint = false} : vector<1024x1xf32>, vector<1024x1024xf32>, vector<1x1024xf32> -> vector<1x1024xf32>
    %broadcast_in_dim3A_54 = vector.shape_cast %dot_general3A_53 : vector<1x1024xf32> to vector<1x1024xf32>
    %broadcast_in_dim3A_55 = vector.broadcast %broadcast_in_dim3A_54 : vector<1x1024xf32> to vector<8x1024xf32>
    %swap3A_56 = arith.constant 0 : index
    %swap3A_57 = arith.constant 0 : index
    %swap3A_58 = vector.load %arg8[%swap3A_56, %swap3A_57] : memref<8x1024xf32, #tpu.memory_space<vmem>>, vector<8x1024xf32>
    tpu.vector_store %arg8[%swap3A_56, %swap3A_57], %broadcast_in_dim3A_55 {strides = array<i32>} : memref<8x1024xf32, #tpu.memory_space<vmem>>, vector<8x1024xf32>,
    return
  }
  func.func @transform_0(%arg0: i32) -> (i32, i32) {
    %c0_i32 = arith.constant 0 : i32
    %c0_i32_0 = arith.constant 0 : i32
    return %arg0, %c0_i32 : i32, i32
  }
  func.func @transform_1(%arg0: i32) -> (i32, i32, i32) {
    %c0_i32 = arith.constant 0 : i32
    %c0_i32_0 = arith.constant 0 : i32
    %c0_i32_1 = arith.constant 0 : i32
    return %c0_i32, %arg0, %c0_i32_0 : i32, i32, i32
  }
  func.func @transform_2(%arg0: i32) -> (i32, i32) {
    %c0_i32 = arith.constant 0 : i32
    %c0_i32_0 = arith.constant 0 : i32
    return %c0_i32, %arg0 : i32, i32
  }
  func.func @transform_3(%arg0: i32) -> (i32, i32) {
    %c0_i32 = arith.constant 0 : i32
    %c0_i32_0 = arith.constant 0 : i32
    %c0_i32_1 = arith.constant 0 : i32
    return %c0_i32, %c0_i32_0 : i32, i32
  }
  func.func @transform_4(%arg0: i32) -> (i32, i32) {
    %c0_i32 = arith.constant 0 : i32
    %c0_i32_0 = arith.constant 0 : i32
    %c0_i32_1 = arith.constant 0 : i32
    return %c0_i32, %c0_i32_0 : i32, i32
  }
  func.func @transform_5(%arg0: i32) -> (i32, i32) {
    %c0_i32 = arith.constant 0 : i32
    %c0_i32_0 = arith.constant 0 : i32
    %c0_i32_1 = arith.constant 0 : i32
    return %c0_i32, %c0_i32_0 : i32, i32
  }
  func.func @transform_6(%arg0: i32) -> (i32, i32) {
    %c0_i32 = arith.constant 0 : i32
    %c0_i32_0 = arith.constant 0 : i32
    return %arg0, %c0_i32 : i32, i32
  }
  func.func @transform_7(%arg0: i32) -> (i32, i32) {
    %c0_i32 = arith.constant 0 : i32
    %c0_i32_0 = arith.constant 0 : i32
    return %c0_i32, %arg0 : i32, i32
  }
}

module attributes {stable_mosaic.version = 14 : i64} {
  func.func @_rank_body(%arg0: memref<8x10240xf32, #tpu.memory_space<vmem>>, %arg1: memref<8x10240xf32, #tpu.memory_space<vmem>>, %arg2: memref<8x10240xi32, #tpu.memory_space<vmem>>, %arg3: memref<10240x1xf32, #tpu.memory_space<vmem>>) attributes {dimension_semantics = [], scalar_prefetch = 0 : i64, scratch_operands = 1 : i64, tpu.core_type = #tpu.core_type<tc>} {
    %iota3A = tpu.iota {dimensions = array<i32: 0>} : vector<1024x1024xi32>
    %iota3A_0 = tpu.iota {dimensions = array<i32: 1>} : vector<1024x1024xi32>
    %eq3A = arith.cmpi eq, %iota3A, %iota3A_0 : vector<1024x1024xi32>
    %convert_element_type3A = arith.extui %eq3A : vector<1024x1024xi1> to vector<1024x1024xi32>
    %convert_element_type3A_1 = arith.sitofp %convert_element_type3A : vector<1024x1024xi32> to vector<1024x1024xf32>
    %get3A = arith.constant 0 : index
    %get3A_2 = arith.constant 0 : index
    %get3A_3 = vector.load %arg0[%get3A, %get3A_2] : memref<8x10240xf32, #tpu.memory_space<vmem>>, vector<1x1024xf32>
    %dot_general3A = arith.constant dense<0.000000e+00> : vector<1024x1xf32>
    %dot_general3A_4 = tpu.matmul %convert_element_type3A_1, %get3A_3, %dot_general3A {dimension_numbers = #tpu.dot_dimension_numbers<[1], [1], [0], [0], [0, 0, 1, 0], [], []>, precision = #tpu.contract_precision<fp32>, transpose_lhs_hint = false} : vector<1024x1024xf32>, vector<1x1024xf32>, vector<1024x1xf32> -> vector<1024x1xf32>
    %swap3A = arith.constant 0 : index
    %swap3A_5 = arith.constant 0 : index
    %swap3A_6 = vector.load %arg3[%swap3A, %swap3A_5] : memref<10240x1xf32, #tpu.memory_space<vmem>>, vector<1024x1xf32>
    tpu.vector_store %arg3[%swap3A, %swap3A_5], %dot_general3A_4 {strides = array<i32>} : memref<10240x1xf32, #tpu.memory_space<vmem>>, vector<1024x1xf32>,
    %get3A_7 = arith.constant 0 : index
    %get3A_8 = arith.constant 1024 : index
    %get3A_9 = vector.load %arg0[%get3A_7, %get3A_8] : memref<8x10240xf32, #tpu.memory_space<vmem>>, vector<1x1024xf32>
    %dot_general3A_10 = arith.constant dense<0.000000e+00> : vector<1024x1xf32>
    %dot_general3A_11 = tpu.matmul %convert_element_type3A_1, %get3A_9, %dot_general3A_10 {dimension_numbers = #tpu.dot_dimension_numbers<[1], [1], [0], [0], [0, 0, 1, 0], [], []>, precision = #tpu.contract_precision<fp32>, transpose_lhs_hint = false} : vector<1024x1024xf32>, vector<1x1024xf32>, vector<1024x1xf32> -> vector<1024x1xf32>
    %swap3A_12 = arith.constant 1024 : index
    %swap3A_13 = arith.constant 0 : index
    %swap3A_14 = vector.load %arg3[%swap3A_12, %swap3A_13] : memref<10240x1xf32, #tpu.memory_space<vmem>>, vector<1024x1xf32>
    tpu.vector_store %arg3[%swap3A_12, %swap3A_13], %dot_general3A_11 {strides = array<i32>} : memref<10240x1xf32, #tpu.memory_space<vmem>>, vector<1024x1xf32>,
    %get3A_15 = arith.constant 0 : index
    %get3A_16 = arith.constant 2048 : index
    %get3A_17 = vector.load %arg0[%get3A_15, %get3A_16] : memref<8x10240xf32, #tpu.memory_space<vmem>>, vector<1x1024xf32>
    %dot_general3A_18 = arith.constant dense<0.000000e+00> : vector<1024x1xf32>
    %dot_general3A_19 = tpu.matmul %convert_element_type3A_1, %get3A_17, %dot_general3A_18 {dimension_numbers = #tpu.dot_dimension_numbers<[1], [1], [0], [0], [0, 0, 1, 0], [], []>, precision = #tpu.contract_precision<fp32>, transpose_lhs_hint = false} : vector<1024x1024xf32>, vector<1x1024xf32>, vector<1024x1xf32> -> vector<1024x1xf32>
    %swap3A_20 = arith.constant 2048 : index
    %swap3A_21 = arith.constant 0 : index
    %swap3A_22 = vector.load %arg3[%swap3A_20, %swap3A_21] : memref<10240x1xf32, #tpu.memory_space<vmem>>, vector<1024x1xf32>
    tpu.vector_store %arg3[%swap3A_20, %swap3A_21], %dot_general3A_19 {strides = array<i32>} : memref<10240x1xf32, #tpu.memory_space<vmem>>, vector<1024x1xf32>,
    %get3A_23 = arith.constant 0 : index
    %get3A_24 = arith.constant 3072 : index
    %get3A_25 = vector.load %arg0[%get3A_23, %get3A_24] : memref<8x10240xf32, #tpu.memory_space<vmem>>, vector<1x1024xf32>
    %dot_general3A_26 = arith.constant dense<0.000000e+00> : vector<1024x1xf32>
    %dot_general3A_27 = tpu.matmul %convert_element_type3A_1, %get3A_25, %dot_general3A_26 {dimension_numbers = #tpu.dot_dimension_numbers<[1], [1], [0], [0], [0, 0, 1, 0], [], []>, precision = #tpu.contract_precision<fp32>, transpose_lhs_hint = false} : vector<1024x1024xf32>, vector<1x1024xf32>, vector<1024x1xf32> -> vector<1024x1xf32>
    %swap3A_28 = arith.constant 3072 : index
    %swap3A_29 = arith.constant 0 : index
    %swap3A_30 = vector.load %arg3[%swap3A_28, %swap3A_29] : memref<10240x1xf32, #tpu.memory_space<vmem>>, vector<1024x1xf32>
    tpu.vector_store %arg3[%swap3A_28, %swap3A_29], %dot_general3A_27 {strides = array<i32>} : memref<10240x1xf32, #tpu.memory_space<vmem>>, vector<1024x1xf32>,
    %get3A_31 = arith.constant 0 : index
    %get3A_32 = arith.constant 4096 : index
    %get3A_33 = vector.load %arg0[%get3A_31, %get3A_32] : memref<8x10240xf32, #tpu.memory_space<vmem>>, vector<1x1024xf32>
    %dot_general3A_34 = arith.constant dense<0.000000e+00> : vector<1024x1xf32>
    %dot_general3A_35 = tpu.matmul %convert_element_type3A_1, %get3A_33, %dot_general3A_34 {dimension_numbers = #tpu.dot_dimension_numbers<[1], [1], [0], [0], [0, 0, 1, 0], [], []>, precision = #tpu.contract_precision<fp32>, transpose_lhs_hint = false} : vector<1024x1024xf32>, vector<1x1024xf32>, vector<1024x1xf32> -> vector<1024x1xf32>
    %swap3A_36 = arith.constant 4096 : index
    %swap3A_37 = arith.constant 0 : index
    %swap3A_38 = vector.load %arg3[%swap3A_36, %swap3A_37] : memref<10240x1xf32, #tpu.memory_space<vmem>>, vector<1024x1xf32>
    tpu.vector_store %arg3[%swap3A_36, %swap3A_37], %dot_general3A_35 {strides = array<i32>} : memref<10240x1xf32, #tpu.memory_space<vmem>>, vector<1024x1xf32>,
    %get3A_39 = arith.constant 0 : index
    %get3A_40 = arith.constant 5120 : index
    %get3A_41 = vector.load %arg0[%get3A_39, %get3A_40] : memref<8x10240xf32, #tpu.memory_space<vmem>>, vector<1x1024xf32>
    %dot_general3A_42 = arith.constant dense<0.000000e+00> : vector<1024x1xf32>
    %dot_general3A_43 = tpu.matmul %convert_element_type3A_1, %get3A_41, %dot_general3A_42 {dimension_numbers = #tpu.dot_dimension_numbers<[1], [1], [0], [0], [0, 0, 1, 0], [], []>, precision = #tpu.contract_precision<fp32>, transpose_lhs_hint = false} : vector<1024x1024xf32>, vector<1x1024xf32>, vector<1024x1xf32> -> vector<1024x1xf32>
    %swap3A_44 = arith.constant 5120 : index
    %swap3A_45 = arith.constant 0 : index
    %swap3A_46 = vector.load %arg3[%swap3A_44, %swap3A_45] : memref<10240x1xf32, #tpu.memory_space<vmem>>, vector<1024x1xf32>
    tpu.vector_store %arg3[%swap3A_44, %swap3A_45], %dot_general3A_43 {strides = array<i32>} : memref<10240x1xf32, #tpu.memory_space<vmem>>, vector<1024x1xf32>,
    %get3A_47 = arith.constant 0 : index
    %get3A_48 = arith.constant 6144 : index
    %get3A_49 = vector.load %arg0[%get3A_47, %get3A_48] : memref<8x10240xf32, #tpu.memory_space<vmem>>, vector<1x1024xf32>
    %dot_general3A_50 = arith.constant dense<0.000000e+00> : vector<1024x1xf32>
    %dot_general3A_51 = tpu.matmul %convert_element_type3A_1, %get3A_49, %dot_general3A_50 {dimension_numbers = #tpu.dot_dimension_numbers<[1], [1], [0], [0], [0, 0, 1, 0], [], []>, precision = #tpu.contract_precision<fp32>, transpose_lhs_hint = false} : vector<1024x1024xf32>, vector<1x1024xf32>, vector<1024x1xf32> -> vector<1024x1xf32>
    %swap3A_52 = arith.constant 6144 : index
    %swap3A_53 = arith.constant 0 : index
    %swap3A_54 = vector.load %arg3[%swap3A_52, %swap3A_53] : memref<10240x1xf32, #tpu.memory_space<vmem>>, vector<1024x1xf32>
    tpu.vector_store %arg3[%swap3A_52, %swap3A_53], %dot_general3A_51 {strides = array<i32>} : memref<10240x1xf32, #tpu.memory_space<vmem>>, vector<1024x1xf32>,
    %get3A_55 = arith.constant 0 : index
    %get3A_56 = arith.constant 7168 : index
    %get3A_57 = vector.load %arg0[%get3A_55, %get3A_56] : memref<8x10240xf32, #tpu.memory_space<vmem>>, vector<1x1024xf32>
    %dot_general3A_58 = arith.constant dense<0.000000e+00> : vector<1024x1xf32>
    %dot_general3A_59 = tpu.matmul %convert_element_type3A_1, %get3A_57, %dot_general3A_58 {dimension_numbers = #tpu.dot_dimension_numbers<[1], [1], [0], [0], [0, 0, 1, 0], [], []>, precision = #tpu.contract_precision<fp32>, transpose_lhs_hint = false} : vector<1024x1024xf32>, vector<1x1024xf32>, vector<1024x1xf32> -> vector<1024x1xf32>
    %swap3A_60 = arith.constant 7168 : index
    %swap3A_61 = arith.constant 0 : index
    %swap3A_62 = vector.load %arg3[%swap3A_60, %swap3A_61] : memref<10240x1xf32, #tpu.memory_space<vmem>>, vector<1024x1xf32>
    tpu.vector_store %arg3[%swap3A_60, %swap3A_61], %dot_general3A_59 {strides = array<i32>} : memref<10240x1xf32, #tpu.memory_space<vmem>>, vector<1024x1xf32>,
    %get3A_63 = arith.constant 0 : index
    %get3A_64 = arith.constant 8192 : index
    %get3A_65 = vector.load %arg0[%get3A_63, %get3A_64] : memref<8x10240xf32, #tpu.memory_space<vmem>>, vector<1x1024xf32>
    %dot_general3A_66 = arith.constant dense<0.000000e+00> : vector<1024x1xf32>
    %dot_general3A_67 = tpu.matmul %convert_element_type3A_1, %get3A_65, %dot_general3A_66 {dimension_numbers = #tpu.dot_dimension_numbers<[1], [1], [0], [0], [0, 0, 1, 0], [], []>, precision = #tpu.contract_precision<fp32>, transpose_lhs_hint = false} : vector<1024x1024xf32>, vector<1x1024xf32>, vector<1024x1xf32> -> vector<1024x1xf32>
    %swap3A_68 = arith.constant 8192 : index
    %swap3A_69 = arith.constant 0 : index
    %swap3A_70 = vector.load %arg3[%swap3A_68, %swap3A_69] : memref<10240x1xf32, #tpu.memory_space<vmem>>, vector<1024x1xf32>
    tpu.vector_store %arg3[%swap3A_68, %swap3A_69], %dot_general3A_67 {strides = array<i32>} : memref<10240x1xf32, #tpu.memory_space<vmem>>, vector<1024x1xf32>,
    %get3A_71 = arith.constant 0 : index
    %get3A_72 = arith.constant 9216 : index
    %get3A_73 = vector.load %arg0[%get3A_71, %get3A_72] : memref<8x10240xf32, #tpu.memory_space<vmem>>, vector<1x1024xf32>
    %dot_general3A_74 = arith.constant dense<0.000000e+00> : vector<1024x1xf32>
    %dot_general3A_75 = tpu.matmul %convert_element_type3A_1, %get3A_73, %dot_general3A_74 {dimension_numbers = #tpu.dot_dimension_numbers<[1], [1], [0], [0], [0, 0, 1, 0], [], []>, precision = #tpu.contract_precision<fp32>, transpose_lhs_hint = false} : vector<1024x1024xf32>, vector<1x1024xf32>, vector<1024x1xf32> -> vector<1024x1xf32>
    %swap3A_76 = arith.constant 9216 : index
    %swap3A_77 = arith.constant 0 : index
    %swap3A_78 = vector.load %arg3[%swap3A_76, %swap3A_77] : memref<10240x1xf32, #tpu.memory_space<vmem>>, vector<1024x1xf32>
    tpu.vector_store %arg3[%swap3A_76, %swap3A_77], %dot_general3A_75 {strides = array<i32>} : memref<10240x1xf32, #tpu.memory_space<vmem>>, vector<1024x1xf32>,
    %iota3A_79 = tpu.iota {dimensions = array<i32: 0>} : vector<10240x1xi32>
    %scan3A = arith.constant 0 : i32
    %scan3A_80 = arith.constant 40 : i32
    %scan3A_81 = arith.addi %scan3A, %scan3A_80 : i32
    %scan3A_82 = arith.constant 1 : i32
    scf.for %scan3A_84 = %scan3A to %scan3A_81 step %scan3A_82  : i32 {
      %mul3A = arith.constant 256 : i32
      %mul3A_85 = arith.muli %scan3A_84, %mul3A : i32
      %get3A_86 = arith.constant 0 : index
      %get3A_87 = arith.index_cast %mul3A_85 : i32 to index
      %get3A_88 = vector.load %arg0[%get3A_86, %get3A_87] : memref<8x10240xf32, #tpu.memory_space<vmem>>, vector<1x256xf32>
      %mul3A_89 = arith.constant 256 : i32
      %mul3A_90 = arith.muli %scan3A_84, %mul3A_89 : i32
      %iota3A_91 = tpu.iota {dimensions = array<i32: 1>} : vector<1x256xi32>
      %add3A = vector.broadcast %mul3A_90 : i32 to vector<1x256xi32>
      %add3A_92 = arith.addi %add3A, %iota3A_91 : vector<1x256xi32>
      %get3A_93 = arith.constant 0 : index
      %get3A_94 = arith.constant 0 : index
      %get3A_95 = vector.load %arg3[%get3A_93, %get3A_94] : memref<10240x1xf32, #tpu.memory_space<vmem>>, vector<10240x1xf32>
      %gt3A = vector.broadcast %get3A_95 : vector<10240x1xf32> to vector<10240x256xf32>
      %gt3A_96 = vector.broadcast %get3A_88 : vector<1x256xf32> to vector<10240x256xf32>
      %gt3A_97 = arith.cmpf ogt, %gt3A, %gt3A_96 : vector<10240x256xf32>
      %convert_element_type3A_98 = arith.extui %gt3A_97 : vector<10240x256xi1> to vector<10240x256xi32>
      %convert_element_type3A_99 = arith.sitofp %convert_element_type3A_98 : vector<10240x256xi32> to vector<10240x256xf32>
      %eq3A_100 = vector.broadcast %get3A_95 : vector<10240x1xf32> to vector<10240x256xf32>
      %eq3A_101 = vector.broadcast %get3A_88 : vector<1x256xf32> to vector<10240x256xf32>
      %eq3A_102 = arith.cmpf oeq, %eq3A_100, %eq3A_101 : vector<10240x256xf32>
      %lt3A = vector.broadcast %iota3A_79 : vector<10240x1xi32> to vector<10240x256xi32>
      %lt3A_103 = vector.broadcast %add3A_92 : vector<1x256xi32> to vector<10240x256xi32>
      %lt3A_104 = arith.cmpi slt, %lt3A, %lt3A_103 : vector<10240x256xi32>
      %and3A = arith.andi %eq3A_102, %lt3A_104 : vector<10240x256xi1>
      %convert_element_type3A_105 = arith.extui %and3A : vector<10240x256xi1> to vector<10240x256xi32>
      %convert_element_type3A_106 = arith.sitofp %convert_element_type3A_105 : vector<10240x256xi32> to vector<10240x256xf32>
      %reduce_sum3A = arith.constant dense<0.000000e+00> : vector<256xf32>
      %reduce_sum3A_107 = vector.multi_reduction <add>, %convert_element_type3A_99, %reduce_sum3A [0] : vector<10240x256xf32> to vector<256xf32>
      %broadcast_in_dim3A = vector.shape_cast %reduce_sum3A_107 : vector<256xf32> to vector<1x256xf32>
      %reduce_sum3A_108 = arith.constant dense<0.000000e+00> : vector<256xf32>
      %reduce_sum3A_109 = vector.multi_reduction <add>, %convert_element_type3A_106, %reduce_sum3A_108 [0] : vector<10240x256xf32> to vector<256xf32>
      %broadcast_in_dim3A_110 = vector.shape_cast %reduce_sum3A_109 : vector<256xf32> to vector<1x256xf32>
      %add3A_111 = arith.addf %broadcast_in_dim3A, %broadcast_in_dim3A_110 : vector<1x256xf32>
      %broadcast_in_dim3A_112 = vector.shape_cast %add3A_111 : vector<1x256xf32> to vector<1x256xf32>
      %broadcast_in_dim3A_113 = vector.broadcast %broadcast_in_dim3A_112 : vector<1x256xf32> to vector<8x256xf32>
      %mul3A_114 = arith.constant 256 : i32
      %mul3A_115 = arith.muli %scan3A_84, %mul3A_114 : i32
      %swap3A_116 = arith.constant 0 : index
      %swap3A_117 = arith.index_cast %mul3A_115 : i32 to index
      %swap3A_118 = vector.load %arg1[%swap3A_116, %swap3A_117] : memref<8x10240xf32, #tpu.memory_space<vmem>>, vector<8x256xf32>
      tpu.vector_store %arg1[%swap3A_116, %swap3A_117], %broadcast_in_dim3A_113 {strides = array<i32>} : memref<8x10240xf32, #tpu.memory_space<vmem>>, vector<8x256xf32>,
      %convert_element_type3A_119 = arith.fptosi %add3A_111 : vector<1x256xf32> to vector<1x256xi32>
      %lt3A_120 = arith.constant 5000 : i32
      %lt3A_121 = vector.broadcast %lt3A_120 : i32 to vector<1x256xi32>
      %lt3A_122 = arith.cmpi slt, %convert_element_type3A_119, %lt3A_121 : vector<1x256xi32>
      %and3A_123 = arith.constant 7 : i32
      %and3A_124 = vector.broadcast %and3A_123 : i32 to vector<1x256xi32>
      %and3A_125 = arith.andi %convert_element_type3A_119, %and3A_124 : vector<1x256xi32>
      %add3A_126 = arith.constant 5000 : i32
      %add3A_127 = vector.broadcast %add3A_126 : i32 to vector<1x256xi32>
      %add3A_128 = arith.addi %add3A_127, %and3A_125 : vector<1x256xi32>
      %select_n3A = arith.select %lt3A_122, %convert_element_type3A_119, %add3A_128 : vector<1x256xi1>, vector<1x256xi32>
      %broadcast_in_dim3A_129 = vector.shape_cast %select_n3A : vector<1x256xi32> to vector<1x256xi32>
      %broadcast_in_dim3A_130 = vector.broadcast %broadcast_in_dim3A_129 : vector<1x256xi32> to vector<8x256xi32>
      %mul3A_131 = arith.constant 256 : i32
      %mul3A_132 = arith.muli %scan3A_84, %mul3A_131 : i32
      %swap3A_133 = arith.constant 0 : index
      %swap3A_134 = arith.index_cast %mul3A_132 : i32 to index
      %swap3A_135 = vector.load %arg2[%swap3A_133, %swap3A_134] : memref<8x10240xi32, #tpu.memory_space<vmem>>, vector<8x256xi32>
      tpu.vector_store %arg2[%swap3A_133, %swap3A_134], %broadcast_in_dim3A_130 {strides = array<i32>} : memref<8x10240xi32, #tpu.memory_space<vmem>>, vector<8x256xi32>,
    }
    %scan3A_83 = arith.constant 40 : i32
    return
  }
}

module attributes {stable_mosaic.version = 14 : i64} {
  func.func @_dense_body(%arg0: i32, %arg1: memref<1024x128xf32, #tpu.memory_space<vmem>>, %arg2: memref<8x1024xf32, #tpu.memory_space<vmem>>, %arg3: memref<8x1024xf32, #tpu.memory_space<vmem>>, %arg4: memref<1x128xf32, #tpu.memory_space<vmem>>, %arg5: memref<128x128xf32, #tpu.memory_space<vmem>>, %arg6: memref<1x128xf32, #tpu.memory_space<vmem>>, %arg7: memref<128x128xf32, #tpu.memory_space<vmem>>, %arg8: memref<1x128xf32, #tpu.memory_space<vmem>>, %arg9: memref<1x128xf32, #tpu.memory_space<vmem>>, %arg10: memref<1x128xf32, #tpu.memory_space<vmem>>, %arg11: memref<128x128xf32, #tpu.memory_space<vmem>>, %arg12: memref<1x128xf32, #tpu.memory_space<vmem>>, %arg13: memref<1x128xf32, #tpu.memory_space<vmem>>, %arg14: memref<1x128xf32, #tpu.memory_space<vmem>>, %arg15: memref<1x128xf32, #tpu.memory_space<vmem>>, %arg16: memref<1x128xf32, #tpu.memory_space<vmem>>, %arg17: memref<128x128xf32, #tpu.memory_space<vmem>>, %arg18: memref<1x128xf32, #tpu.memory_space<vmem>>, %arg19: memref<128x64xf32, #tpu.memory_space<vmem>>, %arg20: memref<1x64xf32, #tpu.memory_space<vmem>>, %arg21: memref<64x10xf32, #tpu.memory_space<vmem>>, %arg22: memref<1x10xf32, #tpu.memory_space<vmem>>, %arg23: memref<1024x128xf32, #tpu.memory_space<vmem>>, %arg24: memref<1024x128xf32, #tpu.memory_space<vmem>>, %arg25: memref<1024x128xf32, #tpu.memory_space<vmem>>, %arg26: memref<8x128xf32, #tpu.memory_space<vmem>>, %arg27: memref<8x128xf32, #tpu.memory_space<vmem>>, %arg28: memref<1x10xf32, #tpu.memory_space<vmem>>, %arg29: memref<1x128xf32, #tpu.memory_space<vmem>>) attributes {dimension_semantics = [#tpu.dimension_semantics<arbitrary>], iteration_bounds = array<i64: 10>, scalar_prefetch = 0 : i64, scratch_operands = 0 : i64, tpu.core_type = #tpu.core_type<tc>, window_params = [{transform_indices = @transform_0, window_bounds = array<i64: 1024, 128>}, {transform_indices = @transform_1, window_bounds = array<i64: 8, 1024>}, {transform_indices = @transform_2, window_bounds = array<i64: 8, 1024>}, {pipeline_mode = #tpu.pipeline_mode<synchronous>, transform_indices = @transform_3, window_bounds = array<i64: 1, 128>}, {pipeline_mode = #tpu.pipeline_mode<synchronous>, transform_indices = @transform_4, window_bounds = array<i64: 128, 128>}, {pipeline_mode = #tpu.pipeline_mode<synchronous>, transform_indices = @transform_5, window_bounds = array<i64: 1, 128>}, {pipeline_mode = #tpu.pipeline_mode<synchronous>, transform_indices = @transform_6, window_bounds = array<i64: 128, 128>}, {pipeline_mode = #tpu.pipeline_mode<synchronous>, transform_indices = @transform_7, window_bounds = array<i64: 1, 128>}, {pipeline_mode = #tpu.pipeline_mode<synchronous>, transform_indices = @transform_8, window_bounds = array<i64: 1, 128>}, {pipeline_mode = #tpu.pipeline_mode<synchronous>, transform_indices = @transform_9, window_bounds = array<i64: 1, 128>}, {pipeline_mode = #tpu.pipeline_mode<synchronous>, transform_indices = @transform_10, window_bounds = array<i64: 128, 128>}, {pipeline_mode = #tpu.pipeline_mode<synchronous>, transform_indices = @transform_11, window_bounds = array<i64: 1, 128>}, {pipeline_mode = #tpu.pipeline_mode<synchronous>, transform_indices = @transform_12, window_bounds = array<i64: 1, 128>}, {pipeline_mode = #tpu.pipeline_mode<synchronous>, transform_indices = @transform_13, window_bounds = array<i64: 1, 128>}, {pipeline_mode = #tpu.pipeline_mode<synchronous>, transform_indices = @transform_14, window_bounds = array<i64: 1, 128>}, {pipeline_mode = #tpu.pipeline_mode<synchronous>, transform_indices = @transform_15, window_bounds = array<i64: 1, 128>}, {pipeline_mode = #tpu.pipeline_mode<synchronous>, transform_indices = @transform_16, window_bounds = array<i64: 128, 128>}, {pipeline_mode = #tpu.pipeline_mode<synchronous>, transform_indices = @transform_17, window_bounds = array<i64: 1, 128>}, {pipeline_mode = #tpu.pipeline_mode<synchronous>, transform_indices = @transform_18, window_bounds = array<i64: 128, 64>}, {pipeline_mode = #tpu.pipeline_mode<synchronous>, transform_indices = @transform_19, window_bounds = array<i64: 1, 64>}, {pipeline_mode = #tpu.pipeline_mode<synchronous>, transform_indices = @transform_20, window_bounds = array<i64: 64, 10>}, {pipeline_mode = #tpu.pipeline_mode<synchronous>, transform_indices = @transform_21, window_bounds = array<i64: 1, 10>}, {transform_indices = @transform_22, window_bounds = array<i64: 1024, 128>}, {transform_indices = @transform_23, window_bounds = array<i64: 1024, 128>}, {transform_indices = @transform_24, window_bounds = array<i64: 1024, 128>}, {pipeline_mode = #tpu.pipeline_mode<synchronous>, transform_indices = @transform_25, window_bounds = array<i64: 8, 128>}, {pipeline_mode = #tpu.pipeline_mode<synchronous>, transform_indices = @transform_26, window_bounds = array<i64: 8, 128>}, {pipeline_mode = #tpu.pipeline_mode<synchronous>, transform_indices = @transform_27, window_bounds = array<i64: 1, 10>}, {pipeline_mode = #tpu.pipeline_mode<synchronous>, transform_indices = @transform_28, window_bounds = array<i64: 1, 128>}]} {
    %iota3A = tpu.iota {dimensions = array<i32: 0>} : vector<1024x1024xi32>
    %iota3A_0 = tpu.iota {dimensions = array<i32: 1>} : vector<1024x1024xi32>
    %eq3A = arith.cmpi eq, %iota3A, %iota3A_0 : vector<1024x1024xi32>
    %convert_element_type3A = arith.extui %eq3A : vector<1024x1024xi1> to vector<1024x1024xi32>
    %convert_element_type3A_1 = arith.sitofp %convert_element_type3A : vector<1024x1024xi32> to vector<1024x1024xf32>
    %get3A = arith.constant 0 : index
    %get3A_2 = arith.constant 0 : index
    %get3A_3 = vector.load %arg2[%get3A, %get3A_2] : memref<8x1024xf32, #tpu.memory_space<vmem>>, vector<1x1024xf32>
    %dot_general3A = arith.constant dense<0.000000e+00> : vector<1024x1xf32>
    %dot_general3A_4 = tpu.matmul %convert_element_type3A_1, %get3A_3, %dot_general3A {dimension_numbers = #tpu.dot_dimension_numbers<[1], [1], [0], [0], [0, 0, 1, 0], [], []>, precision = #tpu.contract_precision<fp32>, transpose_lhs_hint = false} : vector<1024x1024xf32>, vector<1x1024xf32>, vector<1024x1xf32> -> vector<1024x1xf32>
    %get3A_5 = arith.constant 0 : index
    %get3A_6 = arith.constant 0 : index
    %get3A_7 = vector.load %arg3[%get3A_5, %get3A_6] : memref<8x1024xf32, #tpu.memory_space<vmem>>, vector<1x1024xf32>
    %dot_general3A_8 = arith.constant dense<0.000000e+00> : vector<1024x1xf32>
    %dot_general3A_9 = tpu.matmul %convert_element_type3A_1, %get3A_7, %dot_general3A_8 {dimension_numbers = #tpu.dot_dimension_numbers<[1], [1], [0], [0], [0, 0, 1, 0], [], []>, precision = #tpu.contract_precision<fp32>, transpose_lhs_hint = false} : vector<1024x1024xf32>, vector<1x1024xf32>, vector<1024x1xf32> -> vector<1024x1xf32>
    %lt3A = arith.constant 5.000000e+03 : f32
    %lt3A_10 = vector.broadcast %lt3A : f32 to vector<1024x1xf32>
    %lt3A_11 = arith.cmpf olt, %dot_general3A_9, %lt3A_10 : vector<1024x1xf32>
    %get3A_12 = arith.constant 0 : index
    %get3A_13 = arith.constant 0 : index
    %get3A_14 = vector.load %arg1[%get3A_12, %get3A_13] : memref<1024x128xf32, #tpu.memory_space<vmem>>, vector<1024x128xf32>
    %tanh3A = math.tanh %dot_general3A_4 : vector<1024x1xf32>
    %mul3A = vector.broadcast %tanh3A : vector<1024x1xf32> to vector<1024x128xf32>
    %mul3A_15 = arith.mulf %get3A_14, %mul3A : vector<1024x128xf32>
    %get3A_16 = arith.constant 0 : index
    %get3A_17 = arith.constant 0 : index
    %get3A_18 = vector.load %arg11[%get3A_16, %get3A_17] : memref<128x128xf32, #tpu.memory_space<vmem>>, vector<128x128xf32>
    %dot_general3A_19 = arith.constant dense<0.000000e+00> : vector<1024x128xf32>
    %dot_general3A_20 = tpu.matmul %mul3A_15, %get3A_18, %dot_general3A_19 {dimension_numbers = #tpu.dot_dimension_numbers<[1], [0], [0], [1], [0, 0, 1, 1], [], []>, transpose_lhs_hint = false} : vector<1024x128xf32>, vector<128x128xf32>, vector<1024x128xf32> -> vector<1024x128xf32>
    %get3A_21 = arith.constant 0 : index
    %get3A_22 = arith.constant 0 : index
    %get3A_23 = vector.load %arg12[%get3A_21, %get3A_22] : memref<1x128xf32, #tpu.memory_space<vmem>>, vector<1x128xf32>
    %add3A = vector.broadcast %get3A_23 : vector<1x128xf32> to vector<1024x128xf32>
    %add3A_24 = arith.addf %dot_general3A_20, %add3A : vector<1024x128xf32>
    %get3A_25 = arith.constant 0 : index
    %get3A_26 = arith.constant 0 : index
    %get3A_27 = vector.load %arg13[%get3A_25, %get3A_26] : memref<1x128xf32, #tpu.memory_space<vmem>>, vector<1x128xf32>
    %get3A_28 = arith.constant 0 : index
    %get3A_29 = arith.constant 0 : index
    %get3A_30 = vector.load %arg14[%get3A_28, %get3A_29] : memref<1x128xf32, #tpu.memory_space<vmem>>, vector<1x128xf32>
    %reduce_sum3A = arith.constant dense<0.000000e+00> : vector<1024xf32>
    %reduce_sum3A_31 = vector.multi_reduction <add>, %add3A_24, %reduce_sum3A [1] : vector<1024x128xf32> to vector<1024xf32>
    %broadcast_in_dim3A = vector.shape_cast %reduce_sum3A_31 : vector<1024xf32> to vector<1024x1xf32>
    %div3A = arith.constant 1.280000e+02 : f32
    %div3A_32 = vector.broadcast %div3A : f32 to vector<1024x1xf32>
    %div3A_33 = arith.divf %broadcast_in_dim3A, %div3A_32 : vector<1024x1xf32>
    %sub3A = vector.broadcast %div3A_33 : vector<1024x1xf32> to vector<1024x128xf32>
    %sub3A_34 = arith.subf %add3A_24, %sub3A : vector<1024x128xf32>
    %integer_pow3A = arith.mulf %sub3A_34, %sub3A_34 : vector<1024x128xf32>
    %reduce_sum3A_35 = arith.constant dense<0.000000e+00> : vector<1024xf32>
    %reduce_sum3A_36 = vector.multi_reduction <add>, %integer_pow3A, %reduce_sum3A_35 [1] : vector<1024x128xf32> to vector<1024xf32>
    %broadcast_in_dim3A_37 = vector.shape_cast %reduce_sum3A_36 : vector<1024xf32> to vector<1024x1xf32>
    %div3A_38 = arith.constant 1.280000e+02 : f32
    %div3A_39 = vector.broadcast %div3A_38 : f32 to vector<1024x1xf32>
    %div3A_40 = arith.divf %broadcast_in_dim3A_37, %div3A_39 : vector<1024x1xf32>
    %sub3A_41 = vector.broadcast %div3A_33 : vector<1024x1xf32> to vector<1024x128xf32>
    %sub3A_42 = arith.subf %add3A_24, %sub3A_41 : vector<1024x128xf32>
    %add3A_43 = arith.constant 9.99999974E-6 : f32
    %add3A_44 = vector.broadcast %add3A_43 : f32 to vector<1024x1xf32>
    %add3A_45 = arith.addf %div3A_40, %add3A_44 : vector<1024x1xf32>
    %sqrt3A = math.sqrt %add3A_45 : vector<1024x1xf32>
    %div3A_46 = vector.broadcast %sqrt3A : vector<1024x1xf32> to vector<1024x128xf32>
    %div3A_47 = arith.divf %sub3A_42, %div3A_46 : vector<1024x128xf32>
    %mul3A_48 = vector.broadcast %get3A_27 : vector<1x128xf32> to vector<1024x128xf32>
    %mul3A_49 = arith.mulf %div3A_47, %mul3A_48 : vector<1024x128xf32>
    %add3A_50 = vector.broadcast %get3A_30 : vector<1x128xf32> to vector<1024x128xf32>
    %add3A_51 = arith.addf %mul3A_49, %add3A_50 : vector<1024x128xf32>
    %mul3A_52 = arith.constant 5.000000e-01 : f32
    %mul3A_53 = vector.broadcast %mul3A_52 : f32 to vector<1024x128xf32>
    %mul3A_54 = arith.mulf %add3A_51, %mul3A_53 : vector<1024x128xf32>
    %sqrt3A_55 = arith.constant 2.000000e+00 : f32
    %sqrt3A_56 = math.sqrt %sqrt3A_55 : f32
    %div3A_57 = vector.broadcast %sqrt3A_56 : f32 to vector<1024x128xf32>
    %div3A_58 = arith.divf %add3A_51, %div3A_57 : vector<1024x128xf32>
    %erf3A = math.erf %div3A_58 : vector<1024x128xf32>
    %add3A_59 = arith.constant 1.000000e+00 : f32
    %add3A_60 = vector.broadcast %add3A_59 : f32 to vector<1024x128xf32>
    %add3A_61 = arith.addf %add3A_60, %erf3A : vector<1024x128xf32>
    %mul3A_62 = arith.mulf %mul3A_54, %add3A_61 : vector<1024x128xf32>
    %get3A_63 = arith.constant 0 : index
    %get3A_64 = arith.constant 0 : index
    %get3A_65 = vector.load %arg4[%get3A_63, %get3A_64] : memref<1x128xf32, #tpu.memory_space<vmem>>, vector<1x128xf32>
    %get3A_66 = arith.constant 0 : index
    %get3A_67 = arith.constant 0 : index
    %get3A_68 = vector.load %arg5[%get3A_66, %get3A_67] : memref<128x128xf32, #tpu.memory_space<vmem>>, vector<128x128xf32>
    %dot_general3A_69 = arith.constant dense<0.000000e+00> : vector<1x128xf32>
    %dot_general3A_70 = tpu.matmul %get3A_65, %get3A_68, %dot_general3A_69 {dimension_numbers = #tpu.dot_dimension_numbers<[1], [0], [0], [1], [0, 0, 1, 1], [], []>, transpose_lhs_hint = false} : vector<1x128xf32>, vector<128x128xf32>, vector<1x128xf32> -> vector<1x128xf32>
    %get3A_71 = arith.constant 0 : index
    %get3A_72 = arith.constant 0 : index
    %get3A_73 = vector.load %arg6[%get3A_71, %get3A_72] : memref<1x128xf32, #tpu.memory_space<vmem>>, vector<1x128xf32>
    %add3A_74 = arith.addf %dot_general3A_70, %get3A_73 : vector<1x128xf32>
    %get3A_75 = arith.constant 0 : index
    %get3A_76 = arith.constant 0 : index
    %get3A_77 = vector.load %arg7[%get3A_75, %get3A_76] : memref<128x128xf32, #tpu.memory_space<vmem>>, vector<128x128xf32>
    %dot_general3A_78 = arith.constant dense<0.000000e+00> : vector<1x128xf32>
    %dot_general3A_79 = tpu.matmul %add3A_74, %get3A_77, %dot_general3A_78 {dimension_numbers = #tpu.dot_dimension_numbers<[1], [0], [0], [1], [0, 0, 1, 1], [], []>, transpose_lhs_hint = false} : vector<1x128xf32>, vector<128x128xf32>, vector<1x128xf32> -> vector<1x128xf32>
    %get3A_80 = arith.constant 0 : index
    %get3A_81 = arith.constant 0 : index
    %get3A_82 = vector.load %arg8[%get3A_80, %get3A_81] : memref<1x128xf32, #tpu.memory_space<vmem>>, vector<1x128xf32>
    %add3A_83 = arith.addf %dot_general3A_79, %get3A_82 : vector<1x128xf32>
    %get3A_84 = arith.constant 0 : index
    %get3A_85 = arith.constant 0 : index
    %get3A_86 = vector.load %arg9[%get3A_84, %get3A_85] : memref<1x128xf32, #tpu.memory_space<vmem>>, vector<1x128xf32>
    %get3A_87 = arith.constant 0 : index
    %get3A_88 = arith.constant 0 : index
    %get3A_89 = vector.load %arg10[%get3A_87, %get3A_88] : memref<1x128xf32, #tpu.memory_space<vmem>>, vector<1x128xf32>
    %reduce_sum3A_90 = arith.constant dense<0.000000e+00> : vector<1xf32>
    %reduce_sum3A_91 = vector.multi_reduction <add>, %add3A_83, %reduce_sum3A_90 [1] : vector<1x128xf32> to vector<1xf32>
    %broadcast_in_dim3A_92 = vector.shape_cast %reduce_sum3A_91 : vector<1xf32> to vector<1x1xf32>
    %div3A_93 = arith.constant 1.280000e+02 : f32
    %div3A_94 = vector.broadcast %div3A_93 : f32 to vector<1x1xf32>
    %div3A_95 = arith.divf %broadcast_in_dim3A_92, %div3A_94 : vector<1x1xf32>
    %sub3A_96 = vector.broadcast %div3A_95 : vector<1x1xf32> to vector<1x128xf32>
    %sub3A_97 = arith.subf %add3A_83, %sub3A_96 : vector<1x128xf32>
    %integer_pow3A_98 = arith.mulf %sub3A_97, %sub3A_97 : vector<1x128xf32>
    %reduce_sum3A_99 = arith.constant dense<0.000000e+00> : vector<1xf32>
    %reduce_sum3A_100 = vector.multi_reduction <add>, %integer_pow3A_98, %reduce_sum3A_99 [1] : vector<1x128xf32> to vector<1xf32>
    %broadcast_in_dim3A_101 = vector.shape_cast %reduce_sum3A_100 : vector<1xf32> to vector<1x1xf32>
    %div3A_102 = arith.constant 1.280000e+02 : f32
    %div3A_103 = vector.broadcast %div3A_102 : f32 to vector<1x1xf32>
    %div3A_104 = arith.divf %broadcast_in_dim3A_101, %div3A_103 : vector<1x1xf32>
    %sub3A_105 = vector.broadcast %div3A_95 : vector<1x1xf32> to vector<1x128xf32>
    %sub3A_106 = arith.subf %add3A_83, %sub3A_105 : vector<1x128xf32>
    %add3A_107 = arith.constant 9.99999974E-6 : f32
    %add3A_108 = vector.broadcast %add3A_107 : f32 to vector<1x1xf32>
    %add3A_109 = arith.addf %div3A_104, %add3A_108 : vector<1x1xf32>
    %sqrt3A_110 = math.sqrt %add3A_109 : vector<1x1xf32>
    %div3A_111 = vector.broadcast %sqrt3A_110 : vector<1x1xf32> to vector<1x128xf32>
    %div3A_112 = arith.divf %sub3A_106, %div3A_111 : vector<1x128xf32>
    %mul3A_113 = arith.mulf %div3A_112, %get3A_86 : vector<1x128xf32>
    %add3A_114 = arith.addf %mul3A_113, %get3A_89 : vector<1x128xf32>
    %mul3A_115 = arith.constant 5.000000e-01 : f32
    %mul3A_116 = vector.broadcast %mul3A_115 : f32 to vector<1x128xf32>
    %mul3A_117 = arith.mulf %add3A_114, %mul3A_116 : vector<1x128xf32>
    %sqrt3A_118 = arith.constant 2.000000e+00 : f32
    %sqrt3A_119 = math.sqrt %sqrt3A_118 : f32
    %div3A_120 = vector.broadcast %sqrt3A_119 : f32 to vector<1x128xf32>
    %div3A_121 = arith.divf %add3A_114, %div3A_120 : vector<1x128xf32>
    %erf3A_122 = math.erf %div3A_121 : vector<1x128xf32>
    %add3A_123 = arith.constant 1.000000e+00 : f32
    %add3A_124 = vector.broadcast %add3A_123 : f32 to vector<1x128xf32>
    %add3A_125 = arith.addf %add3A_124, %erf3A_122 : vector<1x128xf32>
    %mul3A_126 = arith.mulf %mul3A_117, %add3A_125 : vector<1x128xf32>
    %get3A_127 = arith.constant 0 : index
    %get3A_128 = arith.constant 0 : index
    %get3A_129 = vector.load %arg15[%get3A_127, %get3A_128] : memref<1x128xf32, #tpu.memory_space<vmem>>, vector<1x128xf32>
    %logistic3A = arith.negf %get3A_129 : vector<1x128xf32>
    %logistic3A_130 = math.exp %logistic3A : vector<1x128xf32>
    %logistic3A_131 = arith.constant 1.000000e+00 : f32
    %logistic3A_132 = vector.broadcast %logistic3A_131 : f32 to vector<1x128xf32>
    %logistic3A_133 = arith.addf %logistic3A_132, %logistic3A_130 : vector<1x128xf32>
    %logistic3A_134 = arith.divf %logistic3A_132, %logistic3A_133 : vector<1x128xf32>
    %get3A_135 = arith.constant 0 : index
    %get3A_136 = arith.constant 0 : index
    %get3A_137 = vector.load %arg16[%get3A_135, %get3A_136] : memref<1x128xf32, #tpu.memory_space<vmem>>, vector<1x128xf32>
    %logistic3A_138 = arith.negf %get3A_137 : vector<1x128xf32>
    %logistic3A_139 = math.exp %logistic3A_138 : vector<1x128xf32>
    %logistic3A_140 = arith.constant 1.000000e+00 : f32
    %logistic3A_141 = vector.broadcast %logistic3A_140 : f32 to vector<1x128xf32>
    %logistic3A_142 = arith.addf %logistic3A_141, %logistic3A_139 : vector<1x128xf32>
    %logistic3A_143 = arith.divf %logistic3A_141, %logistic3A_142 : vector<1x128xf32>
    %mul3A_144 = vector.broadcast %logistic3A_134 : vector<1x128xf32> to vector<1024x128xf32>
    %mul3A_145 = arith.mulf %mul3A_144, %mul3A_15 : vector<1024x128xf32>
    %sub3A_146 = arith.constant 1.000000e+00 : f32
    %sub3A_147 = vector.broadcast %sub3A_146 : f32 to vector<1x128xf32>
    %sub3A_148 = arith.subf %sub3A_147, %logistic3A_134 : vector<1x128xf32>
    %mul3A_149 = arith.mulf %sub3A_148, %mul3A_126 : vector<1x128xf32>
    %add3A_150 = vector.broadcast %mul3A_149 : vector<1x128xf32> to vector<1024x128xf32>
    %add3A_151 = arith.addf %mul3A_145, %add3A_150 : vector<1024x128xf32>
    %mul3A_152 = arith.mulf %logistic3A_143, %add3A_74 : vector<1x128xf32>
    %add3A_153 = vector.broadcast %mul3A_152 : vector<1x128xf32> to vector<1024x128xf32>
    %add3A_154 = arith.addf %add3A_151, %add3A_153 : vector<1024x128xf32>
    %sub3A_155 = arith.constant 1.000000e+00 : f32
    %sub3A_156 = vector.broadcast %sub3A_155 : f32 to vector<1x128xf32>
    %sub3A_157 = arith.subf %sub3A_156, %logistic3A_143 : vector<1x128xf32>
    %mul3A_158 = vector.broadcast %sub3A_157 : vector<1x128xf32> to vector<1024x128xf32>
    %mul3A_159 = arith.mulf %mul3A_158, %mul3A_62 : vector<1024x128xf32>
    %add3A_160 = arith.addf %add3A_154, %mul3A_159 : vector<1024x128xf32>
    %mul3A_161 = arith.constant 5.000000e-01 : f32
    %mul3A_162 = vector.broadcast %mul3A_161 : f32 to vector<1024x128xf32>
    %mul3A_163 = arith.mulf %add3A_160, %mul3A_162 : vector<1024x128xf32>
    %get3A_164 = arith.constant 0 : index
    %get3A_165 = arith.constant 0 : index
    %get3A_166 = vector.load %arg17[%get3A_164, %get3A_165] : memref<128x128xf32, #tpu.memory_space<vmem>>, vector<128x128xf32>
    %dot_general3A_167 = arith.constant dense<0.000000e+00> : vector<1024x128xf32>
    %dot_general3A_168 = tpu.matmul %mul3A_163, %get3A_166, %dot_general3A_167 {dimension_numbers = #tpu.dot_dimension_numbers<[1], [0], [0], [1], [0, 0, 1, 1], [], []>, transpose_lhs_hint = false} : vector<1024x128xf32>, vector<128x128xf32>, vector<1024x128xf32> -> vector<1024x128xf32>
    %get3A_169 = arith.constant 0 : index
    %get3A_170 = arith.constant 0 : index
    %get3A_171 = vector.load %arg18[%get3A_169, %get3A_170] : memref<1x128xf32, #tpu.memory_space<vmem>>, vector<1x128xf32>
    %add3A_172 = vector.broadcast %get3A_171 : vector<1x128xf32> to vector<1024x128xf32>
    %add3A_173 = arith.addf %dot_general3A_168, %add3A_172 : vector<1024x128xf32>
    %mul3A_174 = arith.constant 1024 : i32
    %mul3A_175 = arith.muli %arg0, %mul3A_174 : i32
    %iota3A_176 = tpu.iota {dimensions = array<i32: 0>} : vector<1024x1xi32>
    %add3A_177 = vector.broadcast %mul3A_175 : i32 to vector<1024x1xi32>
    %add3A_178 = arith.addi %add3A_177, %iota3A_176 : vector<1024x1xi32>
    %lt3A_179 = arith.constant 10000 : i32
    %lt3A_180 = vector.broadcast %lt3A_179 : i32 to vector<1024x1xi32>
    %lt3A_181 = arith.cmpi slt, %add3A_178, %lt3A_180 : vector<1024x1xi32>
    %and3A = arith.andi %lt3A_11, %lt3A_181 : vector<1024x1xi1>
    %jit3A = arith.constant 0.000000e+00 : f32
    %broadcast_in_dim3A_182 = vector.shape_cast %and3A : vector<1024x1xi1> to vector<1024x1xi1>
    %broadcast_in_dim3A_183 = vector.broadcast %broadcast_in_dim3A_182 : vector<1024x1xi1> to vector<1024x128xi1>
    %broadcast_in_dim3A_184 = vector.broadcast %jit3A : f32 to vector<1024x128xf32>
    %select_n3A = arith.select %broadcast_in_dim3A_183, %add3A_173, %broadcast_in_dim3A_184 : vector<1024x128xi1>, vector<1024x128xf32>
    %swap3A = arith.constant 0 : index
    %swap3A_185 = arith.constant 0 : index
    %swap3A_186 = vector.load %arg23[%swap3A, %swap3A_185] : memref<1024x128xf32, #tpu.memory_space<vmem>>, vector<1024x128xf32>
    tpu.vector_store %arg23[%swap3A, %swap3A_185], %mul3A_15 {strides = array<i32>} : memref<1024x128xf32, #tpu.memory_space<vmem>>, vector<1024x128xf32>,
    %swap3A_187 = arith.constant 0 : index
    %swap3A_188 = arith.constant 0 : index
    %swap3A_189 = vector.load %arg24[%swap3A_187, %swap3A_188] : memref<1024x128xf32, #tpu.memory_space<vmem>>, vector<1024x128xf32>
    tpu.vector_store %arg24[%swap3A_187, %swap3A_188], %mul3A_163 {strides = array<i32>} : memref<1024x128xf32, #tpu.memory_space<vmem>>, vector<1024x128xf32>,
    %swap3A_190 = arith.constant 0 : index
    %swap3A_191 = arith.constant 0 : index
    %swap3A_192 = vector.load %arg25[%swap3A_190, %swap3A_191] : memref<1024x128xf32, #tpu.memory_space<vmem>>, vector<1024x128xf32>
    tpu.vector_store %arg25[%swap3A_190, %swap3A_191], %select_n3A {strides = array<i32>} : memref<1024x128xf32, #tpu.memory_space<vmem>>, vector<1024x128xf32>,
    %jit3A_193 = arith.constant 0.000000e+00 : f32
    %broadcast_in_dim3A_194 = vector.shape_cast %and3A : vector<1024x1xi1> to vector<1024x1xi1>
    %broadcast_in_dim3A_195 = vector.broadcast %broadcast_in_dim3A_194 : vector<1024x1xi1> to vector<1024x128xi1>
    %broadcast_in_dim3A_196 = vector.broadcast %jit3A_193 : f32 to vector<1024x128xf32>
    %select_n3A_197 = arith.select %broadcast_in_dim3A_195, %mul3A_163, %broadcast_in_dim3A_196 : vector<1024x128xi1>, vector<1024x128xf32>
    %reshape3A = vector.shape_cast %select_n3A_197 : vector<1024x128xf32> to vector<128x8x128xf32>
    %reduce_sum3A_198 = arith.constant dense<0.000000e+00> : vector<8x128xf32>
    %reduce_sum3A_199 = vector.multi_reduction <add>, %reshape3A, %reduce_sum3A_198 [0] : vector<128x8x128xf32> to vector<8x128xf32>
    %sub3A_200 = arith.subf %select_n3A, %get3A_14 : vector<1024x128xf32>
    %jit3A_201 = arith.constant 0.000000e+00 : f32
    %broadcast_in_dim3A_202 = vector.shape_cast %lt3A_181 : vector<1024x1xi1> to vector<1024x1xi1>
    %broadcast_in_dim3A_203 = vector.broadcast %broadcast_in_dim3A_202 : vector<1024x1xi1> to vector<1024x128xi1>
    %broadcast_in_dim3A_204 = vector.broadcast %jit3A_201 : f32 to vector<1024x128xf32>
    %select_n3A_205 = arith.select %broadcast_in_dim3A_203, %sub3A_200, %broadcast_in_dim3A_204 : vector<1024x128xi1>, vector<1024x128xf32>
    %mul3A_206 = arith.mulf %select_n3A_205, %select_n3A_205 : vector<1024x128xf32>
    %reshape3A_207 = vector.shape_cast %mul3A_206 : vector<1024x128xf32> to vector<128x8x128xf32>
    %reduce_sum3A_208 = arith.constant dense<0.000000e+00> : vector<8x128xf32>
    %reduce_sum3A_209 = vector.multi_reduction <add>, %reshape3A_207, %reduce_sum3A_208 [0] : vector<128x8x128xf32> to vector<8x128xf32>
    %eq3A_210 = arith.constant 0 : i32
    %eq3A_211 = arith.cmpi eq, %arg0, %eq3A_210 : i32
    %convert_element_type3A_212 = arith.extui %eq3A_211 : i1 to i32
    %cond3A = arith.constant 0 : i32
    %cond3A_213 = arith.cmpi ne, %convert_element_type3A_212, %cond3A : i32
    scf.if %cond3A_213 {
      %swap3A_226 = arith.constant 0 : index
      %swap3A_227 = arith.constant 0 : index
      %swap3A_228 = vector.load %arg26[%swap3A_226, %swap3A_227] : memref<8x128xf32, #tpu.memory_space<vmem>>, vector<8x128xf32>
      tpu.vector_store %arg26[%swap3A_226, %swap3A_227], %reduce_sum3A_199 {strides = array<i32>} : memref<8x128xf32, #tpu.memory_space<vmem>>, vector<8x128xf32>,
      %swap3A_229 = arith.constant 0 : index
      %swap3A_230 = arith.constant 0 : index
      %swap3A_231 = vector.load %arg27[%swap3A_229, %swap3A_230] : memref<8x128xf32, #tpu.memory_space<vmem>>, vector<8x128xf32>
      tpu.vector_store %arg27[%swap3A_229, %swap3A_230], %reduce_sum3A_209 {strides = array<i32>} : memref<8x128xf32, #tpu.memory_space<vmem>>, vector<8x128xf32>,
    } else {
    }
    %gt3A = arith.constant 0 : i32
    %gt3A_214 = arith.cmpi sgt, %arg0, %gt3A : i32
    %convert_element_type3A_215 = arith.extui %gt3A_214 : i1 to i32
    %cond3A_216 = arith.constant 0 : i32
    %cond3A_217 = arith.cmpi ne, %convert_element_type3A_215, %cond3A_216 : i32
    scf.if %cond3A_217 {
      %get3A_226 = arith.constant 0 : index
      %get3A_227 = arith.constant 0 : index
      %get3A_228 = vector.load %arg26[%get3A_226, %get3A_227] : memref<8x128xf32, #tpu.memory_space<vmem>>, vector<8x128xf32>
      %add3A_229 = arith.addf %get3A_228, %reduce_sum3A_199 : vector<8x128xf32>
      %swap3A_230 = arith.constant 0 : index
      %swap3A_231 = arith.constant 0 : index
      %swap3A_232 = vector.load %arg26[%swap3A_230, %swap3A_231] : memref<8x128xf32, #tpu.memory_space<vmem>>, vector<8x128xf32>
      tpu.vector_store %arg26[%swap3A_230, %swap3A_231], %add3A_229 {strides = array<i32>} : memref<8x128xf32, #tpu.memory_space<vmem>>, vector<8x128xf32>,
      %get3A_233 = arith.constant 0 : index
      %get3A_234 = arith.constant 0 : index
      %get3A_235 = vector.load %arg27[%get3A_233, %get3A_234] : memref<8x128xf32, #tpu.memory_space<vmem>>, vector<8x128xf32>
      %add3A_236 = arith.addf %get3A_235, %reduce_sum3A_209 : vector<8x128xf32>
      %swap3A_237 = arith.constant 0 : index
      %swap3A_238 = arith.constant 0 : index
      %swap3A_239 = vector.load %arg27[%swap3A_237, %swap3A_238] : memref<8x128xf32, #tpu.memory_space<vmem>>, vector<8x128xf32>
      tpu.vector_store %arg27[%swap3A_237, %swap3A_238], %add3A_236 {strides = array<i32>} : memref<8x128xf32, #tpu.memory_space<vmem>>, vector<8x128xf32>,
    } else {
    }
    %swap3A_218 = arith.constant 0 : index
    %swap3A_219 = arith.constant 0 : index
    %swap3A_220 = vector.load %arg29[%swap3A_218, %swap3A_219] : memref<1x128xf32, #tpu.memory_space<vmem>>, vector<1x128xf32>
    tpu.vector_store %arg29[%swap3A_218, %swap3A_219], %add3A_74 {strides = array<i32>} : memref<1x128xf32, #tpu.memory_space<vmem>>, vector<1x128xf32>,
    %eq3A_221 = arith.constant 9 : i32
    %eq3A_222 = arith.cmpi eq, %arg0, %eq3A_221 : i32
    %convert_element_type3A_223 = arith.extui %eq3A_222 : i1 to i32
    %cond3A_224 = arith.constant 0 : i32
    %cond3A_225 = arith.cmpi ne, %convert_element_type3A_223, %cond3A_224 : i32
    scf.if %cond3A_225 {
      %get3A_226 = arith.constant 0 : index
      %get3A_227 = arith.constant 0 : index
      %get3A_228 = vector.load %arg26[%get3A_226, %get3A_227] : memref<8x128xf32, #tpu.memory_space<vmem>>, vector<8x128xf32>
      %reduce_sum3A_229 = arith.constant dense<0.000000e+00> : vector<128xf32>
      %reduce_sum3A_230 = vector.multi_reduction <add>, %get3A_228, %reduce_sum3A_229 [0] : vector<8x128xf32> to vector<128xf32>
      %broadcast_in_dim3A_231 = vector.shape_cast %reduce_sum3A_230 : vector<128xf32> to vector<1x128xf32>
      %div3A_232 = arith.constant 5.000000e+03 : f32
      %div3A_233 = vector.broadcast %div3A_232 : f32 to vector<1x128xf32>
      %div3A_234 = arith.divf %broadcast_in_dim3A_231, %div3A_233 : vector<1x128xf32>
      %get3A_235 = arith.constant 0 : index
      %get3A_236 = arith.constant 0 : index
      %get3A_237 = vector.load %arg19[%get3A_235, %get3A_236] : memref<128x64xf32, #tpu.memory_space<vmem>>, vector<128x64xf32>
      %dot_general3A_238 = arith.constant dense<0.000000e+00> : vector<1x64xf32>
      %dot_general3A_239 = tpu.matmul %div3A_234, %get3A_237, %dot_general3A_238 {dimension_numbers = #tpu.dot_dimension_numbers<[1], [0], [0], [1], [0, 0, 1, 1], [], []>, transpose_lhs_hint = false} : vector<1x128xf32>, vector<128x64xf32>, vector<1x64xf32> -> vector<1x64xf32>
      %get3A_240 = arith.constant 0 : index
      %get3A_241 = arith.constant 0 : index
      %get3A_242 = vector.load %arg20[%get3A_240, %get3A_241] : memref<1x64xf32, #tpu.memory_space<vmem>>, vector<1x64xf32>
      %add3A_243 = arith.addf %dot_general3A_239, %get3A_242 : vector<1x64xf32>
      %max3A = arith.constant 0.000000e+00 : f32
      %max3A_244 = vector.broadcast %max3A : f32 to vector<1x64xf32>
      %max3A_245 = arith.maximumf %add3A_243, %max3A_244 : vector<1x64xf32>
      %get3A_246 = arith.constant 0 : index
      %get3A_247 = arith.constant 0 : index
      %get3A_248 = vector.load %arg21[%get3A_246, %get3A_247] : memref<64x10xf32, #tpu.memory_space<vmem>>, vector<64x10xf32>
      %dot_general3A_249 = arith.constant dense<0.000000e+00> : vector<1x10xf32>
      %dot_general3A_250 = tpu.matmul %max3A_245, %get3A_248, %dot_general3A_249 {dimension_numbers = #tpu.dot_dimension_numbers<[1], [0], [0], [1], [0, 0, 1, 1], [], []>, transpose_lhs_hint = false} : vector<1x64xf32>, vector<64x10xf32>, vector<1x10xf32> -> vector<1x10xf32>
      %get3A_251 = arith.constant 0 : index
      %get3A_252 = arith.constant 0 : index
      %get3A_253 = vector.load %arg22[%get3A_251, %get3A_252] : memref<1x10xf32, #tpu.memory_space<vmem>>, vector<1x10xf32>
      %add3A_254 = arith.addf %dot_general3A_250, %get3A_253 : vector<1x10xf32>
      %swap3A_255 = arith.constant 0 : index
      %swap3A_256 = arith.constant 0 : index
      %swap3A_257 = vector.load %arg28[%swap3A_255, %swap3A_256] : memref<1x10xf32, #tpu.memory_space<vmem>>, vector<1x10xf32>
      tpu.vector_store %arg28[%swap3A_255, %swap3A_256], %add3A_254 {strides = array<i32>} : memref<1x10xf32, #tpu.memory_space<vmem>>, vector<1x10xf32>,
      %get3A_258 = arith.constant 0 : index
      %get3A_259 = arith.constant 0 : index
      %get3A_260 = vector.load %arg27[%get3A_258, %get3A_259] : memref<8x128xf32, #tpu.memory_space<vmem>>, vector<8x128xf32>
      %reduce_sum3A_261 = vector.shape_cast %get3A_260 : vector<8x128xf32> to vector<1x8x128xf32>
      %reduce_sum3A_262 = arith.constant dense<0.000000e+00> : vector<1xf32>
      %reduce_sum3A_263 = vector.multi_reduction <add>, %reduce_sum3A_261, %reduce_sum3A_262 [1, 2] : vector<1x8x128xf32> to vector<1xf32>
      %reduce_sum3A_264 = vector.shape_cast %reduce_sum3A_263 : vector<1xf32> to vector<1x1x1xf32>
      %reduce_sum3A_265 = vector.extract %reduce_sum3A_264[0, 0, 0] : f32 from vector<1x1x1xf32>
      %reshape3A_266 = vector.broadcast %reduce_sum3A_265 : f32 to vector<1x1xf32>
      %div3A_267 = arith.constant 1.280000e+06 : f32
      %div3A_268 = vector.broadcast %div3A_267 : f32 to vector<1x1xf32>
      %div3A_269 = arith.divf %reshape3A_266, %div3A_268 : vector<1x1xf32>
      %swap3A_270 = arith.constant 0 : index
      %swap3A_271 = arith.constant 0 : index
      %swap3A_272 = vector.load %arg27[%swap3A_270, %swap3A_271] : memref<8x128xf32, #tpu.memory_space<vmem>>, vector<1x1xf32>
      tpu.vector_store %arg27[%swap3A_270, %swap3A_271], %div3A_269 {strides = array<i32>} : memref<8x128xf32, #tpu.memory_space<vmem>>, vector<1x1xf32>,
    } else {
    }
    return
  }
  func.func @transform_0(%arg0: i32) -> (i32, i32) {
    %c0_i32 = arith.constant 0 : i32
    %c0_i32_0 = arith.constant 0 : i32
    return %arg0, %c0_i32 : i32, i32
  }
  func.func @transform_1(%arg0: i32) -> (i32, i32) {
    %c0_i32 = arith.constant 0 : i32
    %c0_i32_0 = arith.constant 0 : i32
    return %c0_i32, %arg0 : i32, i32
  }
  func.func @transform_2(%arg0: i32) -> (i32, i32) {
    %c0_i32 = arith.constant 0 : i32
    %c0_i32_0 = arith.constant 0 : i32
    return %c0_i32, %arg0 : i32, i32
  }
  func.func @transform_3(%arg0: i32) -> (i32, i32) {
    %c0_i32 = arith.constant 0 : i32
    %c0_i32_0 = arith.constant 0 : i32
    %c0_i32_1 = arith.constant 0 : i32
    return %c0_i32, %c0_i32_0 : i32, i32
  }
  func.func @transform_4(%arg0: i32) -> (i32, i32) {
    %c0_i32 = arith.constant 0 : i32
    %c0_i32_0 = arith.constant 0 : i32
    %c0_i32_1 = arith.constant 0 : i32
    return %c0_i32, %c0_i32_0 : i32, i32
  }
  func.func @transform_5(%arg0: i32) -> (i32, i32) {
    %c0_i32 = arith.constant 0 : i32
    %c0_i32_0 = arith.constant 0 : i32
    %c0_i32_1 = arith.constant 0 : i32
    return %c0_i32, %c0_i32_0 : i32, i32
  }
  func.func @transform_6(%arg0: i32) -> (i32, i32) {
    %c0_i32 = arith.constant 0 : i32
    %c0_i32_0 = arith.constant 0 : i32
    %c0_i32_1 = arith.constant 0 : i32
    return %c0_i32, %c0_i32_0 : i32, i32
  }
  func.func @transform_7(%arg0: i32) -> (i32, i32) {
    %c0_i32 = arith.constant 0 : i32
    %c0_i32_0 = arith.constant 0 : i32
    %c0_i32_1 = arith.constant 0 : i32
    return %c0_i32, %c0_i32_0 : i32, i32
  }
  func.func @transform_8(%arg0: i32) -> (i32, i32) {
    %c0_i32 = arith.constant 0 : i32
    %c0_i32_0 = arith.constant 0 : i32
    %c0_i32_1 = arith.constant 0 : i32
    return %c0_i32, %c0_i32_0 : i32, i32
  }
  func.func @transform_9(%arg0: i32) -> (i32, i32) {
    %c0_i32 = arith.constant 0 : i32
    %c0_i32_0 = arith.constant 0 : i32
    %c0_i32_1 = arith.constant 0 : i32
    return %c0_i32, %c0_i32_0 : i32, i32
  }
  func.func @transform_10(%arg0: i32) -> (i32, i32) {
    %c0_i32 = arith.constant 0 : i32
    %c0_i32_0 = arith.constant 0 : i32
    %c0_i32_1 = arith.constant 0 : i32
    return %c0_i32, %c0_i32_0 : i32, i32
  }
  func.func @transform_11(%arg0: i32) -> (i32, i32) {
    %c0_i32 = arith.constant 0 : i32
    %c0_i32_0 = arith.constant 0 : i32
    %c0_i32_1 = arith.constant 0 : i32
    return %c0_i32, %c0_i32_0 : i32, i32
  }
  func.func @transform_12(%arg0: i32) -> (i32, i32) {
    %c0_i32 = arith.constant 0 : i32
    %c0_i32_0 = arith.constant 0 : i32
    %c0_i32_1 = arith.constant 0 : i32
    return %c0_i32, %c0_i32_0 : i32, i32
  }
  func.func @transform_13(%arg0: i32) -> (i32, i32) {
    %c0_i32 = arith.constant 0 : i32
    %c0_i32_0 = arith.constant 0 : i32
    %c0_i32_1 = arith.constant 0 : i32
    return %c0_i32, %c0_i32_0 : i32, i32
  }
  func.func @transform_14(%arg0: i32) -> (i32, i32) {
    %c0_i32 = arith.constant 0 : i32
    %c0_i32_0 = arith.constant 0 : i32
    %c0_i32_1 = arith.constant 0 : i32
    return %c0_i32, %c0_i32_0 : i32, i32
  }
  func.func @transform_15(%arg0: i32) -> (i32, i32) {
    %c0_i32 = arith.constant 0 : i32
    %c0_i32_0 = arith.constant 0 : i32
    %c0_i32_1 = arith.constant 0 : i32
    return %c0_i32, %c0_i32_0 : i32, i32
  }
  func.func @transform_16(%arg0: i32) -> (i32, i32) {
    %c0_i32 = arith.constant 0 : i32
    %c0_i32_0 = arith.constant 0 : i32
    %c0_i32_1 = arith.constant 0 : i32
    return %c0_i32, %c0_i32_0 : i32, i32
  }
  func.func @transform_17(%arg0: i32) -> (i32, i32) {
    %c0_i32 = arith.constant 0 : i32
    %c0_i32_0 = arith.constant 0 : i32
    %c0_i32_1 = arith.constant 0 : i32
    return %c0_i32, %c0_i32_0 : i32, i32
  }
  func.func @transform_18(%arg0: i32) -> (i32, i32) {
    %c0_i32 = arith.constant 0 : i32
    %c0_i32_0 = arith.constant 0 : i32
    %c0_i32_1 = arith.constant 0 : i32
    return %c0_i32, %c0_i32_0 : i32, i32
  }
  func.func @transform_19(%arg0: i32) -> (i32, i32) {
    %c0_i32 = arith.constant 0 : i32
    %c0_i32_0 = arith.constant 0 : i32
    %c0_i32_1 = arith.constant 0 : i32
    return %c0_i32, %c0_i32_0 : i32, i32
  }
  func.func @transform_20(%arg0: i32) -> (i32, i32) {
    %c0_i32 = arith.constant 0 : i32
    %c0_i32_0 = arith.constant 0 : i32
    %c0_i32_1 = arith.constant 0 : i32
    return %c0_i32, %c0_i32_0 : i32, i32
  }
  func.func @transform_21(%arg0: i32) -> (i32, i32) {
    %c0_i32 = arith.constant 0 : i32
    %c0_i32_0 = arith.constant 0 : i32
    %c0_i32_1 = arith.constant 0 : i32
    return %c0_i32, %c0_i32_0 : i32, i32
  }
  func.func @transform_22(%arg0: i32) -> (i32, i32) {
    %c0_i32 = arith.constant 0 : i32
    %c0_i32_0 = arith.constant 0 : i32
    return %arg0, %c0_i32 : i32, i32
  }
  func.func @transform_23(%arg0: i32) -> (i32, i32) {
    %c0_i32 = arith.constant 0 : i32
    %c0_i32_0 = arith.constant 0 : i32
    return %arg0, %c0_i32 : i32, i32
  }
  func.func @transform_24(%arg0: i32) -> (i32, i32) {
    %c0_i32 = arith.constant 0 : i32
    %c0_i32_0 = arith.constant 0 : i32
    return %arg0, %c0_i32 : i32, i32
  }
  func.func @transform_25(%arg0: i32) -> (i32, i32) {
    %c0_i32 = arith.constant 0 : i32
    %c0_i32_0 = arith.constant 0 : i32
    %c0_i32_1 = arith.constant 0 : i32
    return %c0_i32, %c0_i32_0 : i32, i32
  }
  func.func @transform_26(%arg0: i32) -> (i32, i32) {
    %c0_i32 = arith.constant 0 : i32
    %c0_i32_0 = arith.constant 0 : i32
    %c0_i32_1 = arith.constant 0 : i32
    return %c0_i32, %c0_i32_0 : i32, i32
  }
  func.func @transform_27(%arg0: i32) -> (i32, i32) {
    %c0_i32 = arith.constant 0 : i32
    %c0_i32_0 = arith.constant 0 : i32
    %c0_i32_1 = arith.constant 0 : i32
    return %c0_i32, %c0_i32_0 : i32, i32
  }
  func.func @transform_28(%arg0: i32) -> (i32, i32) {
    %c0_i32 = arith.constant 0 : i32
    %c0_i32_0 = arith.constant 0 : i32
    %c0_i32_1 = arith.constant 0 : i32
    return %c0_i32, %c0_i32_0 : i32, i32
  }
}

</mosaic_0001>

<sc_bundles>
// kernel: kernel.11.cloned.1.call-start
scs
__scs_entry_jumppad:
0x0: {  	(pc) =	sbr.rel $0x88, $3  }
0x1: {  	(tag) =	ssettag $0x0;
	lr =	simm.s32 $0x1  }
0x2: {  	[smem:$0x3F84] =	sst lr;
	_ =	strace $0xD0000000  }
0x3: {  	_ = 	snop  }
0x4: {  	_ = 	snop  }
0x5: {  	_ = 	snop  }
0x6: {  	_ = 	snop  }
0x7: {  	_ = 	snop  }
__scs_overlays_trampoline_lowered:
0x8: {  	[smem:$0x3F93] =	sst s0  }
0x9: {  	[smem:$0x3F94] =	sst s1  }
0xa: {  	[smem:$0x3F95] =	sst s2  }
0xb: {  	[smem:$0x3F96] =	sst s3  }
0xc: {  	[smem:$0x3F97] =	sst s4  }
0xd: {  	[smem:$0x3F98] =	sst s5  }
0xe: {  	[smem:$0x3F99] =	sst s6  }
0xf: {  	[smem:$0x3F9A] =	sst s7  }
0x10: {  	[smem:$0x3F9B] =	sst s8  }
0x11: {  	[smem:$0x3F9C] =	sst s9;
	s0 =	simm.s32 @!p0 $0x0  }
0x12: {  	s1 =	sld [smem:$0x3F82];
	s0 =	simm.s32 @p0 $0x1  }
0x13: {  	[smem:$0x3F9D] =	sst s0;
	s0 =	simm.s32 @!p1 $0x0  }
0x14: {  	s2 =	sld [smem:$0x3F81];
	s0 =	simm.s32 @p1 $0x1  }
0x15: {  	[smem:$0x3F9E] =	sst s0;
	s0 =	simm.s32 @!p2 $0x0  }
0x16: {  	s3 =	sld [smem:$0x3FDB];
	s0 =	simm.s32 @p2 $0x1  }
0x17: {  	s4 =	simm.s32 $0x1BF5;
	[smem:$0x3FA0] =	sst s0  }
0x18: {  	s0 =	sld [smem:$0x3F83];
	_ =	swait.ge [sflag:s4], $0x0  }
0x19: {  	s7 =	sld [smem:$0x3F84]  }
0x1a: {  	s8 =	sadd.s32 $0xFFFFE003, lr  }
0x1b: {  	s9 =	sadd.s32 $0xFFFFFEF7, lr;
	s5 =	simm.s32 $0xFFFFFFFF;
	p2 =	slt.u32 s8, $0xFFFFF086  }
0x1c: {  	p1 =	slt.u32 s9, $0xF7A;
	s5 =	simm.s32 @!p2 $0x0  }
0x1d: {  	s5 =	simm.s32 @p1 $0x1;
	p0 =	seq.s32 s7, s2  }
0x1e: {  	s7 =	smul.u32 @!p0 $0xF7A, s2;
	p2 =	seq.s32 @!p0 s5, $0x0  }
0x1f: {  	s9 =	smul.u32 $0xF7A, s1;
	s8 =	simm.s32 @!p0 $0x1BF5;
	p2 =	por !p2, p0  }
0x20: {  	[sflag:s8] =	ssyncset.s32 @!p0 $0xFFFFF086;
	s6 =	sadd.s32 @!p0 s3, s7;
	s7 =	simm.s32 @!p0 $0x108  }
0x21: {  	s3 =	sadd.s32 s3, s9;
	s6 =	sadd.s32 @!p0 $0x88, s6;
	s7 =	simm.s32 @p2 $0x1082  }
0x22: {  	[simem:s7], [sflag:s8] =	dma.local @!p0 [hbm:s6], $0xF7A  }
0x23: {  	s9 =	sor.u32 $0xD0000000, s2;
	s6 =	simm.s32 $0x108;
	_ =	swait.ge @!p0 [sflag:s8], $0x0  }
0x24: {  	s3 =	sadd.s32 $0x88, s3;
	s6 =	simm.s32 @!p1 $0x1082;
	[sflag:s4] =	ssyncset.s32 $0xFFFFF086  }
0x25: {  	[simem:s6], [sflag:s4] =	dma.local [hbm:s3], $0xF7A  }
0x26: {  	[smem:$0x3F84] =	sst s1;
	(tag) =	ssettag s2;
	_ =	strace s9  }
0x27: {  	s1 =	sld [smem:$0x3F94]  }
0x28: {  	s2 =	sld [smem:$0x3F95]  }
0x29: {  	s4 =	sld [smem:$0x3F97]  }
0x2a: {  	p0 =	seq.s32 s5, $0x0;
	s5 =	sld [smem:$0x3F98]  }
0x2b: {  	s6 =	sld [smem:$0x3F99]  }
0x2c: {  	s7 =	sld [smem:$0x3F9A]  }
0x2d: {  	s3 =	simm.s32 $0x108;
	s8 =	sld [smem:$0x3F9B]  }
0x2e: {  	s3 =	simm.s32 @!p0 $0x1082;
	s9 =	sld [smem:$0x3F9C]  }
0x2f: {  	lr =	sadd.s32 s0, s3;
	s0 =	sld [smem:$0x3F93]  }
0x30: {  	s3 =	sld [smem:$0x3F96]  }
0x31: {  	[smem:$0x3F9F] =	sst s10  }
0x32: {  	s10 =	sld [smem:$0x3F9D];
	_ =	sdelay $0x3  }
0x33: {  	p0 =	seq.s32 s10, $0x1;
	s10 =	sld [smem:$0x3F9F];
	_ =	sdelay $0x3  }
0x34: {  	[smem:$0x3F9F] =	sst s10  }
0x35: {  	s10 =	sld [smem:$0x3F9E];
	_ =	sdelay $0x3  }
0x36: {  	p1 =	seq.s32 s10, $0x1;
	s10 =	sld [smem:$0x3F9F];
	_ =	sdelay $0x3  }
0x37: {  	[smem:$0x3F9F] =	sst s10  }
0x38: {  	s10 =	sld [smem:$0x3FA0]  }
0x39: {  	_ = 	snop;
	(pc) =	sbr.ind lr, $3  }
0x3a: {  	_ = 	snop  }
0x3b: {  	_ = 	snop  }
0x3c: {  	p2 =	seq.s32 s10, $0x1;
	s10 =	sld [smem:$0x3F9F]  }
0x3d: {  	_ =	shalt  }
0x3e: {  	_ =	shalt  }
0x3f: {  	_ =	shalt  }
0x40: {  	_ =	shalt  }
0x41: {  	_ =	shalt  }
0x42: {  	_ =	shalt  }
0x43: {  	_ =	shalt  }
0x44: {  	_ =	shalt  }
0x45: {  	_ =	shalt  }
0x46: {  	_ =	shalt  }
0x47: {  	_ =	shalt  }
0x48: {  	_ =	shalt  }
0x49: {  	_ =	shalt  }
0x4a: {  	_ =	shalt  }
0x4b: {  	_ =	shalt  }
0x4c: {  	_ =	shalt  }
0x4d: {  	_ =	shalt  }
0x4e: {  	_ =	shalt  }
0x4f: {  	_ =	shalt  }
0x50: {  	_ =	shalt  }
0x51: {  	_ =	shalt  }
0x52: {  	_ =	shalt  }
0x53: {  	_ =	shalt  }
0x54: {  	_ =	shalt  }
0x55: {  	_ =	shalt  }
0x56: {  	_ =	shalt  }
0x57: {  	_ =	shalt  }
0x58: {  	_ =	shalt  }
0x59: {  	_ =	shalt  }
0x5a: {  	_ =	shalt  }
0x5b: {  	_ =	shalt  }
0x5c: {  	_ =	shalt  }
0x5d: {  	_ =	shalt  }
0x5e: {  	_ =	shalt  }
0x5f: {  	_ =	shalt  }
0x60: {  	_ =	shalt  }
0x61: {  	_ =	shalt  }
0x62: {  	_ =	shalt  }
0x63: {  	_ =	shalt  }
0x64: {  	_ =	shalt  }
0x65: {  	_ =	shalt  }
0x66: {  	_ =	shalt  }
0x67: {  	_ =	shalt  }
0x68: {  	_ =	shalt  }
0x69: {  	_ =	shalt  }
0x6a: {  	_ =	shalt  }
0x6b: {  	_ =	shalt  }
0x6c: {  	_ =	shalt  }
0x6d: {  	_ =	shalt  }
0x6e: {  	_ =	shalt  }
0x6f: {  	_ =	shalt  }
0x70: {  	_ =	shalt  }
0x71: {  	_ =	shalt  }
0x72: {  	_ =	shalt  }
0x73: {  	_ =	shalt  }
0x74: {  	_ =	shalt  }
0x75: {  	_ =	shalt  }
0x76: {  	_ =	shalt  }
0x77: {  	_ =	shalt  }
0x78: {  	_ =	shalt  }
0x79: {  	_ =	shalt  }
0x7a: {  	_ =	shalt  }
0x7b: {  	_ =	shalt  }
0x7c: {  	_ =	shalt  }
0x7d: {  	_ =	shalt  }
0x7e: {  	_ =	shalt  }
0x7f: {  	_ =	shalt  }
0x80: {  	_ =	shalt  }
0x81: {  	_ =	shalt  }
0x82: {  	_ =	shalt  }
0x83: {  	_ =	shalt  }
0x84: {  	_ =	shalt  }
0x85: {  	_ =	shalt  }
0x86: {  	_ =	shalt  }
0x87: {  	_ =	shalt  }
.Lfunc_end0:
.L_simem_size_0:
called_computation.1_lowered:
.L_overlay_start_0:
0x88: {  	s2 =	sld [smem:$0x3FD9]  }
0x89: {  	s3 =	sld [smem:$0x3FFE];
	_ =	sdelay $0x1  }
0x8a: {  	s1 =	srdreg.scid  }
0x8b: {  	s0 =	sand.u32 $0x1, s1  }
0x8c: {  	s14 =	sshll.u32 s0, $0xA;
	s2 =	sadd.s32 s3, s2  }
0x8d: {  	s2 =	sadd.s32 s2, s14  }
0x8e: {  	[smem:$0x3FAB] =	sst s2  }
0x8f: {  	_ = 	snop  }
0x90: {  	s2 =	sld [smem:$0x3FD0];
	_ =	sdelay $0x2  }
0x91: {  	s15 =	simm.s32 $0xA;
	s4 =	simm.s32 $0x10  }
0x92: {  	[smem:s4], [sflag:s15] =	dma.local [hbm:s2], $0x1  }
0x93: {  	_ =	swait.eq [sflag:s15], $0x1  }
0x94: {  	[sflag:s15] =	ssyncset.done $0x0  }
0x95: {  	[sflag:s15] =	ssyncadd.s32 $0xFFFFFFFF  }
0x96: {  	s16 =	sld [smem:$0x13];
	(tm) =	ssettm $0x1  }
0x97: {  	s17 =	sld [smem:$0x3FFB];
	_ =	sdelay $0x3  }
0x98: {  	_ =	strace s17  }
0x99: {  	s3 =	sld [smem:$0x3FFC];
	_ =	sdelay $0x3  }
0x9a: {  	_ =	strace s3  }
0x9b: {  	s3 =	sld [smem:$0x3FFD];
	_ =	sdelay $0x3  }
0x9c: {  	_ =	strace s3  }
0x9d: {  	_ =	strace $0x8FFFFFFF  }
0x9e: {  	s18 =	sld [smem:$0x3FDB];
	_ =	sdelay $0x1  }
0x9f: {  	s19 =	simm.s32 $_scs_section_size  }
0xa0: {  	s5 =	simm.s32 $_size__tile_overlayer_lowered;
	s6 =	simm.s32 $_tile_overlayer_lowered  }
0xa1: {  	s22 =	simm.s32 $0x1BFF;
	s21 =	sshll.u32 s6, $0x1;
	s3 =	sadd.s32 s19, s18  }
0xa2: {  	s7 =	simm.s32 $0x0;
	s20 =	sshll.u32 s5, $0x1;
	s5 =	sadd.s32 s21, s3  }
0xa3: {  	[timem:s7], [sflag:s22] =	dma.local [hbm:s5], s20  }
0xa4: {  	_ =	swait.ge [sflag:s22], s20  }
0xa5: {  	s4 =	ssub.s32 $0x0, s20;
	[sflag:s22] =	ssyncset.done $0x0  }
0xa6: {  	[sflag:s22] =	ssyncadd.s32 s4;
	_ =	sdelay $0x1  }
0xa7: {  	s23 =	simm.s32 $0x1B8B  }
0xa8: {  	_ =	swait.ge [sflag:s23], $0x1  }
0xa9: {  	[sflag:s23] =	ssyncset.done $0x0  }
0xaa: {  	s25 =	simm.s32 $0x1B8E;
	s24 =	sld [smem:$0x3FFE];
	[sflag:s23] =	ssyncadd.s32 $0xFFFFFFFF  }
0xab: {  	s26 =	simm.s32 $execute0_lowered;
	[smem:$0x3FD2] =	sst s25  }
0xac: {  	s5 =	sshll.u32 s26, $0x1;
	_ =	strace $0x80000049;
	[dreg:$0x1] =	wrdreg $0xFFFFFFFF  }
0xad: {  	s28 =	simm.s32 $_size_execute0_lowered;
	s3 =	sadd.s32 s3, s5;
	[dreg:$0x0] =	wrdreg $0x0  }
0xae: {  	s5 =	sshll.u32 s28, $0x1;
	[dreg:$0x2] =	wrdreg s3  }
0xaf: {  	[dreg:$0x3] =	wrdreg s5  }
0xb0: {  	[dreg:$0x4] =	wrdreg $0xC0  }
0xb1: {  	_ =	task [dreg:s7], $0x5FFFF  }
0xb2: {  	[dreg:$0x1] =	wrdreg $0xFFFFFFFF  }
0xb3: {  	[dreg:$0x0] =	wrdreg $0x60  }
0xb4: {  	[dreg:$0x2] =	wrdreg s24  }
0xb5: {  	[dreg:$0x3] =	wrdreg s16  }
0xb6: {  	[dreg:$0x4] =	wrdreg $0x9  }
0xb7: {  	_ =	task.clear_ibuf [dreg:s7], $0x5FFFF;
	_ =	strace $0x90000049  }
0xb8: {  	s29 =	simm.s32 $0x9;
	_ =	strace $0x8000004B  }
0xb9: {  	_ =	swait.ge [sflag:s29], $0x1  }
0xba: {  	[sflag:s29] =	ssyncadd.s32 $0xFFFFFFFF  }
0xbb: {  	_ =	strace $0x9000004B  }
0xbc: {  	_ =	sfence  }
0xbd: {  	s30 =	sld [smem:$0x0];
	_ =	sdelay $0x2  }
0xbe: {  	s31 =	sshll.u32 s1, $0xD;
	s1 =	sshrl.u32 s1, $0x2  }
0xbf: {  	s3 =	sand.u32 $0x4000, s31;
	s1 =	sadd.s32 s1, s30  }
0xc0: {  	s0 =	sor.u32 s3, s0;
	s1 =	sshll.u32 s1, $0x11  }
0xc1: {  	s0 =	sor.u32 s1, s0  }
0xc2: {  	s0 =	sadd.s32 $0x8F2B, s0  }
0xc3: {  	[sflag:s0] =	ssyncadd.remote.s32 $0x1  }
0xc4: {  	_ =	sfence.sel $0xFFFF  }
0xc5: {  	[dreg:$0x0] =	wrdreg $0xFFFFFFFF;
	(pc) =	sbr.abs _section_cstart, $3  }
0xc6: {  	[dreg:$0x1] =	wrdreg $0xFFFFFFFF  }
0xc7: {  	_ =	task.clear_ibuf [dreg:s7], $0x2FFFF;
	_ =	strace $0x9FFFFFFF  }
0xc8: {  	(tm) =	ssettm $0x7FFFFFFF  }
0xc9: {  	_ =	shalt  }
tec
execute0_lowered:
.L_overlay_start_1:
0x0: {  	(tag) =	ssettag $0x1  }
0x1: {  	s1 =	srdreg.scid;
	s0 =	stileid.u32  }
0x2: {  	s29 =	sand.u32 $0x1, s1;
	s30 =	sshll.u32 s0, $0x1  }
0x3: {  	s11 =	rddreg [dreg:$0x0];
	s5 =	sor.u32 s29, s30  }
0x4: {  	s24 =	rddreg [dreg:$0x1];
	s25 =	smul.u32 $0x140, s5  }
0x5: {  	s2 =	simm.s32 $0x0;
	s1 =	rddreg [dreg:$0x2]  }
0x6: {  	[smem:$0x7FF] =	sst s2;
	s3 =	sshrl.u32 s25, $0x3  }
0x7: {  	_ =	strace $0x8000004A;
	s4 =	sadd.s32 s24, s3;
	s3 =	simm.s32 $0x1  }
0x8: {  	[tilespmem:s2], [sflag:$0x1] =	stream.linear.gather [hbm4b:s4+s2], $0x40, $0x38;
	[tilespmem:$0x4400] =	vst v63  }
0x9: {  	s9 =	smul.u32 $0x1400, s5;
	_ =	swait.ge [sflag:s3], $0x40  }
0xa: {  	s26 =	sadd.s32 $0x5200, s11;
	[sflag:s3] =	ssyncset.done $0x0  }
0xb: {  	s6 =	simm.s32 $0x400;
	s5 =	sadd.s32 s26, s9;
	[sflag:s3] =	ssyncadd.s32 $0xFFFFFFC0  }
0xc: {  	[tilespmem:s6], [sflag:$0x1] =	stream.linear.gather [hbm4b:s5+s2], $0x2000, $0x38;
	[tilespmem:$0x4400] =	vst v63  }
0xd: {  	_ =	swait.ge [sflag:s3], $0x2000  }
0xe: {  	[sflag:s3] =	ssyncset.done $0x0  }
0xf: {  	s8 =	simm.s32 $0x40;
	s7 =	sadd.s32 $0x68C00, s11;
	[sflag:s3] =	ssyncadd.s32 $0xFFFFE000  }
0x10: {  	[hbm4b:s7+s8] =	stream.indirect.scatter [tilespmem:s6], [sflag:$0x1], $0x80, s2, s8, $0xb8;
	[tilespmem:$0x4400] =	vst v63  }
0x11: {  	_ =	swait.ge [sflag:s3], $0x2000  }
0x12: {  	s28 =	sadd.s32 $0x2D200, s11;
	[sflag:s3] =	ssyncset.done $0x0  }
0x13: {  	s10 =	simm.s32 $0x2400;
	s9 =	sadd.s32 s28, s9;
	[sflag:s3] =	ssyncadd.s32 $0xFFFFE000  }
0x14: {  	[tilespmem:s10], [sflag:$0x1] =	stream.linear.gather [hbm4b:s9+s2], $0x2000, $0x38;
	[tilespmem:$0x4400] =	vst v63  }
0x15: {  	_ =	swait.ge [sflag:s3], $0x2000  }
0x16: {  	[sflag:s3] =	ssyncset.done $0x0  }
0x17: {  	s11 =	sadd.s32 $0x55200, s11;
	[sflag:s3] =	ssyncadd.s32 $0xFFFFE000  }
0x18: {  	[hbm4b:s11+s8] =	stream.indirect.scatter [tilespmem:s10], [sflag:$0x1], $0x80, s2, s8, $0xb8;
	[tilespmem:$0x4400] =	vst v63  }
0x19: {  	s14 =	sadd.s32 $0x40, s25;
	_ =	swait.ge [sflag:s3], $0x2000  }
0x1a: {  	s12 =	sshrl.u32 s14, $0x3;
	[sflag:s3] =	ssyncset.done $0x0  }
0x1b: {  	s13 =	simm.s32 $0x80;
	s12 =	sadd.s32 s24, s12;
	[sflag:s3] =	ssyncadd.s32 $0xFFFFE000  }
0x1c: {  	[tilespmem:s13], [sflag:$0x1] =	stream.linear.gather [hbm4b:s12+s2], $0x40, $0x38;
	[tilespmem:$0x4400] =	vst v63  }
0x1d: {  	_ =	swait.ge [sflag:s3], $0x40  }
0x1e: {  	s15 =	sshll.u32 s14, $0x4;
	[sflag:s3] =	ssyncset.done $0x0  }
0x1f: {  	s14 =	sadd.s32 s26, s15;
	[sflag:s3] =	ssyncadd.s32 $0xFFFFFFC0  }
0x20: {  	[tilespmem:s6], [sflag:$0x1] =	stream.linear.gather [hbm4b:s14+s2], $0x2000, $0x38;
	[tilespmem:$0x4400] =	vst v63  }
0x21: {  	_ =	swait.ge [sflag:s3], $0x2000  }
0x22: {  	[sflag:s3] =	ssyncset.done $0x0  }
0x23: {  	[sflag:s3] =	ssyncadd.s32 $0xFFFFE000  }
0x24: {  	[hbm4b:s7+s8] =	stream.indirect.scatter [tilespmem:s6], [sflag:$0x1], $0x80, s13, s8, $0xb8;
	[tilespmem:$0x4400] =	vst v63  }
0x25: {  	_ =	swait.ge [sflag:s3], $0x2000  }
0x26: {  	[sflag:s3] =	ssyncset.done $0x0  }
0x27: {  	s15 =	sadd.s32 s28, s15;
	[sflag:s3] =	ssyncadd.s32 $0xFFFFE000  }
0x28: {  	[tilespmem:s10], [sflag:$0x1] =	stream.linear.gather [hbm4b:s15+s2], $0x2000, $0x38;
	[tilespmem:$0x4400] =	vst v63  }
0x29: {  	_ =	swait.ge [sflag:s3], $0x2000  }
0x2a: {  	[sflag:s3] =	ssyncset.done $0x0  }
0x2b: {  	[sflag:s3] =	ssyncadd.s32 $0xFFFFE000  }
0x2c: {  	[hbm4b:s11+s8] =	stream.indirect.scatter [tilespmem:s10], [sflag:$0x1], $0x80, s13, s8, $0xb8;
	[tilespmem:$0x4400] =	vst v63  }
0x2d: {  	s18 =	sadd.s32 $0x80, s25;
	_ =	swait.ge [sflag:s3], $0x2000  }
0x2e: {  	s16 =	sshrl.u32 s18, $0x3;
	[sflag:s3] =	ssyncset.done $0x0  }
0x2f: {  	s17 =	simm.s32 $0x100;
	s16 =	sadd.s32 s24, s16;
	[sflag:s3] =	ssyncadd.s32 $0xFFFFE000  }
0x30: {  	[tilespmem:s17], [sflag:$0x1] =	stream.linear.gather [hbm4b:s16+s2], $0x40, $0x38;
	[tilespmem:$0x4400] =	vst v63  }
0x31: {  	_ =	swait.ge [sflag:s3], $0x40  }
0x32: {  	s19 =	sshll.u32 s18, $0x4;
	[sflag:s3] =	ssyncset.done $0x0  }
0x33: {  	s18 =	sadd.s32 s26, s19;
	[sflag:s3] =	ssyncadd.s32 $0xFFFFFFC0  }
0x34: {  	[tilespmem:s6], [sflag:$0x1] =	stream.linear.gather [hbm4b:s18+s2], $0x2000, $0x38;
	[tilespmem:$0x4400] =	vst v63  }
0x35: {  	_ =	swait.ge [sflag:s3], $0x2000  }
0x36: {  	[sflag:s3] =	ssyncset.done $0x0  }
0x37: {  	[sflag:s3] =	ssyncadd.s32 $0xFFFFE000  }
0x38: {  	[hbm4b:s7+s8] =	stream.indirect.scatter [tilespmem:s6], [sflag:$0x1], $0x80, s17, s8, $0xb8;
	[tilespmem:$0x4400] =	vst v63  }
0x39: {  	_ =	swait.ge [sflag:s3], $0x2000  }
0x3a: {  	[sflag:s3] =	ssyncset.done $0x0  }
0x3b: {  	s19 =	sadd.s32 s28, s19;
	[sflag:s3] =	ssyncadd.s32 $0xFFFFE000  }
0x3c: {  	[tilespmem:s10], [sflag:$0x1] =	stream.linear.gather [hbm4b:s19+s2], $0x2000, $0x38;
	[tilespmem:$0x4400] =	vst v63  }
0x3d: {  	_ =	swait.ge [sflag:s3], $0x2000  }
0x3e: {  	[sflag:s3] =	ssyncset.done $0x0  }
0x3f: {  	[sflag:s3] =	ssyncadd.s32 $0xFFFFE000  }
0x40: {  	[hbm4b:s11+s8] =	stream.indirect.scatter [tilespmem:s10], [sflag:$0x1], $0x80, s17, s8, $0xb8;
	[tilespmem:$0x4400] =	vst v63  }
0x41: {  	s22 =	sadd.s32 $0xC0, s25;
	_ =	swait.ge [sflag:s3], $0x2000  }
0x42: {  	s20 =	sshrl.u32 s22, $0x3;
	[sflag:s3] =	ssyncset.done $0x0  }
0x43: {  	s21 =	simm.s32 $0x180;
	s20 =	sadd.s32 s24, s20;
	[sflag:s3] =	ssyncadd.s32 $0xFFFFE000  }
0x44: {  	[tilespmem:s21], [sflag:$0x1] =	stream.linear.gather [hbm4b:s20+s2], $0x40, $0x38;
	[tilespmem:$0x4400] =	vst v63  }
0x45: {  	_ =	swait.ge [sflag:s3], $0x40  }
0x46: {  	s23 =	sshll.u32 s22, $0x4;
	[sflag:s3] =	ssyncset.done $0x0  }
0x47: {  	s22 =	sadd.s32 s26, s23;
	[sflag:s3] =	ssyncadd.s32 $0xFFFFFFC0  }
0x48: {  	[tilespmem:s6], [sflag:$0x1] =	stream.linear.gather [hbm4b:s22+s2], $0x2000, $0x38;
	[tilespmem:$0x4400] =	vst v63  }
0x49: {  	_ =	swait.ge [sflag:s3], $0x2000  }
0x4a: {  	[sflag:s3] =	ssyncset.done $0x0  }
0x4b: {  	[sflag:s3] =	ssyncadd.s32 $0xFFFFE000  }
0x4c: {  	[hbm4b:s7+s8] =	stream.indirect.scatter [tilespmem:s6], [sflag:$0x1], $0x80, s21, s8, $0xb8;
	[tilespmem:$0x4400] =	vst v63  }
0x4d: {  	_ =	swait.ge [sflag:s3], $0x2000  }
0x4e: {  	[sflag:s3] =	ssyncset.done $0x0  }
0x4f: {  	s23 =	sadd.s32 s28, s23;
	[sflag:s3] =	ssyncadd.s32 $0xFFFFE000  }
0x50: {  	[tilespmem:s10], [sflag:$0x1] =	stream.linear.gather [hbm4b:s23+s2], $0x2000, $0x38;
	[tilespmem:$0x4400] =	vst v63  }
0x51: {  	_ =	swait.ge [sflag:s3], $0x2000  }
0x52: {  	[sflag:s3] =	ssyncset.done $0x0  }
0x53: {  	[sflag:s3] =	ssyncadd.s32 $0xFFFFE000  }
0x54: {  	[hbm4b:s11+s8] =	stream.indirect.scatter [tilespmem:s10], [sflag:$0x1], $0x80, s21, s8, $0xb8;
	[tilespmem:$0x4400] =	vst v63  }
0x55: {  	s30 =	sadd.s32 $0x100, s25;
	_ =	swait.ge [sflag:s3], $0x2000  }
0x56: {  	s25 =	sshrl.u32 s30, $0x3;
	[sflag:s3] =	ssyncset.done $0x0  }
0x57: {  	s24 =	sadd.s32 s24, s25;
	s25 =	simm.s32 $0x200;
	[sflag:s3] =	ssyncadd.s32 $0xFFFFE000  }
0x58: {  	[tilespmem:s25], [sflag:$0x1] =	stream.linear.gather [hbm4b:s24+s2], $0x40, $0x38;
	[tilespmem:$0x4400] =	vst v63  }
0x59: {  	_ =	swait.ge [sflag:s3], $0x40  }
0x5a: {  	s30 =	sshll.u32 s30, $0x4;
	[sflag:s3] =	ssyncset.done $0x0  }
0x5b: {  	s26 =	sadd.s32 s26, s30;
	[sflag:s3] =	ssyncadd.s32 $0xFFFFFFC0  }
0x5c: {  	[tilespmem:s6], [sflag:$0x1] =	stream.linear.gather [hbm4b:s26+s2], $0x2000, $0x38;
	[tilespmem:$0x4400] =	vst v63  }
0x5d: {  	_ =	swait.ge [sflag:s3], $0x2000  }
0x5e: {  	[sflag:s3] =	ssyncset.done $0x0  }
0x5f: {  	s29 =	ssub.s32 $0x2, s29;
	[sflag:s3] =	ssyncadd.s32 $0xFFFFE000  }
0x60: {  	[hbm4b:s7+s8] =	stream.indirect.scatter [tilespmem:s6], [sflag:$0x1], $0x80, s25, s8, $0xb8;
	[tilespmem:$0x4400] =	vst v63  }
0x61: {  	s31 =	sshrl.u32 s29, $0x1;
	_ =	swait.ge [sflag:s3], $0x2000  }
0x62: {  	s29 =	ssub.s32 s29, s31;
	[sflag:s3] =	ssyncset.done $0x0  }
0x63: {  	s29 =	smax.u32 s29, $0x1;
	s28 =	sadd.s32 s28, s30;
	[sflag:s3] =	ssyncadd.s32 $0xFFFFE000  }
0x64: {  	[tilespmem:s10], [sflag:$0x1] =	stream.linear.gather [hbm4b:s28+s2], $0x2000, $0x38;
	[tilespmem:$0x4400] =	vst v63  }
0x65: {  	p0 =	sne.s32 s29, $0x1;
	_ =	swait.ge [sflag:s3], $0x2000  }
.Ltmp0:
0x66: {  	[sflag:s3] =	ssyncset.done $0x0;
	(pc) =	sbr.rel @!p0 .LBB2_2-.Ltmp0, $4  }
0x67: {  	[sflag:s3] =	ssyncadd.s32 $0xFFFFE000  }
0x68: {  	[hbm4b:s11+s8] =	stream.indirect.scatter [tilespmem:s10], [sflag:$0x1], $0x80, s25, s8, $0xb8;
	[tilespmem:$0x4400] =	vst v63  }
0x69: {  	_ =	swait.ge [sflag:s3], $0x2000  }
0x6a: {  	s29 =	sadd.s32 $0xFFFFFFFF, s29;
	[sflag:s3] =	ssyncset.done $0x0  }
.LBB2_1:
0x6b: {  	p0 =	sne.s32 s29, $0x1;
	s29 =	sadd.s32 $0xFFFFFFFF, s29;
	[sflag:s3] =	ssyncadd.s32 $0xFFFFE000  }
0x6c: {  	[tilespmem:s2], [sflag:$0x1] =	stream.linear.gather [hbm4b:s4+s2], $0x40, $0x38;
	[tilespmem:$0x4400] =	vst v63  }
0x6d: {  	_ =	swait.ge [sflag:s3], $0x40  }
0x6e: {  	[sflag:s3] =	ssyncset.done $0x0  }
0x6f: {  	[sflag:s3] =	ssyncadd.s32 $0xFFFFFFC0  }
0x70: {  	[tilespmem:s6], [sflag:$0x1] =	stream.linear.gather [hbm4b:s5+s2], $0x2000, $0x38;
	[tilespmem:$0x4400] =	vst v63  }
0x71: {  	_ =	swait.ge [sflag:s3], $0x2000  }
0x72: {  	[sflag:s3] =	ssyncset.done $0x0  }
0x73: {  	[sflag:s3] =	ssyncadd.s32 $0xFFFFE000  }
0x74: {  	[hbm4b:s7+s8] =	stream.indirect.scatter [tilespmem:s6], [sflag:$0x1], $0x80, s2, s8, $0xb8;
	[tilespmem:$0x4400] =	vst v63  }
0x75: {  	_ =	swait.ge [sflag:s3], $0x2000  }
0x76: {  	[sflag:s3] =	ssyncset.done $0x0  }
0x77: {  	[sflag:s3] =	ssyncadd.s32 $0xFFFFE000  }
0x78: {  	[tilespmem:s10], [sflag:$0x1] =	stream.linear.gather [hbm4b:s9+s2], $0x2000, $0x38;
	[tilespmem:$0x4400] =	vst v63  }
0x79: {  	_ =	swait.ge [sflag:s3], $0x2000  }
0x7a: {  	[sflag:s3] =	ssyncset.done $0x0  }
0x7b: {  	[sflag:s3] =	ssyncadd.s32 $0xFFFFE000  }
0x7c: {  	[hbm4b:s11+s8] =	stream.indirect.scatter [tilespmem:s10], [sflag:$0x1], $0x80, s2, s8, $0xb8;
	[tilespmem:$0x4400] =	vst v63  }
0x7d: {  	_ =	swait.ge [sflag:s3], $0x2000  }
0x7e: {  	[sflag:s3] =	ssyncset.done $0x0  }
0x7f: {  	[sflag:s3] =	ssyncadd.s32 $0xFFFFE000  }
0x80: {  	[tilespmem:s13], [sflag:$0x1] =	stream.linear.gather [hbm4b:s12+s2], $0x40, $0x38;
	[tilespmem:$0x4400] =	vst v63  }
0x81: {  	_ =	swait.ge [sflag:s3], $0x40  }
0x82: {  	[sflag:s3] =	ssyncset.done $0x0  }
0x83: {  	[sflag:s3] =	ssyncadd.s32 $0xFFFFFFC0  }
0x84: {  	[tilespmem:s6], [sflag:$0x1] =	stream.linear.gather [hbm4b:s14+s2], $0x2000, $0x38;
	[tilespmem:$0x4400] =	vst v63  }
0x85: {  	_ =	swait.ge [sflag:s3], $0x2000  }
0x86: {  	[sflag:s3] =	ssyncset.done $0x0  }
0x87: {  	[sflag:s3] =	ssyncadd.s32 $0xFFFFE000  }
0x88: {  	[hbm4b:s7+s8] =	stream.indirect.scatter [tilespmem:s6], [sflag:$0x1], $0x80, s13, s8, $0xb8;
	[tilespmem:$0x4400] =	vst v63  }
0x89: {  	_ =	swait.ge [sflag:s3], $0x2000  }
0x8a: {  	[sflag:s3] =	ssyncset.done $0x0  }
0x8b: {  	[sflag:s3] =	ssyncadd.s32 $0xFFFFE000  }
0x8c: {  	[tilespmem:s10], [sflag:$0x1] =	stream.linear.gather [hbm4b:s15+s2], $0x2000, $0x38;
	[tilespmem:$0x4400] =	vst v63  }
0x8d: {  	_ =	swait.ge [sflag:s3], $0x2000  }
0x8e: {  	[sflag:s3] =	ssyncset.done $0x0  }
0x8f: {  	[sflag:s3] =	ssyncadd.s32 $0xFFFFE000  }
0x90: {  	[hbm4b:s11+s8] =	stream.indirect.scatter [tilespmem:s10], [sflag:$0x1], $0x80, s13, s8, $0xb8;
	[tilespmem:$0x4400] =	vst v63  }
0x91: {  	_ =	swait.ge [sflag:s3], $0x2000  }
0x92: {  	[sflag:s3] =	ssyncset.done $0x0  }
0x93: {  	[sflag:s3] =	ssyncadd.s32 $0xFFFFE000  }
0x94: {  	[tilespmem:s17], [sflag:$0x1] =	stream.linear.gather [hbm4b:s16+s2], $0x40, $0x38;
	[tilespmem:$0x4400] =	vst v63  }
0x95: {  	_ =	swait.ge [sflag:s3], $0x40  }
0x96: {  	[sflag:s3] =	ssyncset.done $0x0  }
0x97: {  	[sflag:s3] =	ssyncadd.s32 $0xFFFFFFC0  }
0x98: {  	[tilespmem:s6], [sflag:$0x1] =	stream.linear.gather [hbm4b:s18+s2], $0x2000, $0x38;
	[tilespmem:$0x4400] =	vst v63  }
0x99: {  	_ =	swait.ge [sflag:s3], $0x2000  }
0x9a: {  	[sflag:s3] =	ssyncset.done $0x0  }
0x9b: {  	[sflag:s3] =	ssyncadd.s32 $0xFFFFE000  }
0x9c: {  	[hbm4b:s7+s8] =	stream.indirect.scatter [tilespmem:s6], [sflag:$0x1], $0x80, s17, s8, $0xb8;
	[tilespmem:$0x4400] =	vst v63  }
0x9d: {  	_ =	swait.ge [sflag:s3], $0x2000  }
0x9e: {  	[sflag:s3] =	ssyncset.done $0x0  }
0x9f: {  	[sflag:s3] =	ssyncadd.s32 $0xFFFFE000  }
0xa0: {  	[tilespmem:s10], [sflag:$0x1] =	stream.linear.gather [hbm4b:s19+s2], $0x2000, $0x38;
	[tilespmem:$0x4400] =	vst v63  }
0xa1: {  	_ =	swait.ge [sflag:s3], $0x2000  }
0xa2: {  	[sflag:s3] =	ssyncset.done $0x0  }
0xa3: {  	[sflag:s3] =	ssyncadd.s32 $0xFFFFE000  }
0xa4: {  	[hbm4b:s11+s8] =	stream.indirect.scatter [tilespmem:s10], [sflag:$0x1], $0x80, s17, s8, $0xb8;
	[tilespmem:$0x4400] =	vst v63  }
0xa5: {  	_ =	swait.ge [sflag:s3], $0x2000  }
0xa6: {  	[sflag:s3] =	ssyncset.done $0x0  }
0xa7: {  	[sflag:s3] =	ssyncadd.s32 $0xFFFFE000  }
0xa8: {  	[tilespmem:s21], [sflag:$0x1] =	stream.linear.gather [hbm4b:s20+s2], $0x40, $0x38;
	[tilespmem:$0x4400] =	vst v63  }
0xa9: {  	_ =	swait.ge [sflag:s3], $0x40  }
0xaa: {  	[sflag:s3] =	ssyncset.done $0x0  }
0xab: {  	[sflag:s3] =	ssyncadd.s32 $0xFFFFFFC0  }
0xac: {  	[tilespmem:s6], [sflag:$0x1] =	stream.linear.gather [hbm4b:s22+s2], $0x2000, $0x38;
	[tilespmem:$0x4400] =	vst v63  }
0xad: {  	_ =	swait.ge [sflag:s3], $0x2000  }
0xae: {  	[sflag:s3] =	ssyncset.done $0x0  }
0xaf: {  	[sflag:s3] =	ssyncadd.s32 $0xFFFFE000  }
0xb0: {  	[hbm4b:s7+s8] =	stream.indirect.scatter [tilespmem:s6], [sflag:$0x1], $0x80, s21, s8, $0xb8;
	[tilespmem:$0x4400] =	vst v63  }
0xb1: {  	_ =	swait.ge [sflag:s3], $0x2000  }
0xb2: {  	[sflag:s3] =	ssyncset.done $0x0  }
0xb3: {  	[sflag:s3] =	ssyncadd.s32 $0xFFFFE000  }
0xb4: {  	[tilespmem:s10], [sflag:$0x1] =	stream.linear.gather [hbm4b:s23+s2], $0x2000, $0x38;
	[tilespmem:$0x4400] =	vst v63  }
0xb5: {  	_ =	swait.ge [sflag:s3], $0x2000  }
0xb6: {  	[sflag:s3] =	ssyncset.done $0x0  }
0xb7: {  	[sflag:s3] =	ssyncadd.s32 $0xFFFFE000  }
0xb8: {  	[hbm4b:s11+s8] =	stream.indirect.scatter [tilespmem:s10], [sflag:$0x1], $0x80, s21, s8, $0xb8;
	[tilespmem:$0x4400] =	vst v63  }
0xb9: {  	_ =	swait.ge [sflag:s3], $0x2000  }
0xba: {  	[sflag:s3] =	ssyncset.done $0x0  }
0xbb: {  	[sflag:s3] =	ssyncadd.s32 $0xFFFFE000  }
0xbc: {  	[tilespmem:s25], [sflag:$0x1] =	stream.linear.gather [hbm4b:s24+s2], $0x40, $0x38;
	[tilespmem:$0x4400] =	vst v63  }
0xbd: {  	_ =	swait.ge [sflag:s3], $0x40  }
0xbe: {  	[sflag:s3] =	ssyncset.done $0x0  }
0xbf: {  	[sflag:s3] =	ssyncadd.s32 $0xFFFFFFC0  }
0xc0: {  	[tilespmem:s6], [sflag:$0x1] =	stream.linear.gather [hbm4b:s26+s2], $0x2000, $0x38;
	[tilespmem:$0x4400] =	vst v63  }
0xc1: {  	_ =	swait.ge [sflag:s3], $0x2000  }
0xc2: {  	[sflag:s3] =	ssyncset.done $0x0  }
0xc3: {  	[sflag:s3] =	ssyncadd.s32 $0xFFFFE000  }
0xc4: {  	[hbm4b:s7+s8] =	stream.indirect.scatter [tilespmem:s6], [sflag:$0x1], $0x80, s25, s8, $0xb8;
	[tilespmem:$0x4400] =	vst v63  }
0xc5: {  	_ =	swait.ge [sflag:s3], $0x2000  }
0xc6: {  	[sflag:s3] =	ssyncset.done $0x0  }
0xc7: {  	[sflag:s3] =	ssyncadd.s32 $0xFFFFE000  }
0xc8: {  	[tilespmem:s10], [sflag:$0x1] =	stream.linear.gather [hbm4b:s28+s2], $0x2000, $0x38;
	[tilespmem:$0x4400] =	vst v63  }
0xc9: {  	_ =	swait.ge [sflag:s3], $0x2000  }
.Ltmp1:
0xca: {  	[sflag:s3] =	ssyncset.done $0x0;
	(pc) =	sbr.rel @p0 .LBB2_1-.Ltmp1, $4  }
0xcb: {  	[sflag:s3] =	ssyncadd.s32 $0xFFFFE000  }
0xcc: {  	[hbm4b:s11+s8] =	stream.indirect.scatter [tilespmem:s10], [sflag:$0x1], $0x80, s25, s8, $0xb8;
	[tilespmem:$0x4400] =	vst v63  }
0xcd: {  	_ =	swait.ge [sflag:s3], $0x2000  }
0xce: {  	[sflag:s3] =	ssyncset.done $0x0  }
.LBB2_2:
0xcf: {  	[sflag:s3] =	ssyncadd.s32 $0xFFFFE000  }
0xd0: {  	_ =	sfence.sel $0x180000  }
0xd1: {  	[bflag:$0x0] =	sbarrier.arrive $0xFFFF  }
0xd2: {  	p0 =	sne.s32 s0, $0x0;
	_ =	strace $0x9000004A  }
0xd3: {  	s0 =	sadd.s32 @!p0 $0x100000, s1;
	[bflag:$0x2] =	sbarrier.arrive $0xFFFF  }
0xd4: {  	[sflag:s0] =	ssyncadd.tile.s32 @!p0 $0x1;
	_ =	shalt  }
.Lfunc_end2:
_tile_overlayer_lowered:
.L_overlay_start_2:
0xd5: {  	(tag) =	ssettag $0x2  }
0xd6: {  	s0 =	rddreg [dreg:$0x0];
	s2 =	stileid.u32  }
0xd7: {  	s1 =	rddreg [dreg:$0x1];
	p0 =	sne.s32 s2, $0x0  }
0xd8: {  	s3 =	rddreg [dreg:$0x2];
	[bflag:$0x3] =	sbarrier.arrive $0xFFFF;
	s2 =	simm.s32 @!p0 $0x1C01  }
0xd9: {  	[timem:s3], [sflag:s2] =	dma.local @!p0 [hbm:s0], s1  }
0xda: {  	s0 =	simm.s32 @!p0 $0x1  }
0xdb: {  	_ =	swait.ge @!p0 [sflag:s0], s1  }
0xdc: {  	s1 =	ssub.s32 @!p0 $0x0, s1;
	[sflag:s0] =	ssyncset.done @!p0 $0x0  }
0xdd: {  	[sflag:s0] =	ssyncadd.s32 @!p0 s1  }
0xde: {  	[bflag:$0x3] =	sbarrier.arrive $0xFFFF  }
0xdf: {  	_ =	shalt  }

// kernel: kernel.8.cloned.1.call-start
scs
__scs_entry_jumppad:
0x0: {  	(pc) =	sbr.rel $0x88, $3  }
0x1: {  	(tag) =	ssettag $0x0;
	lr =	simm.s32 $0x1  }
0x2: {  	[smem:$0x3F84] =	sst lr;
	_ =	strace $0xD0000000  }
0x3: {  	_ = 	snop  }
0x4: {  	_ = 	snop  }
0x5: {  	_ = 	snop  }
0x6: {  	_ = 	snop  }
0x7: {  	_ = 	snop  }
__scs_overlays_trampoline_lowered:
0x8: {  	[smem:$0x3F93] =	sst s0  }
0x9: {  	[smem:$0x3F94] =	sst s1  }
0xa: {  	[smem:$0x3F95] =	sst s2  }
0xb: {  	[smem:$0x3F96] =	sst s3  }
0xc: {  	[smem:$0x3F97] =	sst s4  }
0xd: {  	[smem:$0x3F98] =	sst s5  }
0xe: {  	[smem:$0x3F99] =	sst s6  }
0xf: {  	[smem:$0x3F9A] =	sst s7  }
0x10: {  	[smem:$0x3F9B] =	sst s8  }
0x11: {  	[smem:$0x3F9C] =	sst s9;
	s0 =	simm.s32 @!p0 $0x0  }
0x12: {  	s1 =	sld [smem:$0x3F82];
	s0 =	simm.s32 @p0 $0x1  }
0x13: {  	[smem:$0x3F9D] =	sst s0;
	s0 =	simm.s32 @!p1 $0x0  }
0x14: {  	s2 =	sld [smem:$0x3F81];
	s0 =	simm.s32 @p1 $0x1  }
0x15: {  	[smem:$0x3F9E] =	sst s0;
	s0 =	simm.s32 @!p2 $0x0  }
0x16: {  	s3 =	sld [smem:$0x3FDB];
	s0 =	simm.s32 @p2 $0x1  }
0x17: {  	s4 =	simm.s32 $0x1BF5;
	[smem:$0x3FA0] =	sst s0  }
0x18: {  	s0 =	sld [smem:$0x3F83];
	_ =	swait.ge [sflag:s4], $0x0  }
0x19: {  	s7 =	sld [smem:$0x3F84]  }
0x1a: {  	s8 =	sadd.s32 $0xFFFFE003, lr  }
0x1b: {  	s9 =	sadd.s32 $0xFFFFFEF7, lr;
	s5 =	simm.s32 $0xFFFFFFFF;
	p2 =	slt.u32 s8, $0xFFFFF086  }
0x1c: {  	p1 =	slt.u32 s9, $0xF7A;
	s5 =	simm.s32 @!p2 $0x0  }
0x1d: {  	s5 =	simm.s32 @p1 $0x1;
	p0 =	seq.s32 s7, s2  }
0x1e: {  	s7 =	smul.u32 @!p0 $0xF7A, s2;
	p2 =	seq.s32 @!p0 s5, $0x0  }
0x1f: {  	s9 =	smul.u32 $0xF7A, s1;
	s8 =	simm.s32 @!p0 $0x1BF5;
	p2 =	por !p2, p0  }
0x20: {  	[sflag:s8] =	ssyncset.s32 @!p0 $0xFFFFF086;
	s6 =	sadd.s32 @!p0 s3, s7;
	s7 =	simm.s32 @!p0 $0x108  }
0x21: {  	s3 =	sadd.s32 s3, s9;
	s6 =	sadd.s32 @!p0 $0x88, s6;
	s7 =	simm.s32 @p2 $0x1082  }
0x22: {  	[simem:s7], [sflag:s8] =	dma.local @!p0 [hbm:s6], $0xF7A  }
0x23: {  	s9 =	sor.u32 $0xD0000000, s2;
	s6 =	simm.s32 $0x108;
	_ =	swait.ge @!p0 [sflag:s8], $0x0  }
0x24: {  	s3 =	sadd.s32 $0x88, s3;
	s6 =	simm.s32 @!p1 $0x1082;
	[sflag:s4] =	ssyncset.s32 $0xFFFFF086  }
0x25: {  	[simem:s6], [sflag:s4] =	dma.local [hbm:s3], $0xF7A  }
0x26: {  	[smem:$0x3F84] =	sst s1;
	(tag) =	ssettag s2;
	_ =	strace s9  }
0x27: {  	s1 =	sld [smem:$0x3F94]  }
0x28: {  	s2 =	sld [smem:$0x3F95]  }
0x29: {  	s4 =	sld [smem:$0x3F97]  }
0x2a: {  	p0 =	seq.s32 s5, $0x0;
	s5 =	sld [smem:$0x3F98]  }
0x2b: {  	s6 =	sld [smem:$0x3F99]  }
0x2c: {  	s7 =	sld [smem:$0x3F9A]  }
0x2d: {  	s3 =	simm.s32 $0x108;
	s8 =	sld [smem:$0x3F9B]  }
0x2e: {  	s3 =	simm.s32 @!p0 $0x1082;
	s9 =	sld [smem:$0x3F9C]  }
0x2f: {  	lr =	sadd.s32 s0, s3;
	s0 =	sld [smem:$0x3F93]  }
0x30: {  	s3 =	sld [smem:$0x3F96]  }
0x31: {  	[smem:$0x3F9F] =	sst s10  }
0x32: {  	s10 =	sld [smem:$0x3F9D];
	_ =	sdelay $0x3  }
0x33: {  	p0 =	seq.s32 s10, $0x1;
	s10 =	sld [smem:$0x3F9F];
	_ =	sdelay $0x3  }
0x34: {  	[smem:$0x3F9F] =	sst s10  }
0x35: {  	s10 =	sld [smem:$0x3F9E];
	_ =	sdelay $0x3  }
0x36: {  	p1 =	seq.s32 s10, $0x1;
	s10 =	sld [smem:$0x3F9F];
	_ =	sdelay $0x3  }
0x37: {  	[smem:$0x3F9F] =	sst s10  }
0x38: {  	s10 =	sld [smem:$0x3FA0]  }
0x39: {  	_ = 	snop;
	(pc) =	sbr.ind lr, $3  }
0x3a: {  	_ = 	snop  }
0x3b: {  	_ = 	snop  }
0x3c: {  	p2 =	seq.s32 s10, $0x1;
	s10 =	sld [smem:$0x3F9F]  }
0x3d: {  	_ =	shalt  }
0x3e: {  	_ =	shalt  }
0x3f: {  	_ =	shalt  }
0x40: {  	_ =	shalt  }
0x41: {  	_ =	shalt  }
0x42: {  	_ =	shalt  }
0x43: {  	_ =	shalt  }
0x44: {  	_ =	shalt  }
0x45: {  	_ =	shalt  }
0x46: {  	_ =	shalt  }
0x47: {  	_ =	shalt  }
0x48: {  	_ =	shalt  }
0x49: {  	_ =	shalt  }
0x4a: {  	_ =	shalt  }
0x4b: {  	_ =	shalt  }
0x4c: {  	_ =	shalt  }
0x4d: {  	_ =	shalt  }
0x4e: {  	_ =	shalt  }
0x4f: {  	_ =	shalt  }
0x50: {  	_ =	shalt  }
0x51: {  	_ =	shalt  }
0x52: {  	_ =	shalt  }
0x53: {  	_ =	shalt  }
0x54: {  	_ =	shalt  }
0x55: {  	_ =	shalt  }
0x56: {  	_ =	shalt  }
0x57: {  	_ =	shalt  }
0x58: {  	_ =	shalt  }
0x59: {  	_ =	shalt  }
0x5a: {  	_ =	shalt  }
0x5b: {  	_ =	shalt  }
0x5c: {  	_ =	shalt  }
0x5d: {  	_ =	shalt  }
0x5e: {  	_ =	shalt  }
0x5f: {  	_ =	shalt  }
0x60: {  	_ =	shalt  }
0x61: {  	_ =	shalt  }
0x62: {  	_ =	shalt  }
0x63: {  	_ =	shalt  }
0x64: {  	_ =	shalt  }
0x65: {  	_ =	shalt  }
0x66: {  	_ =	shalt  }
0x67: {  	_ =	shalt  }
0x68: {  	_ =	shalt  }
0x69: {  	_ =	shalt  }
0x6a: {  	_ =	shalt  }
0x6b: {  	_ =	shalt  }
0x6c: {  	_ =	shalt  }
0x6d: {  	_ =	shalt  }
0x6e: {  	_ =	shalt  }
0x6f: {  	_ =	shalt  }
0x70: {  	_ =	shalt  }
0x71: {  	_ =	shalt  }
0x72: {  	_ =	shalt  }
0x73: {  	_ =	shalt  }
0x74: {  	_ =	shalt  }
0x75: {  	_ =	shalt  }
0x76: {  	_ =	shalt  }
0x77: {  	_ =	shalt  }
0x78: {  	_ =	shalt  }
0x79: {  	_ =	shalt  }
0x7a: {  	_ =	shalt  }
0x7b: {  	_ =	shalt  }
0x7c: {  	_ =	shalt  }
0x7d: {  	_ =	shalt  }
0x7e: {  	_ =	shalt  }
0x7f: {  	_ =	shalt  }
0x80: {  	_ =	shalt  }
0x81: {  	_ =	shalt  }
0x82: {  	_ =	shalt  }
0x83: {  	_ =	shalt  }
0x84: {  	_ =	shalt  }
0x85: {  	_ =	shalt  }
0x86: {  	_ =	shalt  }
0x87: {  	_ =	shalt  }
.Lfunc_end0:
.L_simem_size_0:
called_computation_lowered:
.L_overlay_start_0:
0x88: {  	s2 =	sld [smem:$0x3FD9]  }
0x89: {  	s3 =	sld [smem:$0x3FFE];
	_ =	sdelay $0x1  }
0x8a: {  	s1 =	srdreg.scid  }
0x8b: {  	s0 =	sand.u32 $0x1, s1  }
0x8c: {  	s14 =	sshll.u32 s0, $0xA;
	s2 =	sadd.s32 s3, s2  }
0x8d: {  	s2 =	sadd.s32 s2, s14  }
0x8e: {  	[smem:$0x3FAB] =	sst s2  }
0x8f: {  	_ = 	snop  }
0x90: {  	s2 =	sld [smem:$0x3FD0];
	_ =	sdelay $0x2  }
0x91: {  	s15 =	simm.s32 $0xA;
	s4 =	simm.s32 $0x10  }
0x92: {  	[smem:s4], [sflag:s15] =	dma.local [hbm:s2], $0x1  }
0x93: {  	_ =	swait.eq [sflag:s15], $0x1  }
0x94: {  	s16 =	sld [smem:$0x11]  }
0x95: {  	s17 =	sld [smem:$0x12];
	[sflag:s15] =	ssyncset.done $0x0  }
0x96: {  	s5 =	sld [smem:$0x13];
	[sflag:s15] =	ssyncadd.s32 $0xFFFFFFFF  }
0x97: {  	s18 =	sld [smem:$0x14];
	(tm) =	ssettm $0x1  }
0x98: {  	s6 =	sld [smem:$0x3FFB];
	_ =	sdelay $0x3  }
0x99: {  	_ =	strace s6  }
0x9a: {  	s6 =	sld [smem:$0x3FFC];
	_ =	sdelay $0x3  }
0x9b: {  	_ =	strace s6  }
0x9c: {  	s6 =	sld [smem:$0x3FFD];
	_ =	sdelay $0x3  }
0x9d: {  	_ =	strace s6  }
0x9e: {  	_ =	strace $0x8FFFFFFF  }
0x9f: {  	s19 =	sld [smem:$0x3FDB];
	_ =	sdelay $0x1  }
0xa0: {  	s7 =	simm.s32 $_scs_section_size  }
0xa1: {  	s8 =	simm.s32 $_size__tile_overlayer_lowered;
	s9 =	simm.s32 $_tile_overlayer_lowered  }
0xa2: {  	s22 =	simm.s32 $0x1BFF;
	s21 =	sshll.u32 s9, $0x1;
	s6 =	sadd.s32 s7, s19  }
0xa3: {  	s10 =	simm.s32 $0x0;
	s20 =	sshll.u32 s8, $0x1;
	s8 =	sadd.s32 s21, s6  }
0xa4: {  	[timem:s10], [sflag:s22] =	dma.local [hbm:s8], s20  }
0xa5: {  	_ =	swait.ge [sflag:s22], s20  }
0xa6: {  	s7 =	ssub.s32 $0x0, s20;
	[sflag:s22] =	ssyncset.done $0x0  }
0xa7: {  	[sflag:s22] =	ssyncadd.s32 s7;
	_ =	sdelay $0x1  }
0xa8: {  	s23 =	simm.s32 $0x1B8B  }
0xa9: {  	_ =	swait.ge [sflag:s23], $0x1  }
0xaa: {  	[sflag:s23] =	ssyncset.done $0x0  }
0xab: {  	s25 =	simm.s32 $0x1B8E;
	s24 =	sld [smem:$0x3FFE];
	[sflag:s23] =	ssyncadd.s32 $0xFFFFFFFF  }
0xac: {  	s26 =	simm.s32 $execute0_lowered;
	[smem:$0x3FD2] =	sst s25  }
0xad: {  	s8 =	sshll.u32 s26, $0x1;
	_ =	strace $0x80000046;
	[dreg:$0x1] =	wrdreg $0xFFFFFFFF  }
0xae: {  	s28 =	simm.s32 $_size_execute0_lowered;
	s6 =	sadd.s32 s6, s8;
	[dreg:$0x0] =	wrdreg $0x0  }
0xaf: {  	s8 =	sshll.u32 s28, $0x1;
	[dreg:$0x2] =	wrdreg s6  }
0xb0: {  	[dreg:$0x3] =	wrdreg s8  }
0xb1: {  	[dreg:$0x4] =	wrdreg $0xC0  }
0xb2: {  	_ =	task [dreg:s10], $0x5FFFF  }
0xb3: {  	[dreg:$0x1] =	wrdreg $0xFFFFFFFF  }
0xb4: {  	[dreg:$0x0] =	wrdreg $0x60  }
0xb5: {  	[dreg:$0x2] =	wrdreg s24  }
0xb6: {  	[dreg:$0x3] =	wrdreg s5  }
0xb7: {  	[dreg:$0x4] =	wrdreg s17  }
0xb8: {  	[dreg:$0x5] =	wrdreg s16  }
0xb9: {  	[dreg:$0x6] =	wrdreg s18  }
0xba: {  	[dreg:$0x7] =	wrdreg $0x90800  }
0xbb: {  	[dreg:$0x8] =	wrdreg $0x1D0800  }
0xbc: {  	[dreg:$0x9] =	wrdreg $0x9  }
0xbd: {  	_ =	task.clear_ibuf [dreg:s10], $0xAFFFF;
	_ =	strace $0x90000046  }
0xbe: {  	s29 =	simm.s32 $0x9;
	_ =	strace $0x80000048  }
0xbf: {  	_ =	swait.ge [sflag:s29], $0x1  }
0xc0: {  	[sflag:s29] =	ssyncadd.s32 $0xFFFFFFFF  }
0xc1: {  	_ =	strace $0x90000048  }
0xc2: {  	_ =	sfence  }
0xc3: {  	s30 =	sld [smem:$0x0];
	_ =	sdelay $0x2  }
0xc4: {  	s31 =	sshll.u32 s1, $0xD;
	s1 =	sshrl.u32 s1, $0x2  }
0xc5: {  	s3 =	sand.u32 $0x4000, s31;
	s1 =	sadd.s32 s1, s30  }
0xc6: {  	s0 =	sor.u32 s3, s0;
	s1 =	sshll.u32 s1, $0x11  }
0xc7: {  	s0 =	sor.u32 s1, s0  }
0xc8: {  	s0 =	sadd.s32 $0x8F2B, s0  }
0xc9: {  	[sflag:s0] =	ssyncadd.remote.s32 $0x1  }
0xca: {  	_ =	sfence.sel $0xFFFF  }
0xcb: {  	[dreg:$0x0] =	wrdreg $0xFFFFFFFF;
	(pc) =	sbr.abs _section_cstart, $3  }
0xcc: {  	[dreg:$0x1] =	wrdreg $0xFFFFFFFF  }
0xcd: {  	_ =	task.clear_ibuf [dreg:s10], $0x2FFFF;
	_ =	strace $0x9FFFFFFF  }
0xce: {  	(tm) =	ssettm $0x7FFFFFFF  }
0xcf: {  	_ =	shalt  }
tec
execute0_lowered:
.L_overlay_start_1:
0x0: {  	(tag) =	ssettag $0x1  }
0x1: {  	s1 =	rddreg [dreg:$0x0]  }
0x2: {  	s2 =	rddreg [dreg:$0x1]  }
0x3: {  	s12 =	rddreg [dreg:$0x2]  }
0x4: {  	s10 =	rddreg [dreg:$0x4]  }
0x5: {  	s3 =	rddreg [dreg:$0x5]  }
0x6: {  	s5 =	srdreg.scid;
	s4 =	rddreg [dreg:$0x6]  }
0x7: {  	s0 =	stileid.u32;
	s18 =	simm.s32 $0x1000;
	s19 =	simm.s32 $0x1  }
0x8: {  	s20 =	simm.s32 $0x5000;
	s21 =	simm.s32 $0x9000;
	s22 =	simm.s32 $0x2  }
0x9: {  	s23 =	simm.s32 $0x3;
	s24 =	simm.s32 $0x20;
	s8 =	smul.u32 $0x14000, s0  }
0xa: {  	s25 =	simm.s32 $0x10;
	s26 =	simm.s32 $0x0;
	s9 =	smul.u32 $0x50000, s0  }
0xb: {  	s11 =	sand.u32 $0x1, s5;
	s5 =	simm.s32 $0x0;
	s13 =	smul.u32 $0xA00, s0  }
0xc: {  	s6 =	sadd.s32 $0x5200, s1;
	s15 =	smul.u32 $0x500, s0;
	s30 =	sshll.u32 s0, $0x6  }
0xd: {  	s7 =	smul.u32 $0x140000, s11;
	[smem:$0x7FF] =	sst s5;
	s28 =	ssub.s32 $0x2, s11  }
0xe: {  	s29 =	sshll.u32 s11, $0x7;
	s31 =	smul.u32 $0x500, s11;
	_ =	strace $0x80000047  }
0xf: {  	s14 =	sshrl.u32 s28, $0x1;
	s9 =	sshrl.u32 s9, $0x2;
	s17 =	sshrl.u32 s13, $0x2  }
0x10: {  	s15 =	sor.u32 s29, s15;
	s12 =	sadd.s32 s13, s12;
	s2 =	sadd.s32 s13, s2  }
0x11: {  	s8 =	sadd.s32 s8, s7;
	s7 =	sadd.s32 $0x13DA00, s1;
	s14 =	ssub.s32 s28, s14  }
0x12: {  	s16 =	sadd.s32 s9, s3;
	s17 =	sadd.s32 s17, s4;
	s15 =	sshrl.u32 s15, $0x3  }
0x13: {  	s12 =	sadd.s32 s31, s12;
	s13 =	sadd.s32 s31, s2;
	s8 =	sshrl.u32 s8, $0x3  }
0x14: {  	s10 =	sadd.s32 s10, s15;
	s11 =	smax.u32 s14, $0x1;
	s14 =	sshrl.u32 s16, $0x3  }
0x15: {  	s15 =	simm.s32 $0x4;
	s16 =	sshrl.u32 s17, $0x3;
	s1 =	sadd.s32 s8, s1  }
0x16: {  	v0 =	vimm.f32 $1.000000000e+00;
	s17 =	simm.s32 $0x80;
	s8 =	sor.u32 $0x1C04, s30;
	s9 =	sadd.s32 $0x13DC00, s1  }
.LBB2_1:
0x17: {  	[tilespmem:$0x9000] =	vst v0  }
0x18: {  	[tilespmem:$0x9010] =	vst v0  }
0x19: {  	[tilespmem:$0x9020] =	vst v0  }
0x1a: {  	[tilespmem:$0x9030] =	vst v0  }
0x1b: {  	[tilespmem:$0x9040] =	vst v0  }
0x1c: {  	[tilespmem:$0x9050] =	vst v0  }
0x1d: {  	[tilespmem:$0x9060] =	vst v0  }
0x1e: {  	[tilespmem:$0x9070] =	vst v0;
	s0 =	rddreg [dreg:$0x3]  }
0x1f: {  	[spmem:s14], [sflag:s8] =	dma.local [hbm:s0], $0x2800  }
0x20: {  	_ =	swait.ge [sflag:s15], $0x2800  }
0x21: {  	[sflag:s15] =	ssyncset.done $0x0  }
0x22: {  	[sflag:s15] =	ssyncadd.s32 $0xFFFFD800  }
0x23: {  	[spmem:s16], [sflag:s8] =	dma.local [hbm:s7], $0x50  }
0x24: {  	_ =	swait.ge [sflag:s15], $0x50  }
0x25: {  	[sflag:s15] =	ssyncset.done $0x0  }
0x26: {  	[sflag:s15] =	ssyncadd.s32 $0xFFFFFFB0  }
0x27: {  	s1 =	sand.u32 $0x400, s5;
	[bflag:$0x0] =	sbarrier.arrive $0xFFFF  }
0x28: {  	[tilespmem:s1], [sflag:$0x4] =	stream.linear.gather [hbm4b:s13+s5], $0x400, $0x38;
	[tilespmem:$0x1D300] =	vst v63  }
0x29: {  	_ =	swait.ge [sflag:s15], $0x400  }
0x2a: {  	[sflag:s15] =	ssyncset.done $0x0  }
0x2b: {  	s2 =	sor.u32 $0x800, s1;
	[sflag:s15] =	ssyncadd.s32 $0xFFFFFC00  }
0x2c: {  	[tilespmem:s2], [sflag:$0x4] =	stream.linear.gather [hbm4b:s12+s5], $0x400, $0x38;
	[tilespmem:$0x1D300] =	vst v63  }
0x2d: {  	_ =	swait.ge [sflag:s15], $0x400  }
0x2e: {  	[sflag:s15] =	ssyncset.done $0x0  }
0x2f: {  	[sflag:s15] =	ssyncadd.s32 $0xFFFFFC00  }
0x30: {  	[tilespmem:s18], [sflag:$0x1] =	stream.indirect.gather [hbm4b:s6+s17], $0x80, s1, s17, $0xb8;
	[tilespmem:$0x1D300] =	vst v63  }
0x31: {  	_ =	swait.ge [sflag:s19], $0x4000  }
0x32: {  	[sflag:s19] =	ssyncset.done $0x0  }
0x33: {  	s28 =	sor.u32 $0x80, s1;
	[sflag:s19] =	ssyncadd.s32 $0xFFFFC000  }
0x34: {  	[tilespmem:s20], [sflag:$0x1] =	stream.indirect.gather [hbm4b:s6+s17], $0x80, s28, s17, $0xb8;
	[tilespmem:$0x1D300] =	vst v63  }
0x35: {  	_ = 	snop  }
0x36: {  	[spmem:s3] =	stream.indirect.scatter.add.f32 [tilespmem:s18], [sflag:$0x2], $0x80, s2, s17, $0xb8;
	[tilespmem:$0x1D300] =	vst v63  }
0x37: {  	_ = 	snop  }
0x38: {  	[spmem:s4] =	stream.indirect.scatter.add.f32 [tilespmem:s21], [sflag:$0x3], $0x1, s2, s17, $0xb8;
	[tilespmem:$0x1D300] =	vst v63  }
0x39: {  	_ =	swait.ge [sflag:s19], $0x4000  }
0x3a: {  	[sflag:s19] =	ssyncset.done $0x0  }
0x3b: {  	[sflag:s19] =	ssyncadd.s32 $0xFFFFC000  }
0x3c: {  	_ =	swait.ge [sflag:s22], $0x4000  }
0x3d: {  	[sflag:s22] =	ssyncset.done $0x0  }
0x3e: {  	[sflag:s22] =	ssyncadd.s32 $0xFFFFC000  }
0x3f: {  	_ =	swait.ge [sflag:s23], $0x80  }
0x40: {  	[sflag:s23] =	ssyncset.done $0x0  }
0x41: {  	s0 =	sor.u32 $0x100, s1;
	[sflag:s23] =	ssyncadd.s32 $0xFFFFFF80  }
0x42: {  	[tilespmem:s18], [sflag:$0x1] =	stream.indirect.gather [hbm4b:s6+s17], $0x80, s0, s17, $0xb8;
	[tilespmem:$0x1D300] =	vst v63  }
0x43: {  	s0 =	sor.u32 $0x880, s1  }
0x44: {  	[spmem:s3] =	stream.indirect.scatter.add.f32 [tilespmem:s20], [sflag:$0x2], $0x80, s0, s17, $0xb8;
	[tilespmem:$0x1D300] =	vst v63  }
0x45: {  	_ = 	snop  }
0x46: {  	[spmem:s4] =	stream.indirect.scatter.add.f32 [tilespmem:s21], [sflag:$0x3], $0x1, s0, s17, $0xb8;
	[tilespmem:$0x1D300] =	vst v63  }
0x47: {  	_ =	swait.ge [sflag:s19], $0x4000  }
0x48: {  	[sflag:s19] =	ssyncset.done $0x0  }
0x49: {  	[sflag:s19] =	ssyncadd.s32 $0xFFFFC000  }
0x4a: {  	_ =	swait.ge [sflag:s22], $0x4000  }
0x4b: {  	[sflag:s22] =	ssyncset.done $0x0  }
0x4c: {  	[sflag:s22] =	ssyncadd.s32 $0xFFFFC000  }
0x4d: {  	_ =	swait.ge [sflag:s23], $0x80  }
0x4e: {  	[sflag:s23] =	ssyncset.done $0x0  }
0x4f: {  	s0 =	sor.u32 $0x180, s1;
	[sflag:s23] =	ssyncadd.s32 $0xFFFFFF80  }
0x50: {  	[tilespmem:s20], [sflag:$0x1] =	stream.indirect.gather [hbm4b:s6+s17], $0x80, s0, s17, $0xb8;
	[tilespmem:$0x1D300] =	vst v63  }
0x51: {  	s0 =	sor.u32 $0x900, s1  }
0x52: {  	[spmem:s3] =	stream.indirect.scatter.add.f32 [tilespmem:s18], [sflag:$0x2], $0x80, s0, s17, $0xb8;
	[tilespmem:$0x1D300] =	vst v63  }
0x53: {  	_ = 	snop  }
0x54: {  	[spmem:s4] =	stream.indirect.scatter.add.f32 [tilespmem:s21], [sflag:$0x3], $0x1, s0, s17, $0xb8;
	[tilespmem:$0x1D300] =	vst v63  }
0x55: {  	_ =	swait.ge [sflag:s19], $0x4000  }
0x56: {  	[sflag:s19] =	ssyncset.done $0x0  }
0x57: {  	[sflag:s19] =	ssyncadd.s32 $0xFFFFC000  }
0x58: {  	_ =	swait.ge [sflag:s22], $0x4000  }
0x59: {  	[sflag:s22] =	ssyncset.done $0x0  }
0x5a: {  	[sflag:s22] =	ssyncadd.s32 $0xFFFFC000  }
0x5b: {  	_ =	swait.ge [sflag:s23], $0x80  }
0x5c: {  	[sflag:s23] =	ssyncset.done $0x0  }
0x5d: {  	s0 =	sor.u32 $0x200, s1;
	[sflag:s23] =	ssyncadd.s32 $0xFFFFFF80  }
0x5e: {  	[tilespmem:s18], [sflag:$0x1] =	stream.indirect.gather [hbm4b:s6+s17], $0x80, s0, s17, $0xb8;
	[tilespmem:$0x1D300] =	vst v63  }
0x5f: {  	s0 =	sor.u32 $0x980, s1  }
0x60: {  	[spmem:s3] =	stream.indirect.scatter.add.f32 [tilespmem:s20], [sflag:$0x2], $0x80, s0, s17, $0xb8;
	[tilespmem:$0x1D300] =	vst v63  }
0x61: {  	_ = 	snop  }
0x62: {  	[spmem:s4] =	stream.indirect.scatter.add.f32 [tilespmem:s21], [sflag:$0x3], $0x1, s0, s17, $0xb8;
	[tilespmem:$0x1D300] =	vst v63  }
0x63: {  	_ =	swait.ge [sflag:s19], $0x4000  }
0x64: {  	[sflag:s19] =	ssyncset.done $0x0  }
0x65: {  	[sflag:s19] =	ssyncadd.s32 $0xFFFFC000  }
0x66: {  	_ =	swait.ge [sflag:s22], $0x4000  }
0x67: {  	[sflag:s22] =	ssyncset.done $0x0  }
0x68: {  	[sflag:s22] =	ssyncadd.s32 $0xFFFFC000  }
0x69: {  	_ =	swait.ge [sflag:s23], $0x80  }
0x6a: {  	[sflag:s23] =	ssyncset.done $0x0  }
0x6b: {  	s0 =	sor.u32 $0x280, s1;
	[sflag:s23] =	ssyncadd.s32 $0xFFFFFF80  }
0x6c: {  	[tilespmem:s20], [sflag:$0x1] =	stream.indirect.gather [hbm4b:s6+s17], $0x80, s0, s17, $0xb8;
	[tilespmem:$0x1D300] =	vst v63  }
0x6d: {  	s0 =	sor.u32 $0xA00, s1  }
0x6e: {  	[spmem:s3] =	stream.indirect.scatter.add.f32 [tilespmem:s18], [sflag:$0x2], $0x80, s0, s17, $0xb8;
	[tilespmem:$0x1D300] =	vst v63  }
0x6f: {  	_ = 	snop  }
0x70: {  	[spmem:s4] =	stream.indirect.scatter.add.f32 [tilespmem:s21], [sflag:$0x3], $0x1, s0, s17, $0xb8;
	[tilespmem:$0x1D300] =	vst v63  }
0x71: {  	_ =	swait.ge [sflag:s19], $0x4000  }
0x72: {  	[sflag:s19] =	ssyncset.done $0x0  }
0x73: {  	[sflag:s19] =	ssyncadd.s32 $0xFFFFC000  }
0x74: {  	_ =	swait.ge [sflag:s22], $0x4000  }
0x75: {  	[sflag:s22] =	ssyncset.done $0x0  }
0x76: {  	[sflag:s22] =	ssyncadd.s32 $0xFFFFC000  }
0x77: {  	_ =	swait.ge [sflag:s23], $0x80  }
0x78: {  	[sflag:s23] =	ssyncset.done $0x0  }
0x79: {  	s0 =	sor.u32 $0x300, s1;
	[sflag:s23] =	ssyncadd.s32 $0xFFFFFF80  }
0x7a: {  	[tilespmem:s18], [sflag:$0x1] =	stream.indirect.gather [hbm4b:s6+s17], $0x80, s0, s17, $0xb8;
	[tilespmem:$0x1D300] =	vst v63  }
0x7b: {  	s0 =	sor.u32 $0xA80, s1  }
0x7c: {  	[spmem:s3] =	stream.indirect.scatter.add.f32 [tilespmem:s20], [sflag:$0x2], $0x80, s0, s17, $0xb8;
	[tilespmem:$0x1D300] =	vst v63  }
0x7d: {  	_ = 	snop  }
0x7e: {  	[spmem:s4] =	stream.indirect.scatter.add.f32 [tilespmem:s21], [sflag:$0x3], $0x1, s0, s17, $0xb8;
	[tilespmem:$0x1D300] =	vst v63  }
0x7f: {  	_ =	swait.ge [sflag:s19], $0x4000  }
0x80: {  	[sflag:s19] =	ssyncset.done $0x0  }
0x81: {  	[sflag:s19] =	ssyncadd.s32 $0xFFFFC000  }
0x82: {  	_ =	swait.ge [sflag:s22], $0x4000  }
0x83: {  	[sflag:s22] =	ssyncset.done $0x0  }
0x84: {  	[sflag:s22] =	ssyncadd.s32 $0xFFFFC000  }
0x85: {  	_ =	swait.ge [sflag:s23], $0x80  }
0x86: {  	[sflag:s23] =	ssyncset.done $0x0  }
0x87: {  	s0 =	sor.u32 $0x380, s1;
	[sflag:s23] =	ssyncadd.s32 $0xFFFFFF80  }
0x88: {  	[tilespmem:s20], [sflag:$0x1] =	stream.indirect.gather [hbm4b:s6+s17], $0x80, s0, s17, $0xb8;
	[tilespmem:$0x1D300] =	vst v63  }
0x89: {  	s0 =	sor.u32 $0xB00, s1  }
0x8a: {  	[spmem:s3] =	stream.indirect.scatter.add.f32 [tilespmem:s18], [sflag:$0x2], $0x80, s0, s17, $0xb8;
	[tilespmem:$0x1D300] =	vst v63  }
0x8b: {  	_ = 	snop  }
0x8c: {  	[spmem:s4] =	stream.indirect.scatter.add.f32 [tilespmem:s21], [sflag:$0x3], $0x1, s0, s17, $0xb8;
	[tilespmem:$0x1D300] =	vst v63  }
0x8d: {  	_ =	swait.ge [sflag:s19], $0x4000  }
0x8e: {  	[sflag:s19] =	ssyncset.done $0x0  }
0x8f: {  	[sflag:s19] =	ssyncadd.s32 $0xFFFFC000  }
0x90: {  	_ =	swait.ge [sflag:s22], $0x4000  }
0x91: {  	[sflag:s22] =	ssyncset.done $0x0  }
0x92: {  	[sflag:s22] =	ssyncadd.s32 $0xFFFFC000  }
0x93: {  	_ =	swait.ge [sflag:s23], $0x80  }
0x94: {  	[sflag:s23] =	ssyncset.done $0x0  }
0x95: {  	s1 =	sor.u32 $0xB80, s1;
	[sflag:s23] =	ssyncadd.s32 $0xFFFFFF80  }
0x96: {  	[spmem:s3] =	stream.indirect.scatter.add.f32 [tilespmem:s20], [sflag:$0x2], $0x80, s1, s17, $0xb8;
	[tilespmem:$0x1D300] =	vst v63  }
0x97: {  	_ = 	snop  }
0x98: {  	[spmem:s4] =	stream.indirect.scatter.add.f32 [tilespmem:s21], [sflag:$0x3], $0x1, s1, s17, $0xb8;
	[tilespmem:$0x1D300] =	vst v63  }
0x99: {  	_ =	swait.ge [sflag:s22], $0x4000  }
0x9a: {  	[sflag:s22] =	ssyncset.done $0x0  }
0x9b: {  	[sflag:s22] =	ssyncadd.s32 $0xFFFFC000  }
0x9c: {  	s29 =	simm.s32 $0x400;
	s31 =	simm.s32 $0x800;
	_ =	swait.ge [sflag:s23], $0x80  }
0x9d: {  	s30 =	sadd.s32 $0x80, s13;
	s28 =	sadd.s32 $0x80, s12;
	[sflag:s23] =	ssyncset.done $0x0  }
.LBB2_2:
0x9e: {  	s1 =	sand.u32 $0x400, s29  }
0x9f: {  	[sflag:s23] =	ssyncadd.s32 $0xFFFFFF80;
	s29 =	smov.u32 s31;
	s2 =	sadd.s32 $0x400, s31  }
0xa0: {  	[tilespmem:s1], [sflag:$0x4] =	stream.linear.gather [hbm4b:s30+s5], $0x400, $0x38;
	[tilespmem:$0x1D300] =	vst v63  }
0xa1: {  	p0 =	sne.s32 s31, $0x2400;
	_ =	swait.ge [sflag:s15], $0x400  }
0xa2: {  	[sflag:s15] =	ssyncset.done $0x0  }
0xa3: {  	s31 =	sor.u32 $0x800, s1;
	[sflag:s15] =	ssyncadd.s32 $0xFFFFFC00  }
0xa4: {  	[tilespmem:s31], [sflag:$0x4] =	stream.linear.gather [hbm4b:s28+s5], $0x400, $0x38;
	[tilespmem:$0x1D300] =	vst v63  }
0xa5: {  	_ =	swait.ge [sflag:s15], $0x400  }
0xa6: {  	[sflag:s15] =	ssyncset.done $0x0  }
0xa7: {  	[sflag:s15] =	ssyncadd.s32 $0xFFFFFC00  }
0xa8: {  	[tilespmem:s18], [sflag:$0x1] =	stream.indirect.gather [hbm4b:s6+s17], $0x80, s1, s17, $0xb8;
	[tilespmem:$0x1D300] =	vst v63  }
0xa9: {  	_ =	swait.ge [sflag:s19], $0x4000  }
0xaa: {  	[sflag:s19] =	ssyncset.done $0x0  }
0xab: {  	s0 =	sor.u32 $0x80, s1;
	[sflag:s19] =	ssyncadd.s32 $0xFFFFC000  }
0xac: {  	[tilespmem:s20], [sflag:$0x1] =	stream.indirect.gather [hbm4b:s6+s17], $0x80, s0, s17, $0xb8;
	[tilespmem:$0x1D300] =	vst v63  }
0xad: {  	_ = 	snop  }
0xae: {  	[spmem:s3] =	stream.indirect.scatter.add.f32 [tilespmem:s18], [sflag:$0x2], $0x80, s31, s17, $0xb8;
	[tilespmem:$0x1D300] =	vst v63  }
0xaf: {  	_ = 	snop  }
0xb0: {  	[spmem:s4] =	stream.indirect.scatter.add.f32 [tilespmem:s21], [sflag:$0x3], $0x1, s31, s17, $0xb8;
	[tilespmem:$0x1D300] =	vst v63  }
0xb1: {  	_ =	swait.ge [sflag:s19], $0x4000  }
0xb2: {  	[sflag:s19] =	ssyncset.done $0x0  }
0xb3: {  	[sflag:s19] =	ssyncadd.s32 $0xFFFFC000  }
0xb4: {  	_ =	swait.ge [sflag:s22], $0x4000  }
0xb5: {  	[sflag:s22] =	ssyncset.done $0x0  }
0xb6: {  	[sflag:s22] =	ssyncadd.s32 $0xFFFFC000  }
0xb7: {  	_ =	swait.ge [sflag:s23], $0x80  }
0xb8: {  	[sflag:s23] =	ssyncset.done $0x0  }
0xb9: {  	s0 =	sor.u32 $0x100, s1;
	[sflag:s23] =	ssyncadd.s32 $0xFFFFFF80  }
0xba: {  	[tilespmem:s18], [sflag:$0x1] =	stream.indirect.gather [hbm4b:s6+s17], $0x80, s0, s17, $0xb8;
	[tilespmem:$0x1D300] =	vst v63  }
0xbb: {  	s0 =	sor.u32 $0x880, s1  }
0xbc: {  	[spmem:s3] =	stream.indirect.scatter.add.f32 [tilespmem:s20], [sflag:$0x2], $0x80, s0, s17, $0xb8;
	[tilespmem:$0x1D300] =	vst v63  }
0xbd: {  	_ = 	snop  }
0xbe: {  	[spmem:s4] =	stream.indirect.scatter.add.f32 [tilespmem:s21], [sflag:$0x3], $0x1, s0, s17, $0xb8;
	[tilespmem:$0x1D300] =	vst v63  }
0xbf: {  	_ =	swait.ge [sflag:s19], $0x4000  }
0xc0: {  	[sflag:s19] =	ssyncset.done $0x0  }
0xc1: {  	[sflag:s19] =	ssyncadd.s32 $0xFFFFC000  }
0xc2: {  	_ =	swait.ge [sflag:s22], $0x4000  }
0xc3: {  	[sflag:s22] =	ssyncset.done $0x0  }
0xc4: {  	[sflag:s22] =	ssyncadd.s32 $0xFFFFC000  }
0xc5: {  	_ =	swait.ge [sflag:s23], $0x80  }
0xc6: {  	[sflag:s23] =	ssyncset.done $0x0  }
0xc7: {  	s0 =	sor.u32 $0x180, s1;
	[sflag:s23] =	ssyncadd.s32 $0xFFFFFF80  }
0xc8: {  	[tilespmem:s20], [sflag:$0x1] =	stream.indirect.gather [hbm4b:s6+s17], $0x80, s0, s17, $0xb8;
	[tilespmem:$0x1D300] =	vst v63  }
0xc9: {  	s0 =	sor.u32 $0x900, s1  }
0xca: {  	[spmem:s3] =	stream.indirect.scatter.add.f32 [tilespmem:s18], [sflag:$0x2], $0x80, s0, s17, $0xb8;
	[tilespmem:$0x1D300] =	vst v63  }
0xcb: {  	_ = 	snop  }
0xcc: {  	[spmem:s4] =	stream.indirect.scatter.add.f32 [tilespmem:s21], [sflag:$0x3], $0x1, s0, s17, $0xb8;
	[tilespmem:$0x1D300] =	vst v63  }
0xcd: {  	_ =	swait.ge [sflag:s19], $0x4000  }
0xce: {  	[sflag:s19] =	ssyncset.done $0x0  }
0xcf: {  	[sflag:s19] =	ssyncadd.s32 $0xFFFFC000  }
0xd0: {  	_ =	swait.ge [sflag:s22], $0x4000  }
0xd1: {  	[sflag:s22] =	ssyncset.done $0x0  }
0xd2: {  	[sflag:s22] =	ssyncadd.s32 $0xFFFFC000  }
0xd3: {  	_ =	swait.ge [sflag:s23], $0x80  }
0xd4: {  	[sflag:s23] =	ssyncset.done $0x0  }
0xd5: {  	s0 =	sor.u32 $0x200, s1;
	[sflag:s23] =	ssyncadd.s32 $0xFFFFFF80  }
0xd6: {  	[tilespmem:s18], [sflag:$0x1] =	stream.indirect.gather [hbm4b:s6+s17], $0x80, s0, s17, $0xb8;
	[tilespmem:$0x1D300] =	vst v63  }
0xd7: {  	s0 =	sor.u32 $0x980, s1  }
0xd8: {  	[spmem:s3] =	stream.indirect.scatter.add.f32 [tilespmem:s20], [sflag:$0x2], $0x80, s0, s17, $0xb8;
	[tilespmem:$0x1D300] =	vst v63  }
0xd9: {  	_ = 	snop  }
0xda: {  	[spmem:s4] =	stream.indirect.scatter.add.f32 [tilespmem:s21], [sflag:$0x3], $0x1, s0, s17, $0xb8;
	[tilespmem:$0x1D300] =	vst v63  }
0xdb: {  	_ =	swait.ge [sflag:s19], $0x4000  }
0xdc: {  	[sflag:s19] =	ssyncset.done $0x0  }
0xdd: {  	[sflag:s19] =	ssyncadd.s32 $0xFFFFC000  }
0xde: {  	_ =	swait.ge [sflag:s22], $0x4000  }
0xdf: {  	[sflag:s22] =	ssyncset.done $0x0  }
0xe0: {  	[sflag:s22] =	ssyncadd.s32 $0xFFFFC000  }
0xe1: {  	_ =	swait.ge [sflag:s23], $0x80  }
0xe2: {  	[sflag:s23] =	ssyncset.done $0x0  }
0xe3: {  	s0 =	sor.u32 $0x280, s1;
	[sflag:s23] =	ssyncadd.s32 $0xFFFFFF80  }
0xe4: {  	[tilespmem:s20], [sflag:$0x1] =	stream.indirect.gather [hbm4b:s6+s17], $0x80, s0, s17, $0xb8;
	[tilespmem:$0x1D300] =	vst v63  }
0xe5: {  	s0 =	sor.u32 $0xA00, s1  }
0xe6: {  	[spmem:s3] =	stream.indirect.scatter.add.f32 [tilespmem:s18], [sflag:$0x2], $0x80, s0, s17, $0xb8;
	[tilespmem:$0x1D300] =	vst v63  }
0xe7: {  	_ = 	snop  }
0xe8: {  	[spmem:s4] =	stream.indirect.scatter.add.f32 [tilespmem:s21], [sflag:$0x3], $0x1, s0, s17, $0xb8;
	[tilespmem:$0x1D300] =	vst v63  }
0xe9: {  	_ =	swait.ge [sflag:s19], $0x4000  }
0xea: {  	[sflag:s19] =	ssyncset.done $0x0  }
0xeb: {  	[sflag:s19] =	ssyncadd.s32 $0xFFFFC000  }
0xec: {  	_ =	swait.ge [sflag:s22], $0x4000  }
0xed: {  	[sflag:s22] =	ssyncset.done $0x0  }
0xee: {  	[sflag:s22] =	ssyncadd.s32 $0xFFFFC000  }
0xef: {  	_ =	swait.ge [sflag:s23], $0x80  }
0xf0: {  	[sflag:s23] =	ssyncset.done $0x0  }
0xf1: {  	s0 =	sor.u32 $0x300, s1;
	[sflag:s23] =	ssyncadd.s32 $0xFFFFFF80  }
0xf2: {  	[tilespmem:s18], [sflag:$0x1] =	stream.indirect.gather [hbm4b:s6+s17], $0x80, s0, s17, $0xb8;
	[tilespmem:$0x1D300] =	vst v63  }
0xf3: {  	s0 =	sor.u32 $0xA80, s1  }
0xf4: {  	[spmem:s3] =	stream.indirect.scatter.add.f32 [tilespmem:s20], [sflag:$0x2], $0x80, s0, s17, $0xb8;
	[tilespmem:$0x1D300] =	vst v63  }
0xf5: {  	_ = 	snop  }
0xf6: {  	[spmem:s4] =	stream.indirect.scatter.add.f32 [tilespmem:s21], [sflag:$0x3], $0x1, s0, s17, $0xb8;
	[tilespmem:$0x1D300] =	vst v63  }
0xf7: {  	_ =	swait.ge [sflag:s19], $0x4000  }
0xf8: {  	[sflag:s19] =	ssyncset.done $0x0  }
0xf9: {  	[sflag:s19] =	ssyncadd.s32 $0xFFFFC000  }
0xfa: {  	_ =	swait.ge [sflag:s22], $0x4000  }
0xfb: {  	[sflag:s22] =	ssyncset.done $0x0  }
0xfc: {  	[sflag:s22] =	ssyncadd.s32 $0xFFFFC000  }
0xfd: {  	_ =	swait.ge [sflag:s23], $0x80  }
0xfe: {  	[sflag:s23] =	ssyncset.done $0x0  }
0xff: {  	s0 =	sor.u32 $0x380, s1;
	[sflag:s23] =	ssyncadd.s32 $0xFFFFFF80  }
0x100: {  	[tilespmem:s20], [sflag:$0x1] =	stream.indirect.gather [hbm4b:s6+s17], $0x80, s0, s17, $0xb8;
	[tilespmem:$0x1D300] =	vst v63  }
0x101: {  	s0 =	sor.u32 $0xB00, s1  }
0x102: {  	[spmem:s3] =	stream.indirect.scatter.add.f32 [tilespmem:s18], [sflag:$0x2], $0x80, s0, s17, $0xb8;
	[tilespmem:$0x1D300] =	vst v63  }
0x103: {  	_ = 	snop  }
0x104: {  	[spmem:s4] =	stream.indirect.scatter.add.f32 [tilespmem:s21], [sflag:$0x3], $0x1, s0, s17, $0xb8;
	[tilespmem:$0x1D300] =	vst v63  }
0x105: {  	_ =	swait.ge [sflag:s19], $0x4000  }
0x106: {  	[sflag:s19] =	ssyncset.done $0x0  }
0x107: {  	[sflag:s19] =	ssyncadd.s32 $0xFFFFC000  }
0x108: {  	_ =	swait.ge [sflag:s22], $0x4000  }
0x109: {  	[sflag:s22] =	ssyncset.done $0x0  }
0x10a: {  	[sflag:s22] =	ssyncadd.s32 $0xFFFFC000  }
0x10b: {  	_ =	swait.ge [sflag:s23], $0x80  }
0x10c: {  	[sflag:s23] =	ssyncset.done $0x0  }
0x10d: {  	s0 =	sor.u32 $0xB80, s1;
	[sflag:s23] =	ssyncadd.s32 $0xFFFFFF80  }
0x10e: {  	[spmem:s3] =	stream.indirect.scatter.add.f32 [tilespmem:s20], [sflag:$0x2], $0x80, s0, s17, $0xb8;
	[tilespmem:$0x1D300] =	vst v63  }
0x10f: {  	_ = 	snop  }
0x110: {  	[spmem:s4] =	stream.indirect.scatter.add.f32 [tilespmem:s21], [sflag:$0x3], $0x1, s0, s17, $0xb8;
	[tilespmem:$0x1D300] =	vst v63  }
.Ltmp0:
0x111: {  	_ =	swait.ge [sflag:s22], $0x4000;
	(pc) =	sbr.rel @p0 .LBB2_2-.Ltmp0, $4  }
0x112: {  	[sflag:s22] =	ssyncset.done $0x0  }
0x113: {  	[sflag:s22] =	ssyncadd.s32 $0xFFFFC000  }
0x114: {  	s30 =	sadd.s32 $0x80, s30;
	_ =	swait.ge [sflag:s23], $0x80  }
0x115: {  	s28 =	sadd.s32 $0x80, s28;
	s31 =	smov.u32 s2;
	[sflag:s23] =	ssyncset.done $0x0  }
0x116: {  	s1 =	sand.u32 $0x400, s29;
	[sflag:s23] =	ssyncadd.s32 $0xFFFFFF80  }
0x117: {  	[tilespmem:s1], [sflag:$0x4] =	stream.linear.gather [hbm4b:s30+s5], $0x400, $0x38;
	[tilespmem:$0x1D300] =	vst v63  }
0x118: {  	_ =	swait.ge [sflag:s15], $0x400  }
0x119: {  	[sflag:s15] =	ssyncset.done $0x0  }
0x11a: {  	s0 =	sor.u32 $0x800, s1;
	[sflag:s15] =	ssyncadd.s32 $0xFFFFFC00  }
0x11b: {  	[tilespmem:s0], [sflag:$0x4] =	stream.linear.gather [hbm4b:s28+s5], $0x400, $0x38;
	[tilespmem:$0x1D300] =	vst v63  }
0x11c: {  	_ =	swait.ge [sflag:s15], $0x400  }
0x11d: {  	[sflag:s15] =	ssyncset.done $0x0  }
0x11e: {  	[sflag:s15] =	ssyncadd.s32 $0xFFFFFC00  }
0x11f: {  	[tilespmem:s18], [sflag:$0x1] =	stream.indirect.gather [hbm4b:s6+s17], $0x80, s1, s17, $0xb8;
	[tilespmem:$0x1D300] =	vst v63  }
0x120: {  	_ =	swait.ge [sflag:s19], $0x4000  }
0x121: {  	[sflag:s19] =	ssyncset.done $0x0  }
0x122: {  	s2 =	sor.u32 $0x80, s1;
	[sflag:s19] =	ssyncadd.s32 $0xFFFFC000  }
0x123: {  	[tilespmem:s20], [sflag:$0x1] =	stream.indirect.gather [hbm4b:s6+s17], $0x80, s2, s17, $0xb8;
	[tilespmem:$0x1D300] =	vst v63  }
0x124: {  	_ = 	snop  }
0x125: {  	[spmem:s3] =	stream.indirect.scatter.add.f32 [tilespmem:s18], [sflag:$0x2], $0x80, s0, s17, $0xb8;
	[tilespmem:$0x1D300] =	vst v63  }
0x126: {  	_ = 	snop  }
0x127: {  	[spmem:s4] =	stream.indirect.scatter.add.f32 [tilespmem:s21], [sflag:$0x3], $0x1, s0, s17, $0xb8;
	[tilespmem:$0x1D300] =	vst v63  }
0x128: {  	_ =	swait.ge [sflag:s19], $0x4000  }
0x129: {  	[sflag:s19] =	ssyncset.done $0x0  }
0x12a: {  	[sflag:s19] =	ssyncadd.s32 $0xFFFFC000  }
0x12b: {  	_ =	swait.ge [sflag:s22], $0x4000  }
0x12c: {  	[sflag:s22] =	ssyncset.done $0x0  }
0x12d: {  	[sflag:s22] =	ssyncadd.s32 $0xFFFFC000  }
0x12e: {  	_ =	swait.ge [sflag:s23], $0x80  }
0x12f: {  	[sflag:s23] =	ssyncset.done $0x0  }
0x130: {  	s29 =	sor.u32 $0x100, s1;
	[sflag:s23] =	ssyncadd.s32 $0xFFFFFF80  }
0x131: {  	[tilespmem:s18], [sflag:$0x1] =	stream.indirect.gather [hbm4b:s6+s17], $0x80, s29, s17, $0xb8;
	[tilespmem:$0x1D300] =	vst v63  }
0x132: {  	s30 =	sor.u32 $0x880, s1  }
0x133: {  	[spmem:s3] =	stream.indirect.scatter.add.f32 [tilespmem:s20], [sflag:$0x2], $0x80, s30, s17, $0xb8;
	[tilespmem:$0x1D300] =	vst v63  }
0x134: {  	_ = 	snop  }
0x135: {  	[spmem:s4] =	stream.indirect.scatter.add.f32 [tilespmem:s21], [sflag:$0x3], $0x1, s30, s17, $0xb8;
	[tilespmem:$0x1D300] =	vst v63  }
0x136: {  	_ =	swait.ge [sflag:s19], $0x4000  }
0x137: {  	[sflag:s19] =	ssyncset.done $0x0  }
0x138: {  	[sflag:s19] =	ssyncadd.s32 $0xFFFFC000  }
0x139: {  	_ =	swait.ge [sflag:s22], $0x4000  }
0x13a: {  	[sflag:s22] =	ssyncset.done $0x0  }
0x13b: {  	[sflag:s22] =	ssyncadd.s32 $0xFFFFC000  }
0x13c: {  	_ =	swait.ge [sflag:s23], $0x80  }
0x13d: {  	[sflag:s23] =	ssyncset.done $0x0  }
0x13e: {  	s31 =	sor.u32 $0x180, s1;
	[sflag:s23] =	ssyncadd.s32 $0xFFFFFF80  }
0x13f: {  	[tilespmem:s20], [sflag:$0x1] =	stream.indirect.gather [hbm4b:s6+s17], $0x80, s31, s17, $0xb8;
	[tilespmem:$0x1D300] =	vst v63  }
0x140: {  	s2 =	sor.u32 $0x900, s1  }
0x141: {  	[spmem:s3] =	stream.indirect.scatter.add.f32 [tilespmem:s18], [sflag:$0x2], $0x80, s2, s17, $0xb8;
	[tilespmem:$0x1D300] =	vst v63  }
0x142: {  	_ = 	snop  }
0x143: {  	[spmem:s4] =	stream.indirect.scatter.add.f32 [tilespmem:s21], [sflag:$0x3], $0x1, s2, s17, $0xb8;
	[tilespmem:$0x1D300] =	vst v63  }
0x144: {  	_ =	swait.ge [sflag:s19], $0x4000  }
0x145: {  	[sflag:s19] =	ssyncset.done $0x0  }
0x146: {  	[sflag:s19] =	ssyncadd.s32 $0xFFFFC000  }
0x147: {  	_ =	swait.ge [sflag:s22], $0x4000  }
0x148: {  	[sflag:s22] =	ssyncset.done $0x0  }
0x149: {  	[sflag:s22] =	ssyncadd.s32 $0xFFFFC000  }
0x14a: {  	_ =	swait.ge [sflag:s23], $0x80  }
0x14b: {  	[sflag:s23] =	ssyncset.done $0x0  }
0x14c: {  	s28 =	sor.u32 $0x200, s1;
	[sflag:s23] =	ssyncadd.s32 $0xFFFFFF80  }
0x14d: {  	[tilespmem:s18], [sflag:$0x1] =	stream.indirect.gather [hbm4b:s6+s17], $0x80, s28, s17, $0xb8;
	[tilespmem:$0x1D300] =	vst v63  }
0x14e: {  	s29 =	sor.u32 $0x980, s1  }
0x14f: {  	[spmem:s3] =	stream.indirect.scatter.add.f32 [tilespmem:s20], [sflag:$0x2], $0x80, s29, s17, $0xb8;
	[tilespmem:$0x1D300] =	vst v63  }
0x150: {  	_ = 	snop  }
0x151: {  	[spmem:s4] =	stream.indirect.scatter.add.f32 [tilespmem:s21], [sflag:$0x3], $0x1, s29, s17, $0xb8;
	[tilespmem:$0x1D300] =	vst v63  }
0x152: {  	_ =	swait.ge [sflag:s19], $0x4000  }
0x153: {  	[sflag:s19] =	ssyncset.done $0x0  }
0x154: {  	[sflag:s19] =	ssyncadd.s32 $0xFFFFC000  }
0x155: {  	_ =	swait.ge [sflag:s22], $0x4000  }
0x156: {  	[sflag:s22] =	ssyncset.done $0x0  }
0x157: {  	[sflag:s22] =	ssyncadd.s32 $0xFFFFC000  }
0x158: {  	_ =	swait.ge [sflag:s23], $0x80  }
0x159: {  	[sflag:s23] =	ssyncset.done $0x0  }
0x15a: {  	s30 =	sor.u32 $0x280, s1;
	[sflag:s23] =	ssyncadd.s32 $0xFFFFFF80  }
0x15b: {  	[tilespmem:s20], [sflag:$0x1] =	stream.indirect.gather [hbm4b:s6+s17], $0x80, s30, s17, $0xb8;
	[tilespmem:$0x1D300] =	vst v63  }
0x15c: {  	s31 =	sor.u32 $0xA00, s1  }
0x15d: {  	[spmem:s3] =	stream.indirect.scatter.add.f32 [tilespmem:s18], [sflag:$0x2], $0x80, s31, s17, $0xb8;
	[tilespmem:$0x1D300] =	vst v63  }
0x15e: {  	_ = 	snop  }
0x15f: {  	[spmem:s4] =	stream.indirect.scatter.add.f32 [tilespmem:s21], [sflag:$0x3], $0x1, s31, s17, $0xb8;
	[tilespmem:$0x1D300] =	vst v63  }
0x160: {  	_ =	swait.ge [sflag:s19], $0x4000  }
0x161: {  	[sflag:s19] =	ssyncset.done $0x0  }
0x162: {  	[sflag:s19] =	ssyncadd.s32 $0xFFFFC000  }
0x163: {  	_ =	swait.ge [sflag:s22], $0x4000  }
0x164: {  	[sflag:s22] =	ssyncset.done $0x0  }
0x165: {  	[sflag:s22] =	ssyncadd.s32 $0xFFFFC000  }
0x166: {  	_ =	swait.ge [sflag:s23], $0x80  }
0x167: {  	[sflag:s23] =	ssyncset.done $0x0  }
0x168: {  	s2 =	sor.u32 $0x300, s1;
	[sflag:s23] =	ssyncadd.s32 $0xFFFFFF80  }
0x169: {  	[tilespmem:s18], [sflag:$0x1] =	stream.indirect.gather [hbm4b:s6+s17], $0x80, s2, s17, $0xb8;
	[tilespmem:$0x1D300] =	vst v63  }
0x16a: {  	s28 =	sor.u32 $0xA80, s1  }
0x16b: {  	[spmem:s3] =	stream.indirect.scatter.add.f32 [tilespmem:s20], [sflag:$0x2], $0x80, s28, s17, $0xb8;
	[tilespmem:$0x1D300] =	vst v63  }
0x16c: {  	_ = 	snop  }
0x16d: {  	[spmem:s4] =	stream.indirect.scatter.add.f32 [tilespmem:s21], [sflag:$0x3], $0x1, s28, s17, $0xb8;
	[tilespmem:$0x1D300] =	vst v63  }
0x16e: {  	_ =	swait.ge [sflag:s19], $0x4000  }
0x16f: {  	[sflag:s19] =	ssyncset.done $0x0  }
0x170: {  	[sflag:s19] =	ssyncadd.s32 $0xFFFFC000  }
0x171: {  	_ =	swait.ge [sflag:s22], $0x4000  }
0x172: {  	[sflag:s22] =	ssyncset.done $0x0  }
0x173: {  	[sflag:s22] =	ssyncadd.s32 $0xFFFFC000  }
0x174: {  	_ =	swait.ge [sflag:s23], $0x80  }
0x175: {  	[sflag:s23] =	ssyncset.done $0x0  }
0x176: {  	s29 =	sor.u32 $0x380, s1;
	[sflag:s23] =	ssyncadd.s32 $0xFFFFFF80  }
0x177: {  	[tilespmem:s20], [sflag:$0x1] =	stream.indirect.gather [hbm4b:s6+s17], $0x80, s29, s17, $0xb8;
	[tilespmem:$0x1D300] =	vst v63  }
0x178: {  	s30 =	sor.u32 $0xB00, s1  }
0x179: {  	[spmem:s3] =	stream.indirect.scatter.add.f32 [tilespmem:s18], [sflag:$0x2], $0x80, s30, s17, $0xb8;
	[tilespmem:$0x1D300] =	vst v63  }
0x17a: {  	_ = 	snop  }
0x17b: {  	[spmem:s4] =	stream.indirect.scatter.add.f32 [tilespmem:s21], [sflag:$0x3], $0x1, s30, s17, $0xb8;
	[tilespmem:$0x1D300] =	vst v63  }
0x17c: {  	_ =	swait.ge [sflag:s19], $0x4000  }
0x17d: {  	[sflag:s19] =	ssyncset.done $0x0  }
0x17e: {  	[sflag:s19] =	ssyncadd.s32 $0xFFFFC000  }
0x17f: {  	_ =	swait.ge [sflag:s22], $0x4000  }
0x180: {  	[sflag:s22] =	ssyncset.done $0x0  }
0x181: {  	[sflag:s22] =	ssyncadd.s32 $0xFFFFC000  }
0x182: {  	_ =	swait.ge [sflag:s23], $0x80  }
0x183: {  	[sflag:s23] =	ssyncset.done $0x0  }
0x184: {  	s31 =	sor.u32 $0xB80, s1;
	[sflag:s23] =	ssyncadd.s32 $0xFFFFFF80  }
0x185: {  	[spmem:s3] =	stream.indirect.scatter.add.f32 [tilespmem:s20], [sflag:$0x2], $0x80, s31, s17, $0xb8;
	[tilespmem:$0x1D300] =	vst v63  }
0x186: {  	_ = 	snop  }
0x187: {  	[spmem:s4] =	stream.indirect.scatter.add.f32 [tilespmem:s21], [sflag:$0x3], $0x1, s31, s17, $0xb8;
	[tilespmem:$0x1D300] =	vst v63  }
0x188: {  	_ =	swait.ge [sflag:s22], $0x4000  }
0x189: {  	[sflag:s22] =	ssyncset.done $0x0  }
0x18a: {  	[sflag:s22] =	ssyncadd.s32 $0xFFFFC000  }
0x18b: {  	_ =	swait.ge [sflag:s23], $0x80  }
0x18c: {  	[sflag:s23] =	ssyncset.done $0x0  }
0x18d: {  	[sflag:s23] =	ssyncadd.s32 $0xFFFFFF80  }
0x18e: {  	[bflag:$0x0] =	sbarrier.arrive $0xFFFF  }
0x18f: {  	[hbm:s9], [sflag:s8] =	dma.local [spmem:s14], $0x2800  }
0x190: {  	s26 =	sadd.s32 $0x1, s26;
	_ =	swait.ge [sflag:s15], $0x2800  }
0x191: {  	p0 =	sne.s32 s26, s11;
	[sflag:s15] =	ssyncset.done $0x0  }
.Ltmp1:
0x192: {  	[sflag:s15] =	ssyncadd.s32 $0xFFFFD800;
	(pc) =	sbr.rel @p0 .LBB2_1-.Ltmp1, $4  }
0x193: {  	[hbm:s10@s24], [sflag:s8] =	dma.strided [spmem:s16@s25], $0x50, s19, $0x10   }
0x194: {  	_ =	swait.ge [sflag:s15], $0x50  }
0x195: {  	[sflag:s15] =	ssyncset.done $0x0  }
0x196: {  	[sflag:s15] =	ssyncadd.s32 $0xFFFFFFB0  }
0x197: {  	_ =	sfence.sel $0x180000  }
0x198: {  	[bflag:$0x0] =	sbarrier.arrive $0xFFFF  }
0x199: {  	_ =	strace $0x90000047  }
0x19a: {  	s0 =	stileid.u32;
	[bflag:$0x2] =	sbarrier.arrive $0xFFFF  }
0x19b: {  	p0 =	sne.s32 s0, $0x0;
	s0 =	rddreg [dreg:$0x7]  }
0x19c: {  	s0 =	sadd.s32 @!p0 $0x100000, s0  }
0x19d: {  	[sflag:s0] =	ssyncadd.tile.s32 @!p0 $0x1;
	_ =	shalt  }
.Lfunc_end2:
_tile_overlayer_lowered:
.L_overlay_start_2:
0x19e: {  	(tag) =	ssettag $0x2  }
0x19f: {  	s0 =	rddreg [dreg:$0x0];
	s2 =	stileid.u32  }
0x1a0: {  	s1 =	rddreg [dreg:$0x1];
	p0 =	sne.s32 s2, $0x0  }
0x1a1: {  	s3 =	rddreg [dreg:$0x2];
	[bflag:$0x3] =	sbarrier.arrive $0xFFFF;
	s2 =	simm.s32 @!p0 $0x1C04  }
0x1a2: {  	[timem:s3], [sflag:s2] =	dma.local @!p0 [hbm:s0], s1  }
0x1a3: {  	s0 =	simm.s32 @!p0 $0x4  }
0x1a4: {  	_ =	swait.ge @!p0 [sflag:s0], s1  }
0x1a5: {  	s1 =	ssub.s32 @!p0 $0x0, s1;
	[sflag:s0] =	ssyncset.done @!p0 $0x0  }
0x1a6: {  	[sflag:s0] =	ssyncadd.s32 @!p0 s1  }
0x1a7: {  	[bflag:$0x3] =	sbarrier.arrive $0xFFFF  }
0x1a8: {  	_ =	shalt  }

</sc_bundles>
